<compile_context>
chip_gen: v7x
topology: tpu7x:2x2x1
jax: 0.10.2.dev20260603
libtpu: 0.0.44.dev20260713+nightly
codegen_flags: <defaults>
</compile_context>

<pallas_src>
import jax
import jax.numpy as jnp
from jax import lax
from jax.experimental import pallas as pl
from jax.experimental.pallas import tpu as pltpu
from jax.experimental.pallas import tpu_sc as plsc

N = 10000
D = 128
E = 160000

NS = 16
C = 80
EPT = E // NS
NBC = EPT // C
RPT = 624


def _agg_body(x_hbm, se0_hbm, de0_hbm, se1_hbm, de1_hbm, m_hbm, deg_hbm,
              acc, degsp, rows0, rows1, sidx0, didx0, sidx1, didx1,
              ones, zdeg, gsem0, gsem1, dsem0, dsem1):
    cid = lax.axis_index("c")
    sid = lax.axis_index("s")

    def _fill_row(i, _):
        for j in range(D // 16):
            rows0[i, pl.ds(j * 16, 16)] = jnp.zeros((16,), jnp.float32)
        return 0
    lax.fori_loop(0, C, _fill_row, 0)

    def _fill_ones(i, _):
        ones[pl.ds(i * 16, 16)] = jnp.ones((16,), jnp.float32)
        return 0
    lax.fori_loop(0, C // 16, _fill_ones, 0)

    def _fill_zdeg(i, _):
        zdeg[pl.ds(i * 16, 16)] = jnp.zeros((16,), jnp.float32)
        return 0
    lax.fori_loop(0, RPT // 16, _fill_zdeg, 0)

    rbase = sid * RPT
    for k in range(RPT // C):
        pltpu.sync_copy(rows0, acc.at[pl.ds(rbase + k * C, C), :])
    rem = RPT % C
    pltpu.sync_copy(rows0.at[pl.ds(0, rem), :],
                    acc.at[pl.ds(rbase + (RPT // C) * C, rem), :])
    pltpu.sync_copy(zdeg, degsp.at[pl.ds(rbase, RPT)])

    @pl.when(sid == NS - 1)
    def _():
        tail = N - NS * RPT
        pltpu.sync_copy(rows0.at[pl.ds(0, tail), :],
                        acc.at[pl.ds(NS * RPT, tail), :])
        pltpu.sync_copy(zdeg.at[pl.ds(0, tail)],
                        degsp.at[pl.ds(NS * RPT, tail)])

    plsc.subcore_barrier()

    ebase = sid * EPT

    def _run(src_hbm, dst_hbm):
        def _fetch(c, sbuf, dbuf):
            off = ebase + c * C
            pltpu.sync_copy(src_hbm.at[pl.ds(off, C)], sbuf)
            pltpu.sync_copy(dst_hbm.at[pl.ds(off, C)], dbuf)

        def _scat(rbuf, dbuf, dsem):
            pltpu.async_copy(ones, degsp.at[dbuf], dsem, add=True)
            pltpu.sync_copy(rbuf, acc.at[dbuf], add=True)
            pltpu.make_async_copy(ones, degsp.at[dbuf], dsem).wait()

        _fetch(0, sidx0, didx0)
        pltpu.async_copy(x_hbm.at[sidx0], rows0, gsem0)

        def _blk(i, _):
            c0 = 2 * i
            _fetch(c0 + 1, sidx1, didx1)
            pltpu.async_copy(x_hbm.at[sidx1], rows1, gsem1)
            pltpu.make_async_copy(x_hbm.at[sidx0], rows0, gsem0).wait()
            _scat(rows0, didx0, dsem0)
            _fetch(c0 + 2, sidx0, didx0)
            pltpu.async_copy(x_hbm.at[sidx0], rows0, gsem0)
            pltpu.make_async_copy(x_hbm.at[sidx1], rows1, gsem1).wait()
            _scat(rows1, didx1, dsem1)
            return 0
        lax.fori_loop(0, NBC // 2, _blk, 0)

        pltpu.make_async_copy(x_hbm.at[sidx0], rows0, gsem0).wait()
        _scat(rows0, didx0, dsem0)

    @pl.when(cid == 0)
    def _():
        _run(se0_hbm, de0_hbm)

    @pl.when(cid == 1)
    def _():
        _run(se1_hbm, de1_hbm)

    plsc.subcore_barrier()

    pltpu.sync_copy(acc.at[pl.ds(rbase, RPT), :],
                    m_hbm.at[cid, pl.ds(rbase, RPT), :])
    pltpu.sync_copy(degsp.at[pl.ds(rbase, RPT)], zdeg)
    pltpu.sync_copy(zdeg, deg_hbm.at[pl.ds(cid * N + rbase, RPT)])

    @pl.when(sid == NS - 1)
    def _():
        tail = N - NS * RPT
        pltpu.sync_copy(acc.at[pl.ds(NS * RPT, tail), :],
                        m_hbm.at[cid, pl.ds(NS * RPT, tail), :])
        pltpu.sync_copy(degsp.at[pl.ds(NS * RPT, tail)],
                        zdeg.at[pl.ds(0, tail)])
        pltpu.sync_copy(zdeg.at[pl.ds(0, tail)],
                        deg_hbm.at[pl.ds(cid * N + NS * RPT, tail)])


_agg = pl.kernel(
    _agg_body,
    out_type=(
        jax.ShapeDtypeStruct((2, N, D), jnp.float32),
        jax.ShapeDtypeStruct((2 * N,), jnp.float32),
    ),
    mesh=plsc.VectorSubcoreMesh(core_axis_name="c", subcore_axis_name="s"),
    scratch_types=(
        pltpu.VMEM_SHARED((N, D), jnp.float32),
        pltpu.VMEM_SHARED((N,), jnp.float32),
        pltpu.VMEM((C, D), jnp.float32),
        pltpu.VMEM((C, D), jnp.float32),
        pltpu.VMEM((C,), jnp.int32),
        pltpu.VMEM((C,), jnp.int32),
        pltpu.VMEM((C,), jnp.int32),
        pltpu.VMEM((C,), jnp.int32),
        pltpu.VMEM((C,), jnp.float32),
        pltpu.VMEM((RPT,), jnp.float32),
        pltpu.SemaphoreType.DMA,
        pltpu.SemaphoreType.DMA,
        pltpu.SemaphoreType.DMA,
        pltpu.SemaphoreType.DMA,
    ),
)

BR = 1000


def _dense0_body(m0, m1, d0, d1, w0, w1, b0, b1, o):
    a0 = m0[...] * (1.0 / jnp.maximum(d0[...], 1.0))
    a1 = m1[...] * (1.0 / jnp.maximum(d1[...], 1.0))
    h = (jnp.dot(a0, w0[...], preferred_element_type=jnp.float32)
         + jnp.dot(a1, w1[...], preferred_element_type=jnp.float32))
    o[...] = jnp.maximum(h + b0[...] + b1[...], 0.0)


def _dense1_body(m0, m1, d0, d1, h0, w0, w1, ws, b0, b1, bs, o):
    a0 = m0[...] * (1.0 / jnp.maximum(d0[...], 1.0))
    a1 = m1[...] * (1.0 / jnp.maximum(d1[...], 1.0))
    h = (jnp.dot(a0, w0[...], preferred_element_type=jnp.float32)
         + jnp.dot(a1, w1[...], preferred_element_type=jnp.float32)
         + jnp.dot(h0[...], ws[...], preferred_element_type=jnp.float32))
    o[...] = h + b0[...] + b1[...] + bs[...]


def _row_spec():
    return pl.BlockSpec((BR, D), lambda i: (i, 0))


def _deg_spec():
    return pl.BlockSpec((BR, 1), lambda i: (i, 0))


def _mat_spec():
    return pl.BlockSpec((D, D), lambda i: (0, 0))


def _bias_spec():
    return pl.BlockSpec((1, D), lambda i: (0, 0))


_dense0 = pl.pallas_call(
    _dense0_body,
    grid=(N // BR,),
    in_specs=[_row_spec(), _row_spec(), _deg_spec(), _deg_spec(),
              _mat_spec(), _mat_spec(), _bias_spec(), _bias_spec()],
    out_specs=_row_spec(),
    out_shape=jax.ShapeDtypeStruct((N, D), jnp.float32),
)

_dense1 = pl.pallas_call(
    _dense1_body,
    grid=(N // BR,),
    in_specs=[_row_spec(), _row_spec(), _deg_spec(), _deg_spec(),
              _row_spec(), _mat_spec(), _mat_spec(), _mat_spec(),
              _bias_spec(), _bias_spec(), _bias_spec()],
    out_specs=_row_spec(),
    out_shape=jax.ShapeDtypeStruct((N, D), jnp.float32),
)


@jax.jit
def kernel(x, src_l0_e0, dst_l0_e0, src_l0_e1, dst_l0_e1,
           src_l1_e0, dst_l1_e0, src_l1_e1, dst_l1_e1,
           W_l0_e0, b_l0_e0, W_l0_e1, b_l0_e1,
           W_l1_e0, b_l1_e0, W_l1_e1, b_l1_e1,
           W_self, b_self):
    m0, deg0 = _agg(x, src_l0_e0, dst_l0_e0, src_l0_e1, dst_l0_e1)
    h0 = _dense0(m0[0], m0[1],
                 deg0[:N].reshape(N, 1), deg0[N:].reshape(N, 1),
                 W_l0_e0, W_l0_e1,
                 b_l0_e0.reshape(1, D), b_l0_e1.reshape(1, D))

    m1, deg1 = _agg(h0, src_l1_e0, dst_l1_e0, src_l1_e1, dst_l1_e1)
    out = _dense1(m1[0], m1[1],
                  deg1[:N].reshape(N, 1), deg1[N:].reshape(N, 1),
                  h0, W_l1_e0, W_l1_e1, W_self,
                  b_l1_e0.reshape(1, D), b_l1_e1.reshape(1, D),
                  b_self.reshape(1, D))
    return out

# --- scband reference (transcript-rebuilt; emitter-appended) ---
"""Pipeline reference for scband-rgcn-29145648070962 (READ-ONLY COPY).

The authoritative reference and input builder live on the scoring server;
editing this copy changes nothing except your own understanding.
"""

import jax, jax.numpy as jnp
import numpy as np

N = 10000
D = 128
E = 160000


def setup_inputs(seed: int = 0) -> dict:
    key = jax.random.key(seed)
    ks = jax.random.split(key, 16)
    inp = {}
    inp['x'] = jax.random.normal(ks[0], (N, D), dtype=jnp.float32)
    i = 1
    for l in range(2):
        for e in range(2):
            inp[f'src_l{l}_e{e}'] = jax.random.randint(ks[i], (E,), 0, N, dtype=jnp.int32); i += 1
            inp[f'dst_l{l}_e{e}'] = jax.random.randint(ks[i], (E,), 0, N, dtype=jnp.int32); i += 1
    scale = 1.0 / np.sqrt(D)
    for l in range(2):
        for e in range(2):
            inp[f'W_l{l}_e{e}'] = jax.random.normal(ks[i], (D, D), dtype=jnp.float32) * scale; i += 1
            inp[f'b_l{l}_e{e}'] = jnp.zeros((D,), dtype=jnp.float32)
    inp['W_self'] = jax.random.normal(ks[i], (D, D), dtype=jnp.float32) * scale
    inp['b_self'] = jnp.zeros((D,), dtype=jnp.float32)
    return inp


def _graph_conv_right(h, src, dst, W, b):
    # DGL GraphConv(norm='right'): aggregate src feats to dst, divide by in-degree, then weight+bias
    m = jax.ops.segment_sum(h[src], dst, num_segments=N)
    deg = jax.ops.segment_sum(jnp.ones((src.shape[0],), dtype=h.dtype), dst, num_segments=N)
    deg = jnp.clip(deg, 1.0, None)
    m = m / deg[:, None]
    return m @ W + b


def reference(x,
              src_l0_e0, dst_l0_e0, src_l0_e1, dst_l0_e1,
              src_l1_e0, dst_l1_e0, src_l1_e1, dst_l1_e1,
              W_l0_e0, b_l0_e0, W_l0_e1, b_l0_e1,
              W_l1_e0, b_l1_e0, W_l1_e1, b_l1_e1,
              W_self, b_self):
    # Layer 0: HeteroGraphConv(aggregate='sum') over 2 etypes, then ReLU (dropout p=0.0 -> identity)
    h0 = (_graph_conv_right(x, src_l0_e0, dst_l0_e0, W_l0_e0, b_l0_e0)
          + _graph_conv_right(x, src_l0_e1, dst_l0_e1, W_l0_e1, b_l0_e1))
    h0 = jax.nn.relu(h0)
    input_dst = h0  # input to the last layer, sliced to dst nodes (full-graph block: all nodes are dst)
    # Layer 1 (final)
    h1 = (_graph_conv_right(h0, src_l1_e0, dst_l1_e0, W_l1_e0, b_l1_e0)
          + _graph_conv_right(h0, src_l1_e1, dst_l1_e1, W_l1_e1, b_l1_e1))
    # residual self-loop on predict_category seeds (all N dst nodes)
    out = h1 + (input_dst @ W_self + b_self)
    return out

if __name__ == "__main__":
    import jax
    _d = setup_inputs()
    print(jax.jit(kernel)(*tuple(_d.values())))

</pallas_src>

<mosaic_0001>
#map = affine_map<(d0, d1) -> (0, 0)>
#map1 = affine_map<(d0, d1) -> (0)>
#map2 = affine_map<(d0, d1) -> (0, 0, 0)>
module attributes {stable_mosaic.version = 14 : i64} {
  func.func @_agg_body(%arg0: i32, %arg1: i32, %arg2: memref<10000x128xf32, #tpu.memory_space<hbm>>, %arg3: memref<160000xi32, #tpu.memory_space<hbm>>, %arg4: memref<160000xi32, #tpu.memory_space<hbm>>, %arg5: memref<160000xi32, #tpu.memory_space<hbm>>, %arg6: memref<160000xi32, #tpu.memory_space<hbm>>, %arg7: memref<2x10000x128xf32, #tpu.memory_space<hbm>>, %arg8: memref<20000xf32, #tpu.memory_space<hbm>>, %arg9: memref<10000x128xf32, #tpu.memory_space<vmem_shared>>, %arg10: memref<10000xf32, #tpu.memory_space<vmem_shared>>, %arg11: memref<80x128xf32, #tpu.memory_space<vmem>>, %arg12: memref<80x128xf32, #tpu.memory_space<vmem>>, %arg13: memref<80xi32, #tpu.memory_space<vmem>>, %arg14: memref<80xi32, #tpu.memory_space<vmem>>, %arg15: memref<80xi32, #tpu.memory_space<vmem>>, %arg16: memref<80xi32, #tpu.memory_space<vmem>>, %arg17: memref<80xf32, #tpu.memory_space<vmem>>, %arg18: memref<624xf32, #tpu.memory_space<vmem>>, %arg19: memref<!tpu.dma_semaphore, #tpu.memory_space<semaphore_mem>>, %arg20: memref<!tpu.dma_semaphore, #tpu.memory_space<semaphore_mem>>, %arg21: memref<!tpu.dma_semaphore, #tpu.memory_space<semaphore_mem>>, %arg22: memref<!tpu.dma_semaphore, #tpu.memory_space<semaphore_mem>>) attributes {dimension_semantics = [#tpu.dimension_semantics<core_parallel>, #tpu.dimension_semantics<subcore_parallel>], iteration_bounds = array<i64: 2, 16>, scalar_prefetch = 0 : i64, scratch_operands = 14 : i64, tpu.core_type = #tpu.core_type<sc_vector_subcore>, window_params = [{transform_indices = #map}, {transform_indices = #map1}, {transform_indices = #map1}, {transform_indices = #map1}, {transform_indices = #map1}, {transform_indices = #map2}, {transform_indices = #map1}]} {
    %scan3A = arith.constant 0 : i32
    %scan3A_0 = arith.constant 0 : i32
    %scan3A_1 = arith.constant 80 : i32
    %scan3A_2 = arith.addi %scan3A_0, %scan3A_1 : i32
    %scan3A_3 = arith.constant 1 : i32
    %scan3A_4 = scf.for %scan3A_59 = %scan3A_0 to %scan3A_2 step %scan3A_3 iter_args(%scan3A_60 = %scan3A) -> (i32)  : i32 {
      %broadcast_in_dim3A = arith.constant 0.000000e+00 : f32
      %broadcast_in_dim3A_61 = vector.broadcast %broadcast_in_dim3A : f32 to vector<16xf32>
      %swap3A = arith.index_cast %scan3A_59 : i32 to index
      %swap3A_62 = arith.constant 0 : index
      %swap3A_63 = tpu.vector_load %arg11[%swap3A, %swap3A_62] {strides = array<i32>} : memref<80x128xf32, #tpu.memory_space<vmem>>, vector<1x16xf32>,
      %swap3A_64 = vector.shape_cast %swap3A_63 : vector<1x16xf32> to vector<16xf32>
      %swap3A_65 = vector.shape_cast %broadcast_in_dim3A_61 : vector<16xf32> to vector<1x16xf32>
      tpu.vector_store %arg11[%swap3A, %swap3A_62], %swap3A_65 {strides = array<i32>} : memref<80x128xf32, #tpu.memory_space<vmem>>, vector<1x16xf32>,
      %broadcast_in_dim3A_66 = arith.constant 0.000000e+00 : f32
      %broadcast_in_dim3A_67 = vector.broadcast %broadcast_in_dim3A_66 : f32 to vector<16xf32>
      %swap3A_68 = arith.index_cast %scan3A_59 : i32 to index
      %swap3A_69 = arith.constant 16 : index
      %swap3A_70 = tpu.vector_load %arg11[%swap3A_68, %swap3A_69] {strides = array<i32>} : memref<80x128xf32, #tpu.memory_space<vmem>>, vector<1x16xf32>,
      %swap3A_71 = vector.shape_cast %swap3A_70 : vector<1x16xf32> to vector<16xf32>
      %swap3A_72 = vector.shape_cast %broadcast_in_dim3A_67 : vector<16xf32> to vector<1x16xf32>
      tpu.vector_store %arg11[%swap3A_68, %swap3A_69], %swap3A_72 {strides = array<i32>} : memref<80x128xf32, #tpu.memory_space<vmem>>, vector<1x16xf32>,
      %broadcast_in_dim3A_73 = arith.constant 0.000000e+00 : f32
      %broadcast_in_dim3A_74 = vector.broadcast %broadcast_in_dim3A_73 : f32 to vector<16xf32>
      %swap3A_75 = arith.index_cast %scan3A_59 : i32 to index
      %swap3A_76 = arith.constant 32 : index
      %swap3A_77 = tpu.vector_load %arg11[%swap3A_75, %swap3A_76] {strides = array<i32>} : memref<80x128xf32, #tpu.memory_space<vmem>>, vector<1x16xf32>,
      %swap3A_78 = vector.shape_cast %swap3A_77 : vector<1x16xf32> to vector<16xf32>
      %swap3A_79 = vector.shape_cast %broadcast_in_dim3A_74 : vector<16xf32> to vector<1x16xf32>
      tpu.vector_store %arg11[%swap3A_75, %swap3A_76], %swap3A_79 {strides = array<i32>} : memref<80x128xf32, #tpu.memory_space<vmem>>, vector<1x16xf32>,
      %broadcast_in_dim3A_80 = arith.constant 0.000000e+00 : f32
      %broadcast_in_dim3A_81 = vector.broadcast %broadcast_in_dim3A_80 : f32 to vector<16xf32>
      %swap3A_82 = arith.index_cast %scan3A_59 : i32 to index
      %swap3A_83 = arith.constant 48 : index
      %swap3A_84 = tpu.vector_load %arg11[%swap3A_82, %swap3A_83] {strides = array<i32>} : memref<80x128xf32, #tpu.memory_space<vmem>>, vector<1x16xf32>,
      %swap3A_85 = vector.shape_cast %swap3A_84 : vector<1x16xf32> to vector<16xf32>
      %swap3A_86 = vector.shape_cast %broadcast_in_dim3A_81 : vector<16xf32> to vector<1x16xf32>
      tpu.vector_store %arg11[%swap3A_82, %swap3A_83], %swap3A_86 {strides = array<i32>} : memref<80x128xf32, #tpu.memory_space<vmem>>, vector<1x16xf32>,
      %broadcast_in_dim3A_87 = arith.constant 0.000000e+00 : f32
      %broadcast_in_dim3A_88 = vector.broadcast %broadcast_in_dim3A_87 : f32 to vector<16xf32>
      %swap3A_89 = arith.index_cast %scan3A_59 : i32 to index
      %swap3A_90 = arith.constant 64 : index
      %swap3A_91 = tpu.vector_load %arg11[%swap3A_89, %swap3A_90] {strides = array<i32>} : memref<80x128xf32, #tpu.memory_space<vmem>>, vector<1x16xf32>,
      %swap3A_92 = vector.shape_cast %swap3A_91 : vector<1x16xf32> to vector<16xf32>
      %swap3A_93 = vector.shape_cast %broadcast_in_dim3A_88 : vector<16xf32> to vector<1x16xf32>
      tpu.vector_store %arg11[%swap3A_89, %swap3A_90], %swap3A_93 {strides = array<i32>} : memref<80x128xf32, #tpu.memory_space<vmem>>, vector<1x16xf32>,
      %broadcast_in_dim3A_94 = arith.constant 0.000000e+00 : f32
      %broadcast_in_dim3A_95 = vector.broadcast %broadcast_in_dim3A_94 : f32 to vector<16xf32>
      %swap3A_96 = arith.index_cast %scan3A_59 : i32 to index
      %swap3A_97 = arith.constant 80 : index
      %swap3A_98 = tpu.vector_load %arg11[%swap3A_96, %swap3A_97] {strides = array<i32>} : memref<80x128xf32, #tpu.memory_space<vmem>>, vector<1x16xf32>,
      %swap3A_99 = vector.shape_cast %swap3A_98 : vector<1x16xf32> to vector<16xf32>
      %swap3A_100 = vector.shape_cast %broadcast_in_dim3A_95 : vector<16xf32> to vector<1x16xf32>
      tpu.vector_store %arg11[%swap3A_96, %swap3A_97], %swap3A_100 {strides = array<i32>} : memref<80x128xf32, #tpu.memory_space<vmem>>, vector<1x16xf32>,
      %broadcast_in_dim3A_101 = arith.constant 0.000000e+00 : f32
      %broadcast_in_dim3A_102 = vector.broadcast %broadcast_in_dim3A_101 : f32 to vector<16xf32>
      %swap3A_103 = arith.index_cast %scan3A_59 : i32 to index
      %swap3A_104 = arith.constant 96 : index
      %swap3A_105 = tpu.vector_load %arg11[%swap3A_103, %swap3A_104] {strides = array<i32>} : memref<80x128xf32, #tpu.memory_space<vmem>>, vector<1x16xf32>,
      %swap3A_106 = vector.shape_cast %swap3A_105 : vector<1x16xf32> to vector<16xf32>
      %swap3A_107 = vector.shape_cast %broadcast_in_dim3A_102 : vector<16xf32> to vector<1x16xf32>
      tpu.vector_store %arg11[%swap3A_103, %swap3A_104], %swap3A_107 {strides = array<i32>} : memref<80x128xf32, #tpu.memory_space<vmem>>, vector<1x16xf32>,
      %broadcast_in_dim3A_108 = arith.constant 0.000000e+00 : f32
      %broadcast_in_dim3A_109 = vector.broadcast %broadcast_in_dim3A_108 : f32 to vector<16xf32>
      %swap3A_110 = arith.index_cast %scan3A_59 : i32 to index
      %swap3A_111 = arith.constant 112 : index
      %swap3A_112 = tpu.vector_load %arg11[%swap3A_110, %swap3A_111] {strides = array<i32>} : memref<80x128xf32, #tpu.memory_space<vmem>>, vector<1x16xf32>,
      %swap3A_113 = vector.shape_cast %swap3A_112 : vector<1x16xf32> to vector<16xf32>
      %swap3A_114 = vector.shape_cast %broadcast_in_dim3A_109 : vector<16xf32> to vector<1x16xf32>
      tpu.vector_store %arg11[%swap3A_110, %swap3A_111], %swap3A_114 {strides = array<i32>} : memref<80x128xf32, #tpu.memory_space<vmem>>, vector<1x16xf32>,
      %scan3A_115 = arith.constant 0 : i32
      scf.yield %scan3A_115 : i32
    }
    %scan3A_5 = arith.constant 80 : i32
    %scan3A_6 = arith.constant 0 : i32
    %scan3A_7 = arith.constant 0 : i32
    %scan3A_8 = arith.constant 5 : i32
    %scan3A_9 = arith.addi %scan3A_7, %scan3A_8 : i32
    %scan3A_10 = arith.constant 1 : i32
    %scan3A_11 = scf.for %scan3A_59 = %scan3A_7 to %scan3A_9 step %scan3A_10 iter_args(%scan3A_60 = %scan3A_6) -> (i32)  : i32 {
      %broadcast_in_dim3A = arith.constant 1.000000e+00 : f32
      %broadcast_in_dim3A_61 = vector.broadcast %broadcast_in_dim3A : f32 to vector<16xf32>
      %mul3A_62 = arith.constant 16 : i32
      %mul3A_63 = arith.muli %scan3A_59, %mul3A_62 : i32
      %swap3A = arith.index_cast %mul3A_63 : i32 to index
      %swap3A_64 = tpu.vector_load %arg17[%swap3A] {strides = array<i32>} : memref<80xf32, #tpu.memory_space<vmem>>, vector<16xf32>,
      %swap3A_65 = vector.shape_cast %swap3A_64 : vector<16xf32> to vector<16xf32>
      %swap3A_66 = vector.shape_cast %broadcast_in_dim3A_61 : vector<16xf32> to vector<16xf32>
      tpu.vector_store %arg17[%swap3A], %swap3A_66 {strides = array<i32>} : memref<80xf32, #tpu.memory_space<vmem>>, vector<16xf32>,
      %scan3A_67 = arith.constant 0 : i32
      scf.yield %scan3A_67 : i32
    }
    %scan3A_12 = arith.constant 5 : i32
    %scan3A_13 = arith.constant 0 : i32
    %scan3A_14 = arith.constant 0 : i32
    %scan3A_15 = arith.constant 39 : i32
    %scan3A_16 = arith.addi %scan3A_14, %scan3A_15 : i32
    %scan3A_17 = arith.constant 1 : i32
    %scan3A_18 = scf.for %scan3A_59 = %scan3A_14 to %scan3A_16 step %scan3A_17 iter_args(%scan3A_60 = %scan3A_13) -> (i32)  : i32 {
      %broadcast_in_dim3A = arith.constant 0.000000e+00 : f32
      %broadcast_in_dim3A_61 = vector.broadcast %broadcast_in_dim3A : f32 to vector<16xf32>
      %mul3A_62 = arith.constant 16 : i32
      %mul3A_63 = arith.muli %scan3A_59, %mul3A_62 : i32
      %swap3A = arith.index_cast %mul3A_63 : i32 to index
      %swap3A_64 = tpu.vector_load %arg18[%swap3A] {strides = array<i32>} : memref<624xf32, #tpu.memory_space<vmem>>, vector<16xf32>,
      %swap3A_65 = vector.shape_cast %swap3A_64 : vector<16xf32> to vector<16xf32>
      %swap3A_66 = vector.shape_cast %broadcast_in_dim3A_61 : vector<16xf32> to vector<16xf32>
      tpu.vector_store %arg18[%swap3A], %swap3A_66 {strides = array<i32>} : memref<624xf32, #tpu.memory_space<vmem>>, vector<16xf32>,
      %scan3A_67 = arith.constant 0 : i32
      scf.yield %scan3A_67 : i32
    }
    %scan3A_19 = arith.constant 39 : i32
    %mul3A = arith.constant 624 : i32
    %mul3A_20 = arith.muli %arg1, %mul3A : i32
    %add3A = arith.constant 0 : i32
    %add3A_21 = arith.addi %mul3A_20, %add3A : i32
    "tpu.region"() ({
      %run_scoped3A = tpu.sem_alloc : memref<!tpu.dma_semaphore, #tpu.memory_space<semaphore_mem>>
      %dma_start3A = arith.constant 0 : i32
      %dma_start3A_59 = tpu.memref_slice %arg9[%add3A_21, %dma_start3A] : memref<10000x128xf32, #tpu.memory_space<vmem_shared>> -> memref<80x128xf32, #tpu.memory_space<vmem_shared>>
      %dma_start3A_60 = arith.constant 0 : i32
      %dma_start3A_61 = tpu.memref_slice %arg9[%add3A_21, %dma_start3A_60] : memref<10000x128xf32, #tpu.memory_space<vmem_shared>> -> memref<80x128xf32, #tpu.memory_space<vmem_shared>>
      tpu.enqueue_dma source(%arg11 : memref<80x128xf32, #tpu.memory_space<vmem>>) target(%dma_start3A_61 : memref<80x128xf32, #tpu.memory_space<vmem_shared>>) target_semaphore(%run_scoped3A : memref<!tpu.dma_semaphore, #tpu.memory_space<semaphore_mem>>)
      %dma_wait3A = arith.constant 0 : i32
      %dma_wait3A_62 = tpu.memref_slice %arg9[%add3A_21, %dma_wait3A] : memref<10000x128xf32, #tpu.memory_space<vmem_shared>> -> memref<80x128xf32, #tpu.memory_space<vmem_shared>>
      %dma_wait3A_63 = arith.constant 0 : i32
      %dma_wait3A_64 = tpu.memref_slice %arg9[%add3A_21, %dma_wait3A_63] : memref<10000x128xf32, #tpu.memory_space<vmem_shared>> -> memref<80x128xf32, #tpu.memory_space<vmem_shared>>
      tpu.wait_dma2 semaphore(%run_scoped3A : memref<!tpu.dma_semaphore, #tpu.memory_space<semaphore_mem>>) src(%arg11 : memref<80x128xf32, #tpu.memory_space<vmem>>) dst(%dma_wait3A_64 : memref<80x128xf32, #tpu.memory_space<vmem_shared>>)
      tpu.yield
    }) : () -> ()
    %add3A_22 = arith.constant 80 : i32
    %add3A_23 = arith.addi %mul3A_20, %add3A_22 : i32
    "tpu.region"() ({
      %run_scoped3A = tpu.sem_alloc : memref<!tpu.dma_semaphore, #tpu.memory_space<semaphore_mem>>
      %dma_start3A = arith.constant 0 : i32
      %dma_start3A_59 = tpu.memref_slice %arg9[%add3A_23, %dma_start3A] : memref<10000x128xf32, #tpu.memory_space<vmem_shared>> -> memref<80x128xf32, #tpu.memory_space<vmem_shared>>
      %dma_start3A_60 = arith.constant 0 : i32
      %dma_start3A_61 = tpu.memref_slice %arg9[%add3A_23, %dma_start3A_60] : memref<10000x128xf32, #tpu.memory_space<vmem_shared>> -> memref<80x128xf32, #tpu.memory_space<vmem_shared>>
      tpu.enqueue_dma source(%arg11 : memref<80x128xf32, #tpu.memory_space<vmem>>) target(%dma_start3A_61 : memref<80x128xf32, #tpu.memory_space<vmem_shared>>) target_semaphore(%run_scoped3A : memref<!tpu.dma_semaphore, #tpu.memory_space<semaphore_mem>>)
      %dma_wait3A = arith.constant 0 : i32
      %dma_wait3A_62 = tpu.memref_slice %arg9[%add3A_23, %dma_wait3A] : memref<10000x128xf32, #tpu.memory_space<vmem_shared>> -> memref<80x128xf32, #tpu.memory_space<vmem_shared>>
      %dma_wait3A_63 = arith.constant 0 : i32
      %dma_wait3A_64 = tpu.memref_slice %arg9[%add3A_23, %dma_wait3A_63] : memref<10000x128xf32, #tpu.memory_space<vmem_shared>> -> memref<80x128xf32, #tpu.memory_space<vmem_shared>>
      tpu.wait_dma2 semaphore(%run_scoped3A : memref<!tpu.dma_semaphore, #tpu.memory_space<semaphore_mem>>) src(%arg11 : memref<80x128xf32, #tpu.memory_space<vmem>>) dst(%dma_wait3A_64 : memref<80x128xf32, #tpu.memory_space<vmem_shared>>)
      tpu.yield
    }) : () -> ()
    %add3A_24 = arith.constant 160 : i32
    %add3A_25 = arith.addi %mul3A_20, %add3A_24 : i32
    "tpu.region"() ({
      %run_scoped3A = tpu.sem_alloc : memref<!tpu.dma_semaphore, #tpu.memory_space<semaphore_mem>>
      %dma_start3A = arith.constant 0 : i32
      %dma_start3A_59 = tpu.memref_slice %arg9[%add3A_25, %dma_start3A] : memref<10000x128xf32, #tpu.memory_space<vmem_shared>> -> memref<80x128xf32, #tpu.memory_space<vmem_shared>>
      %dma_start3A_60 = arith.constant 0 : i32
      %dma_start3A_61 = tpu.memref_slice %arg9[%add3A_25, %dma_start3A_60] : memref<10000x128xf32, #tpu.memory_space<vmem_shared>> -> memref<80x128xf32, #tpu.memory_space<vmem_shared>>
      tpu.enqueue_dma source(%arg11 : memref<80x128xf32, #tpu.memory_space<vmem>>) target(%dma_start3A_61 : memref<80x128xf32, #tpu.memory_space<vmem_shared>>) target_semaphore(%run_scoped3A : memref<!tpu.dma_semaphore, #tpu.memory_space<semaphore_mem>>)
      %dma_wait3A = arith.constant 0 : i32
      %dma_wait3A_62 = tpu.memref_slice %arg9[%add3A_25, %dma_wait3A] : memref<10000x128xf32, #tpu.memory_space<vmem_shared>> -> memref<80x128xf32, #tpu.memory_space<vmem_shared>>
      %dma_wait3A_63 = arith.constant 0 : i32
      %dma_wait3A_64 = tpu.memref_slice %arg9[%add3A_25, %dma_wait3A_63] : memref<10000x128xf32, #tpu.memory_space<vmem_shared>> -> memref<80x128xf32, #tpu.memory_space<vmem_shared>>
      tpu.wait_dma2 semaphore(%run_scoped3A : memref<!tpu.dma_semaphore, #tpu.memory_space<semaphore_mem>>) src(%arg11 : memref<80x128xf32, #tpu.memory_space<vmem>>) dst(%dma_wait3A_64 : memref<80x128xf32, #tpu.memory_space<vmem_shared>>)
      tpu.yield
    }) : () -> ()
    %add3A_26 = arith.constant 240 : i32
    %add3A_27 = arith.addi %mul3A_20, %add3A_26 : i32
    "tpu.region"() ({
      %run_scoped3A = tpu.sem_alloc : memref<!tpu.dma_semaphore, #tpu.memory_space<semaphore_mem>>
      %dma_start3A = arith.constant 0 : i32
      %dma_start3A_59 = tpu.memref_slice %arg9[%add3A_27, %dma_start3A] : memref<10000x128xf32, #tpu.memory_space<vmem_shared>> -> memref<80x128xf32, #tpu.memory_space<vmem_shared>>
      %dma_start3A_60 = arith.constant 0 : i32
      %dma_start3A_61 = tpu.memref_slice %arg9[%add3A_27, %dma_start3A_60] : memref<10000x128xf32, #tpu.memory_space<vmem_shared>> -> memref<80x128xf32, #tpu.memory_space<vmem_shared>>
      tpu.enqueue_dma source(%arg11 : memref<80x128xf32, #tpu.memory_space<vmem>>) target(%dma_start3A_61 : memref<80x128xf32, #tpu.memory_space<vmem_shared>>) target_semaphore(%run_scoped3A : memref<!tpu.dma_semaphore, #tpu.memory_space<semaphore_mem>>)
      %dma_wait3A = arith.constant 0 : i32
      %dma_wait3A_62 = tpu.memref_slice %arg9[%add3A_27, %dma_wait3A] : memref<10000x128xf32, #tpu.memory_space<vmem_shared>> -> memref<80x128xf32, #tpu.memory_space<vmem_shared>>
      %dma_wait3A_63 = arith.constant 0 : i32
      %dma_wait3A_64 = tpu.memref_slice %arg9[%add3A_27, %dma_wait3A_63] : memref<10000x128xf32, #tpu.memory_space<vmem_shared>> -> memref<80x128xf32, #tpu.memory_space<vmem_shared>>
      tpu.wait_dma2 semaphore(%run_scoped3A : memref<!tpu.dma_semaphore, #tpu.memory_space<semaphore_mem>>) src(%arg11 : memref<80x128xf32, #tpu.memory_space<vmem>>) dst(%dma_wait3A_64 : memref<80x128xf32, #tpu.memory_space<vmem_shared>>)
      tpu.yield
    }) : () -> ()
    %add3A_28 = arith.constant 320 : i32
    %add3A_29 = arith.addi %mul3A_20, %add3A_28 : i32
    "tpu.region"() ({
      %run_scoped3A = tpu.sem_alloc : memref<!tpu.dma_semaphore, #tpu.memory_space<semaphore_mem>>
      %dma_start3A = arith.constant 0 : i32
      %dma_start3A_59 = tpu.memref_slice %arg9[%add3A_29, %dma_start3A] : memref<10000x128xf32, #tpu.memory_space<vmem_shared>> -> memref<80x128xf32, #tpu.memory_space<vmem_shared>>
      %dma_start3A_60 = arith.constant 0 : i32
      %dma_start3A_61 = tpu.memref_slice %arg9[%add3A_29, %dma_start3A_60] : memref<10000x128xf32, #tpu.memory_space<vmem_shared>> -> memref<80x128xf32, #tpu.memory_space<vmem_shared>>
      tpu.enqueue_dma source(%arg11 : memref<80x128xf32, #tpu.memory_space<vmem>>) target(%dma_start3A_61 : memref<80x128xf32, #tpu.memory_space<vmem_shared>>) target_semaphore(%run_scoped3A : memref<!tpu.dma_semaphore, #tpu.memory_space<semaphore_mem>>)
      %dma_wait3A = arith.constant 0 : i32
      %dma_wait3A_62 = tpu.memref_slice %arg9[%add3A_29, %dma_wait3A] : memref<10000x128xf32, #tpu.memory_space<vmem_shared>> -> memref<80x128xf32, #tpu.memory_space<vmem_shared>>
      %dma_wait3A_63 = arith.constant 0 : i32
      %dma_wait3A_64 = tpu.memref_slice %arg9[%add3A_29, %dma_wait3A_63] : memref<10000x128xf32, #tpu.memory_space<vmem_shared>> -> memref<80x128xf32, #tpu.memory_space<vmem_shared>>
      tpu.wait_dma2 semaphore(%run_scoped3A : memref<!tpu.dma_semaphore, #tpu.memory_space<semaphore_mem>>) src(%arg11 : memref<80x128xf32, #tpu.memory_space<vmem>>) dst(%dma_wait3A_64 : memref<80x128xf32, #tpu.memory_space<vmem_shared>>)
      tpu.yield
    }) : () -> ()
    %add3A_30 = arith.constant 400 : i32
    %add3A_31 = arith.addi %mul3A_20, %add3A_30 : i32
    "tpu.region"() ({
      %run_scoped3A = tpu.sem_alloc : memref<!tpu.dma_semaphore, #tpu.memory_space<semaphore_mem>>
      %dma_start3A = arith.constant 0 : i32
      %dma_start3A_59 = tpu.memref_slice %arg9[%add3A_31, %dma_start3A] : memref<10000x128xf32, #tpu.memory_space<vmem_shared>> -> memref<80x128xf32, #tpu.memory_space<vmem_shared>>
      %dma_start3A_60 = arith.constant 0 : i32
      %dma_start3A_61 = tpu.memref_slice %arg9[%add3A_31, %dma_start3A_60] : memref<10000x128xf32, #tpu.memory_space<vmem_shared>> -> memref<80x128xf32, #tpu.memory_space<vmem_shared>>
      tpu.enqueue_dma source(%arg11 : memref<80x128xf32, #tpu.memory_space<vmem>>) target(%dma_start3A_61 : memref<80x128xf32, #tpu.memory_space<vmem_shared>>) target_semaphore(%run_scoped3A : memref<!tpu.dma_semaphore, #tpu.memory_space<semaphore_mem>>)
      %dma_wait3A = arith.constant 0 : i32
      %dma_wait3A_62 = tpu.memref_slice %arg9[%add3A_31, %dma_wait3A] : memref<10000x128xf32, #tpu.memory_space<vmem_shared>> -> memref<80x128xf32, #tpu.memory_space<vmem_shared>>
      %dma_wait3A_63 = arith.constant 0 : i32
      %dma_wait3A_64 = tpu.memref_slice %arg9[%add3A_31, %dma_wait3A_63] : memref<10000x128xf32, #tpu.memory_space<vmem_shared>> -> memref<80x128xf32, #tpu.memory_space<vmem_shared>>
      tpu.wait_dma2 semaphore(%run_scoped3A : memref<!tpu.dma_semaphore, #tpu.memory_space<semaphore_mem>>) src(%arg11 : memref<80x128xf32, #tpu.memory_space<vmem>>) dst(%dma_wait3A_64 : memref<80x128xf32, #tpu.memory_space<vmem_shared>>)
      tpu.yield
    }) : () -> ()
    %add3A_32 = arith.constant 480 : i32
    %add3A_33 = arith.addi %mul3A_20, %add3A_32 : i32
    "tpu.region"() ({
      %run_scoped3A = tpu.sem_alloc : memref<!tpu.dma_semaphore, #tpu.memory_space<semaphore_mem>>
      %dma_start3A = arith.constant 0 : i32
      %dma_start3A_59 = tpu.memref_slice %arg9[%add3A_33, %dma_start3A] : memref<10000x128xf32, #tpu.memory_space<vmem_shared>> -> memref<80x128xf32, #tpu.memory_space<vmem_shared>>
      %dma_start3A_60 = arith.constant 0 : i32
      %dma_start3A_61 = tpu.memref_slice %arg9[%add3A_33, %dma_start3A_60] : memref<10000x128xf32, #tpu.memory_space<vmem_shared>> -> memref<80x128xf32, #tpu.memory_space<vmem_shared>>
      tpu.enqueue_dma source(%arg11 : memref<80x128xf32, #tpu.memory_space<vmem>>) target(%dma_start3A_61 : memref<80x128xf32, #tpu.memory_space<vmem_shared>>) target_semaphore(%run_scoped3A : memref<!tpu.dma_semaphore, #tpu.memory_space<semaphore_mem>>)
      %dma_wait3A = arith.constant 0 : i32
      %dma_wait3A_62 = tpu.memref_slice %arg9[%add3A_33, %dma_wait3A] : memref<10000x128xf32, #tpu.memory_space<vmem_shared>> -> memref<80x128xf32, #tpu.memory_space<vmem_shared>>
      %dma_wait3A_63 = arith.constant 0 : i32
      %dma_wait3A_64 = tpu.memref_slice %arg9[%add3A_33, %dma_wait3A_63] : memref<10000x128xf32, #tpu.memory_space<vmem_shared>> -> memref<80x128xf32, #tpu.memory_space<vmem_shared>>
      tpu.wait_dma2 semaphore(%run_scoped3A : memref<!tpu.dma_semaphore, #tpu.memory_space<semaphore_mem>>) src(%arg11 : memref<80x128xf32, #tpu.memory_space<vmem>>) dst(%dma_wait3A_64 : memref<80x128xf32, #tpu.memory_space<vmem_shared>>)
      tpu.yield
    }) : () -> ()
    %add3A_34 = arith.constant 560 : i32
    %add3A_35 = arith.addi %mul3A_20, %add3A_34 : i32
    "tpu.region"() ({
      %run_scoped3A = tpu.sem_alloc : memref<!tpu.dma_semaphore, #tpu.memory_space<semaphore_mem>>
      %dma_start3A = arith.constant 0 : i32
      %dma_start3A_59 = arith.constant 0 : i32
      %dma_start3A_60 = tpu.memref_slice %arg11[%dma_start3A, %dma_start3A_59] : memref<80x128xf32, #tpu.memory_space<vmem>> -> memref<64x128xf32, #tpu.memory_space<vmem>>
      %dma_start3A_61 = arith.constant 0 : i32
      %dma_start3A_62 = tpu.memref_slice %arg9[%add3A_35, %dma_start3A_61] : memref<10000x128xf32, #tpu.memory_space<vmem_shared>> -> memref<64x128xf32, #tpu.memory_space<vmem_shared>>
      %dma_start3A_63 = arith.constant 0 : i32
      %dma_start3A_64 = tpu.memref_slice %arg9[%add3A_35, %dma_start3A_63] : memref<10000x128xf32, #tpu.memory_space<vmem_shared>> -> memref<64x128xf32, #tpu.memory_space<vmem_shared>>
      %dma_start3A_65 = arith.constant 0 : i32
      %dma_start3A_66 = arith.constant 0 : i32
      %dma_start3A_67 = tpu.memref_slice %arg11[%dma_start3A_65, %dma_start3A_66] : memref<80x128xf32, #tpu.memory_space<vmem>> -> memref<64x128xf32, #tpu.memory_space<vmem>>
      tpu.enqueue_dma source(%dma_start3A_67 : memref<64x128xf32, #tpu.memory_space<vmem>>) target(%dma_start3A_64 : memref<64x128xf32, #tpu.memory_space<vmem_shared>>) target_semaphore(%run_scoped3A : memref<!tpu.dma_semaphore, #tpu.memory_space<semaphore_mem>>)
      %dma_wait3A = arith.constant 0 : i32
      %dma_wait3A_68 = arith.constant 0 : i32
      %dma_wait3A_69 = tpu.memref_slice %arg11[%dma_wait3A, %dma_wait3A_68] : memref<80x128xf32, #tpu.memory_space<vmem>> -> memref<64x128xf32, #tpu.memory_space<vmem>>
      %dma_wait3A_70 = arith.constant 0 : i32
      %dma_wait3A_71 = tpu.memref_slice %arg9[%add3A_35, %dma_wait3A_70] : memref<10000x128xf32, #tpu.memory_space<vmem_shared>> -> memref<64x128xf32, #tpu.memory_space<vmem_shared>>
      %dma_wait3A_72 = arith.constant 0 : i32
      %dma_wait3A_73 = tpu.memref_slice %arg9[%add3A_35, %dma_wait3A_72] : memref<10000x128xf32, #tpu.memory_space<vmem_shared>> -> memref<64x128xf32, #tpu.memory_space<vmem_shared>>
      %dma_wait3A_74 = arith.constant 0 : i32
      %dma_wait3A_75 = arith.constant 0 : i32
      %dma_wait3A_76 = tpu.memref_slice %arg11[%dma_wait3A_74, %dma_wait3A_75] : memref<80x128xf32, #tpu.memory_space<vmem>> -> memref<64x128xf32, #tpu.memory_space<vmem>>
      tpu.wait_dma2 semaphore(%run_scoped3A : memref<!tpu.dma_semaphore, #tpu.memory_space<semaphore_mem>>) src(%dma_wait3A_76 : memref<64x128xf32, #tpu.memory_space<vmem>>) dst(%dma_wait3A_73 : memref<64x128xf32, #tpu.memory_space<vmem_shared>>)
      tpu.yield
    }) : () -> ()
    "tpu.region"() ({
      %run_scoped3A = tpu.sem_alloc : memref<!tpu.dma_semaphore, #tpu.memory_space<semaphore_mem>>
      %dma_start3A = tpu.memref_slice %arg10[%mul3A_20] : memref<10000xf32, #tpu.memory_space<vmem_shared>> -> memref<624xf32, #tpu.memory_space<vmem_shared>>
      %dma_start3A_59 = tpu.memref_slice %arg10[%mul3A_20] : memref<10000xf32, #tpu.memory_space<vmem_shared>> -> memref<624xf32, #tpu.memory_space<vmem_shared>>
      tpu.enqueue_dma source(%arg18 : memref<624xf32, #tpu.memory_space<vmem>>) target(%dma_start3A_59 : memref<624xf32, #tpu.memory_space<vmem_shared>>) target_semaphore(%run_scoped3A : memref<!tpu.dma_semaphore, #tpu.memory_space<semaphore_mem>>)
      %dma_wait3A = tpu.memref_slice %arg10[%mul3A_20] : memref<10000xf32, #tpu.memory_space<vmem_shared>> -> memref<624xf32, #tpu.memory_space<vmem_shared>>
      %dma_wait3A_60 = tpu.memref_slice %arg10[%mul3A_20] : memref<10000xf32, #tpu.memory_space<vmem_shared>> -> memref<624xf32, #tpu.memory_space<vmem_shared>>
      tpu.wait_dma2 semaphore(%run_scoped3A : memref<!tpu.dma_semaphore, #tpu.memory_space<semaphore_mem>>) src(%arg18 : memref<624xf32, #tpu.memory_space<vmem>>) dst(%dma_wait3A_60 : memref<624xf32, #tpu.memory_space<vmem_shared>>)
      tpu.yield
    }) : () -> ()
    %eq3A = arith.constant 15 : i32
    %eq3A_36 = arith.cmpi eq, %arg1, %eq3A : i32
    %convert_element_type3A = arith.extui %eq3A_36 : i1 to i32
    %cond3A = arith.constant 0 : i32
    %cond3A_37 = arith.cmpi ne, %convert_element_type3A, %cond3A : i32
    scf.if %cond3A_37 {
      "tpu.region"() ({
        %run_scoped3A = tpu.sem_alloc : memref<!tpu.dma_semaphore, #tpu.memory_space<semaphore_mem>>
        %dma_start3A = arith.constant 0 : i32
        %dma_start3A_59 = arith.constant 0 : i32
        %dma_start3A_60 = tpu.memref_slice %arg11[%dma_start3A, %dma_start3A_59] : memref<80x128xf32, #tpu.memory_space<vmem>> -> memref<16x128xf32, #tpu.memory_space<vmem>>
        %dma_start3A_61 = arith.constant 9984 : i32
        %dma_start3A_62 = arith.constant 0 : i32
        %dma_start3A_63 = tpu.memref_slice %arg9[%dma_start3A_61, %dma_start3A_62] : memref<10000x128xf32, #tpu.memory_space<vmem_shared>> -> memref<16x128xf32, #tpu.memory_space<vmem_shared>>
        %dma_start3A_64 = arith.constant 9984 : i32
        %dma_start3A_65 = arith.constant 0 : i32
        %dma_start3A_66 = tpu.memref_slice %arg9[%dma_start3A_64, %dma_start3A_65] : memref<10000x128xf32, #tpu.memory_space<vmem_shared>> -> memref<16x128xf32, #tpu.memory_space<vmem_shared>>
        %dma_start3A_67 = arith.constant 0 : i32
        %dma_start3A_68 = arith.constant 0 : i32
        %dma_start3A_69 = tpu.memref_slice %arg11[%dma_start3A_67, %dma_start3A_68] : memref<80x128xf32, #tpu.memory_space<vmem>> -> memref<16x128xf32, #tpu.memory_space<vmem>>
        tpu.enqueue_dma source(%dma_start3A_69 : memref<16x128xf32, #tpu.memory_space<vmem>>) target(%dma_start3A_66 : memref<16x128xf32, #tpu.memory_space<vmem_shared>>) target_semaphore(%run_scoped3A : memref<!tpu.dma_semaphore, #tpu.memory_space<semaphore_mem>>)
        %dma_wait3A = arith.constant 0 : i32
        %dma_wait3A_70 = arith.constant 0 : i32
        %dma_wait3A_71 = tpu.memref_slice %arg11[%dma_wait3A, %dma_wait3A_70] : memref<80x128xf32, #tpu.memory_space<vmem>> -> memref<16x128xf32, #tpu.memory_space<vmem>>
        %dma_wait3A_72 = arith.constant 9984 : i32
        %dma_wait3A_73 = arith.constant 0 : i32
        %dma_wait3A_74 = tpu.memref_slice %arg9[%dma_wait3A_72, %dma_wait3A_73] : memref<10000x128xf32, #tpu.memory_space<vmem_shared>> -> memref<16x128xf32, #tpu.memory_space<vmem_shared>>
        %dma_wait3A_75 = arith.constant 9984 : i32
        %dma_wait3A_76 = arith.constant 0 : i32
        %dma_wait3A_77 = tpu.memref_slice %arg9[%dma_wait3A_75, %dma_wait3A_76] : memref<10000x128xf32, #tpu.memory_space<vmem_shared>> -> memref<16x128xf32, #tpu.memory_space<vmem_shared>>
        %dma_wait3A_78 = arith.constant 0 : i32
        %dma_wait3A_79 = arith.constant 0 : i32
        %dma_wait3A_80 = tpu.memref_slice %arg11[%dma_wait3A_78, %dma_wait3A_79] : memref<80x128xf32, #tpu.memory_space<vmem>> -> memref<16x128xf32, #tpu.memory_space<vmem>>
        tpu.wait_dma2 semaphore(%run_scoped3A : memref<!tpu.dma_semaphore, #tpu.memory_space<semaphore_mem>>) src(%dma_wait3A_80 : memref<16x128xf32, #tpu.memory_space<vmem>>) dst(%dma_wait3A_77 : memref<16x128xf32, #tpu.memory_space<vmem_shared>>)
        tpu.yield
      }) : () -> ()
      "tpu.region"() ({
        %run_scoped3A = tpu.sem_alloc : memref<!tpu.dma_semaphore, #tpu.memory_space<semaphore_mem>>
        %dma_start3A = arith.constant 0 : i32
        %dma_start3A_59 = tpu.memref_slice %arg18[%dma_start3A] : memref<624xf32, #tpu.memory_space<vmem>> -> memref<16xf32, #tpu.memory_space<vmem>>
        %dma_start3A_60 = arith.constant 9984 : i32
        %dma_start3A_61 = tpu.memref_slice %arg10[%dma_start3A_60] : memref<10000xf32, #tpu.memory_space<vmem_shared>> -> memref<16xf32, #tpu.memory_space<vmem_shared>>
        %dma_start3A_62 = arith.constant 9984 : i32
        %dma_start3A_63 = tpu.memref_slice %arg10[%dma_start3A_62] : memref<10000xf32, #tpu.memory_space<vmem_shared>> -> memref<16xf32, #tpu.memory_space<vmem_shared>>
        %dma_start3A_64 = arith.constant 0 : i32
        %dma_start3A_65 = tpu.memref_slice %arg18[%dma_start3A_64] : memref<624xf32, #tpu.memory_space<vmem>> -> memref<16xf32, #tpu.memory_space<vmem>>
        tpu.enqueue_dma source(%dma_start3A_65 : memref<16xf32, #tpu.memory_space<vmem>>) target(%dma_start3A_63 : memref<16xf32, #tpu.memory_space<vmem_shared>>) target_semaphore(%run_scoped3A : memref<!tpu.dma_semaphore, #tpu.memory_space<semaphore_mem>>)
        %dma_wait3A = arith.constant 0 : i32
        %dma_wait3A_66 = tpu.memref_slice %arg18[%dma_wait3A] : memref<624xf32, #tpu.memory_space<vmem>> -> memref<16xf32, #tpu.memory_space<vmem>>
        %dma_wait3A_67 = arith.constant 9984 : i32
        %dma_wait3A_68 = tpu.memref_slice %arg10[%dma_wait3A_67] : memref<10000xf32, #tpu.memory_space<vmem_shared>> -> memref<16xf32, #tpu.memory_space<vmem_shared>>
        %dma_wait3A_69 = arith.constant 9984 : i32
        %dma_wait3A_70 = tpu.memref_slice %arg10[%dma_wait3A_69] : memref<10000xf32, #tpu.memory_space<vmem_shared>> -> memref<16xf32, #tpu.memory_space<vmem_shared>>
        %dma_wait3A_71 = arith.constant 0 : i32
        %dma_wait3A_72 = tpu.memref_slice %arg18[%dma_wait3A_71] : memref<624xf32, #tpu.memory_space<vmem>> -> memref<16xf32, #tpu.memory_space<vmem>>
        tpu.wait_dma2 semaphore(%run_scoped3A : memref<!tpu.dma_semaphore, #tpu.memory_space<semaphore_mem>>) src(%dma_wait3A_72 : memref<16xf32, #tpu.memory_space<vmem>>) dst(%dma_wait3A_70 : memref<16xf32, #tpu.memory_space<vmem_shared>>)
        tpu.yield
      }) : () -> ()
    } else {
    }
    %barrier3A = arith.constant 0 : index
    tpu.barrier barrier_id(%barrier3A)
    %mul3A_38 = arith.constant 10000 : i32
    %mul3A_39 = arith.muli %arg1, %mul3A_38 : i32
    %eq3A_40 = arith.constant 0 : i32
    %eq3A_41 = arith.cmpi eq, %arg0, %eq3A_40 : i32
    %convert_element_type3A_42 = arith.extui %eq3A_41 : i1 to i32
    %cond3A_43 = arith.constant 0 : i32
    %cond3A_44 = arith.cmpi ne, %convert_element_type3A_42, %cond3A_43 : i32
    scf.if %cond3A_44 {
      %add3A_59 = arith.constant 0 : i32
      %add3A_60 = arith.addi %mul3A_39, %add3A_59 : i32
      "tpu.region"() ({
        %run_scoped3A = tpu.sem_alloc : memref<!tpu.dma_semaphore, #tpu.memory_space<semaphore_mem>>
        %dma_start3A_76 = tpu.memref_slice %arg3[%add3A_60] : memref<160000xi32, #tpu.memory_space<hbm>> -> memref<80xi32, #tpu.memory_space<hbm>>
        %dma_start3A_77 = tpu.memref_slice %arg3[%add3A_60] : memref<160000xi32, #tpu.memory_space<hbm>> -> memref<80xi32, #tpu.memory_space<hbm>>
        tpu.enqueue_dma source(%dma_start3A_77 : memref<80xi32, #tpu.memory_space<hbm>>) target(%arg13 : memref<80xi32, #tpu.memory_space<vmem>>) target_semaphore(%run_scoped3A : memref<!tpu.dma_semaphore, #tpu.memory_space<semaphore_mem>>)
        %dma_wait3A_78 = tpu.memref_slice %arg3[%add3A_60] : memref<160000xi32, #tpu.memory_space<hbm>> -> memref<80xi32, #tpu.memory_space<hbm>>
        %dma_wait3A_79 = tpu.memref_slice %arg3[%add3A_60] : memref<160000xi32, #tpu.memory_space<hbm>> -> memref<80xi32, #tpu.memory_space<hbm>>
        tpu.wait_dma2 semaphore(%run_scoped3A : memref<!tpu.dma_semaphore, #tpu.memory_space<semaphore_mem>>) src(%dma_wait3A_79 : memref<80xi32, #tpu.memory_space<hbm>>) dst(%arg13 : memref<80xi32, #tpu.memory_space<vmem>>)
        tpu.yield
      }) : () -> ()
      "tpu.region"() ({
        %run_scoped3A = tpu.sem_alloc : memref<!tpu.dma_semaphore, #tpu.memory_space<semaphore_mem>>
        %dma_start3A_76 = tpu.memref_slice %arg4[%add3A_60] : memref<160000xi32, #tpu.memory_space<hbm>> -> memref<80xi32, #tpu.memory_space<hbm>>
        %dma_start3A_77 = tpu.memref_slice %arg4[%add3A_60] : memref<160000xi32, #tpu.memory_space<hbm>> -> memref<80xi32, #tpu.memory_space<hbm>>
        tpu.enqueue_dma source(%dma_start3A_77 : memref<80xi32, #tpu.memory_space<hbm>>) target(%arg14 : memref<80xi32, #tpu.memory_space<vmem>>) target_semaphore(%run_scoped3A : memref<!tpu.dma_semaphore, #tpu.memory_space<semaphore_mem>>)
        %dma_wait3A_78 = tpu.memref_slice %arg4[%add3A_60] : memref<160000xi32, #tpu.memory_space<hbm>> -> memref<80xi32, #tpu.memory_space<hbm>>
        %dma_wait3A_79 = tpu.memref_slice %arg4[%add3A_60] : memref<160000xi32, #tpu.memory_space<hbm>> -> memref<80xi32, #tpu.memory_space<hbm>>
        tpu.wait_dma2 semaphore(%run_scoped3A : memref<!tpu.dma_semaphore, #tpu.memory_space<semaphore_mem>>) src(%dma_wait3A_79 : memref<80xi32, #tpu.memory_space<hbm>>) dst(%arg14 : memref<80xi32, #tpu.memory_space<vmem>>)
        tpu.yield
      }) : () -> ()
      %dma_start3A = arith.constant 0 : i32
      %dma_start3A_61 = arith.constant 0 : i32
      %dma_start3A_62 = tpu.memref_slice %arg2[%dma_start3A, %dma_start3A_61] : memref<10000x128xf32, #tpu.memory_space<hbm>> -> memref<10000x128xf32, #tpu.memory_space<hbm>>
      tpu.enqueue_indirect_dma source(%dma_start3A_62 : memref<10000x128xf32, #tpu.memory_space<hbm>>) target(%arg11 : memref<80x128xf32, #tpu.memory_space<vmem>>) offsets(%arg13 : memref<80xi32, #tpu.memory_space<vmem>>) semaphore(%arg19 : memref<!tpu.dma_semaphore, #tpu.memory_space<semaphore_mem>>)
      %scan3A_63 = arith.constant 0 : i32
      %scan3A_64 = arith.constant 0 : i32
      %scan3A_65 = arith.constant 62 : i32
      %scan3A_66 = arith.addi %scan3A_64, %scan3A_65 : i32
      %scan3A_67 = arith.constant 1 : i32
      %scan3A_68 = scf.for %scan3A_76 = %scan3A_64 to %scan3A_66 step %scan3A_67 iter_args(%scan3A_77 = %scan3A_63) -> (i32)  : i32 {
        %mul3A_78 = arith.constant 2 : i32
        %mul3A_79 = arith.muli %mul3A_78, %scan3A_76 : i32
        %add3A_80 = arith.constant 1 : i32
        %add3A_81 = arith.addi %mul3A_79, %add3A_80 : i32
        %mul3A_82 = arith.constant 80 : i32
        %mul3A_83 = arith.muli %add3A_81, %mul3A_82 : i32
        %add3A_84 = arith.addi %mul3A_39, %mul3A_83 : i32
        "tpu.region"() ({
          %run_scoped3A = tpu.sem_alloc : memref<!tpu.dma_semaphore, #tpu.memory_space<semaphore_mem>>
          %dma_start3A_111 = tpu.memref_slice %arg3[%add3A_84] : memref<160000xi32, #tpu.memory_space<hbm>> -> memref<80xi32, #tpu.memory_space<hbm>>
          %dma_start3A_112 = tpu.memref_slice %arg3[%add3A_84] : memref<160000xi32, #tpu.memory_space<hbm>> -> memref<80xi32, #tpu.memory_space<hbm>>
          tpu.enqueue_dma source(%dma_start3A_112 : memref<80xi32, #tpu.memory_space<hbm>>) target(%arg15 : memref<80xi32, #tpu.memory_space<vmem>>) target_semaphore(%run_scoped3A : memref<!tpu.dma_semaphore, #tpu.memory_space<semaphore_mem>>)
          %dma_wait3A_113 = tpu.memref_slice %arg3[%add3A_84] : memref<160000xi32, #tpu.memory_space<hbm>> -> memref<80xi32, #tpu.memory_space<hbm>>
          %dma_wait3A_114 = tpu.memref_slice %arg3[%add3A_84] : memref<160000xi32, #tpu.memory_space<hbm>> -> memref<80xi32, #tpu.memory_space<hbm>>
          tpu.wait_dma2 semaphore(%run_scoped3A : memref<!tpu.dma_semaphore, #tpu.memory_space<semaphore_mem>>) src(%dma_wait3A_114 : memref<80xi32, #tpu.memory_space<hbm>>) dst(%arg15 : memref<80xi32, #tpu.memory_space<vmem>>)
          tpu.yield
        }) : () -> ()
        "tpu.region"() ({
          %run_scoped3A = tpu.sem_alloc : memref<!tpu.dma_semaphore, #tpu.memory_space<semaphore_mem>>
          %dma_start3A_111 = tpu.memref_slice %arg4[%add3A_84] : memref<160000xi32, #tpu.memory_space<hbm>> -> memref<80xi32, #tpu.memory_space<hbm>>
          %dma_start3A_112 = tpu.memref_slice %arg4[%add3A_84] : memref<160000xi32, #tpu.memory_space<hbm>> -> memref<80xi32, #tpu.memory_space<hbm>>
          tpu.enqueue_dma source(%dma_start3A_112 : memref<80xi32, #tpu.memory_space<hbm>>) target(%arg16 : memref<80xi32, #tpu.memory_space<vmem>>) target_semaphore(%run_scoped3A : memref<!tpu.dma_semaphore, #tpu.memory_space<semaphore_mem>>)
          %dma_wait3A_113 = tpu.memref_slice %arg4[%add3A_84] : memref<160000xi32, #tpu.memory_space<hbm>> -> memref<80xi32, #tpu.memory_space<hbm>>
          %dma_wait3A_114 = tpu.memref_slice %arg4[%add3A_84] : memref<160000xi32, #tpu.memory_space<hbm>> -> memref<80xi32, #tpu.memory_space<hbm>>
          tpu.wait_dma2 semaphore(%run_scoped3A : memref<!tpu.dma_semaphore, #tpu.memory_space<semaphore_mem>>) src(%dma_wait3A_114 : memref<80xi32, #tpu.memory_space<hbm>>) dst(%arg16 : memref<80xi32, #tpu.memory_space<vmem>>)
          tpu.yield
        }) : () -> ()
        %dma_start3A_85 = arith.constant 0 : i32
        %dma_start3A_86 = arith.constant 0 : i32
        %dma_start3A_87 = tpu.memref_slice %arg2[%dma_start3A_85, %dma_start3A_86] : memref<10000x128xf32, #tpu.memory_space<hbm>> -> memref<10000x128xf32, #tpu.memory_space<hbm>>
        tpu.enqueue_indirect_dma source(%dma_start3A_87 : memref<10000x128xf32, #tpu.memory_space<hbm>>) target(%arg12 : memref<80x128xf32, #tpu.memory_space<vmem>>) offsets(%arg15 : memref<80xi32, #tpu.memory_space<vmem>>) semaphore(%arg20 : memref<!tpu.dma_semaphore, #tpu.memory_space<semaphore_mem>>)
        %dma_wait3A_88 = arith.constant 0 : i32
        %dma_wait3A_89 = arith.constant 0 : i32
        %dma_wait3A_90 = tpu.memref_slice %arg2[%dma_wait3A_88, %dma_wait3A_89] : memref<10000x128xf32, #tpu.memory_space<hbm>> -> memref<10000x128xf32, #tpu.memory_space<hbm>>
        tpu.wait_indirect_dma semaphore(%arg19 : memref<!tpu.dma_semaphore, #tpu.memory_space<semaphore_mem>>) src(%dma_wait3A_90 : memref<10000x128xf32, #tpu.memory_space<hbm>>) dst(%arg11 : memref<80x128xf32, #tpu.memory_space<vmem>>)
        %dma_start3A_91 = arith.constant 0 : i32
        %dma_start3A_92 = tpu.memref_slice %arg10[%dma_start3A_91] : memref<10000xf32, #tpu.memory_space<vmem_shared>> -> memref<10000xf32, #tpu.memory_space<vmem_shared>>
        tpu.enqueue_indirect_dma source(%arg17 : memref<80xf32, #tpu.memory_space<vmem>>) target(%dma_start3A_92 : memref<10000xf32, #tpu.memory_space<vmem_shared>>) offsets(%arg14 : memref<80xi32, #tpu.memory_space<vmem>>) semaphore(%arg21 : memref<!tpu.dma_semaphore, #tpu.memory_space<semaphore_mem>>) {add = true}
        "tpu.region"() ({
          %run_scoped3A = tpu.sem_alloc : memref<!tpu.dma_semaphore, #tpu.memory_space<semaphore_mem>>
          %dma_start3A_111 = arith.constant 0 : i32
          %dma_start3A_112 = arith.constant 0 : i32
          %dma_start3A_113 = tpu.memref_slice %arg9[%dma_start3A_111, %dma_start3A_112] : memref<10000x128xf32, #tpu.memory_space<vmem_shared>> -> memref<10000x128xf32, #tpu.memory_space<vmem_shared>>
          tpu.enqueue_indirect_dma source(%arg11 : memref<80x128xf32, #tpu.memory_space<vmem>>) target(%dma_start3A_113 : memref<10000x128xf32, #tpu.memory_space<vmem_shared>>) offsets(%arg14 : memref<80xi32, #tpu.memory_space<vmem>>) semaphore(%run_scoped3A : memref<!tpu.dma_semaphore, #tpu.memory_space<semaphore_mem>>) {add = true}
          %dma_wait3A_114 = arith.constant 0 : i32
          %dma_wait3A_115 = arith.constant 0 : i32
          %dma_wait3A_116 = tpu.memref_slice %arg9[%dma_wait3A_114, %dma_wait3A_115] : memref<10000x128xf32, #tpu.memory_space<vmem_shared>> -> memref<10000x128xf32, #tpu.memory_space<vmem_shared>>
          tpu.wait_indirect_dma semaphore(%run_scoped3A : memref<!tpu.dma_semaphore, #tpu.memory_space<semaphore_mem>>) src(%arg11 : memref<80x128xf32, #tpu.memory_space<vmem>>) dst(%dma_wait3A_116 : memref<10000x128xf32, #tpu.memory_space<vmem_shared>>)
          tpu.yield
        }) : () -> ()
        %dma_wait3A_93 = arith.constant 0 : i32
        %dma_wait3A_94 = tpu.memref_slice %arg10[%dma_wait3A_93] : memref<10000xf32, #tpu.memory_space<vmem_shared>> -> memref<10000xf32, #tpu.memory_space<vmem_shared>>
        tpu.wait_indirect_dma semaphore(%arg21 : memref<!tpu.dma_semaphore, #tpu.memory_space<semaphore_mem>>) src(%arg17 : memref<80xf32, #tpu.memory_space<vmem>>) dst(%dma_wait3A_94 : memref<10000xf32, #tpu.memory_space<vmem_shared>>)
        %add3A_95 = arith.constant 2 : i32
        %add3A_96 = arith.addi %mul3A_79, %add3A_95 : i32
        %mul3A_97 = arith.constant 80 : i32
        %mul3A_98 = arith.muli %add3A_96, %mul3A_97 : i32
        %add3A_99 = arith.addi %mul3A_39, %mul3A_98 : i32
        "tpu.region"() ({
          %run_scoped3A = tpu.sem_alloc : memref<!tpu.dma_semaphore, #tpu.memory_space<semaphore_mem>>
          %dma_start3A_111 = tpu.memref_slice %arg3[%add3A_99] : memref<160000xi32, #tpu.memory_space<hbm>> -> memref<80xi32, #tpu.memory_space<hbm>>
          %dma_start3A_112 = tpu.memref_slice %arg3[%add3A_99] : memref<160000xi32, #tpu.memory_space<hbm>> -> memref<80xi32, #tpu.memory_space<hbm>>
          tpu.enqueue_dma source(%dma_start3A_112 : memref<80xi32, #tpu.memory_space<hbm>>) target(%arg13 : memref<80xi32, #tpu.memory_space<vmem>>) target_semaphore(%run_scoped3A : memref<!tpu.dma_semaphore, #tpu.memory_space<semaphore_mem>>)
          %dma_wait3A_113 = tpu.memref_slice %arg3[%add3A_99] : memref<160000xi32, #tpu.memory_space<hbm>> -> memref<80xi32, #tpu.memory_space<hbm>>
          %dma_wait3A_114 = tpu.memref_slice %arg3[%add3A_99] : memref<160000xi32, #tpu.memory_space<hbm>> -> memref<80xi32, #tpu.memory_space<hbm>>
          tpu.wait_dma2 semaphore(%run_scoped3A : memref<!tpu.dma_semaphore, #tpu.memory_space<semaphore_mem>>) src(%dma_wait3A_114 : memref<80xi32, #tpu.memory_space<hbm>>) dst(%arg13 : memref<80xi32, #tpu.memory_space<vmem>>)
          tpu.yield
        }) : () -> ()
        "tpu.region"() ({
          %run_scoped3A = tpu.sem_alloc : memref<!tpu.dma_semaphore, #tpu.memory_space<semaphore_mem>>
          %dma_start3A_111 = tpu.memref_slice %arg4[%add3A_99] : memref<160000xi32, #tpu.memory_space<hbm>> -> memref<80xi32, #tpu.memory_space<hbm>>
          %dma_start3A_112 = tpu.memref_slice %arg4[%add3A_99] : memref<160000xi32, #tpu.memory_space<hbm>> -> memref<80xi32, #tpu.memory_space<hbm>>
          tpu.enqueue_dma source(%dma_start3A_112 : memref<80xi32, #tpu.memory_space<hbm>>) target(%arg14 : memref<80xi32, #tpu.memory_space<vmem>>) target_semaphore(%run_scoped3A : memref<!tpu.dma_semaphore, #tpu.memory_space<semaphore_mem>>)
          %dma_wait3A_113 = tpu.memref_slice %arg4[%add3A_99] : memref<160000xi32, #tpu.memory_space<hbm>> -> memref<80xi32, #tpu.memory_space<hbm>>
          %dma_wait3A_114 = tpu.memref_slice %arg4[%add3A_99] : memref<160000xi32, #tpu.memory_space<hbm>> -> memref<80xi32, #tpu.memory_space<hbm>>
          tpu.wait_dma2 semaphore(%run_scoped3A : memref<!tpu.dma_semaphore, #tpu.memory_space<semaphore_mem>>) src(%dma_wait3A_114 : memref<80xi32, #tpu.memory_space<hbm>>) dst(%arg14 : memref<80xi32, #tpu.memory_space<vmem>>)
          tpu.yield
        }) : () -> ()
        %dma_start3A_100 = arith.constant 0 : i32
        %dma_start3A_101 = arith.constant 0 : i32
        %dma_start3A_102 = tpu.memref_slice %arg2[%dma_start3A_100, %dma_start3A_101] : memref<10000x128xf32, #tpu.memory_space<hbm>> -> memref<10000x128xf32, #tpu.memory_space<hbm>>
        tpu.enqueue_indirect_dma source(%dma_start3A_102 : memref<10000x128xf32, #tpu.memory_space<hbm>>) target(%arg11 : memref<80x128xf32, #tpu.memory_space<vmem>>) offsets(%arg13 : memref<80xi32, #tpu.memory_space<vmem>>) semaphore(%arg19 : memref<!tpu.dma_semaphore, #tpu.memory_space<semaphore_mem>>)
        %dma_wait3A_103 = arith.constant 0 : i32
        %dma_wait3A_104 = arith.constant 0 : i32
        %dma_wait3A_105 = tpu.memref_slice %arg2[%dma_wait3A_103, %dma_wait3A_104] : memref<10000x128xf32, #tpu.memory_space<hbm>> -> memref<10000x128xf32, #tpu.memory_space<hbm>>
        tpu.wait_indirect_dma semaphore(%arg20 : memref<!tpu.dma_semaphore, #tpu.memory_space<semaphore_mem>>) src(%dma_wait3A_105 : memref<10000x128xf32, #tpu.memory_space<hbm>>) dst(%arg12 : memref<80x128xf32, #tpu.memory_space<vmem>>)
        %dma_start3A_106 = arith.constant 0 : i32
        %dma_start3A_107 = tpu.memref_slice %arg10[%dma_start3A_106] : memref<10000xf32, #tpu.memory_space<vmem_shared>> -> memref<10000xf32, #tpu.memory_space<vmem_shared>>
        tpu.enqueue_indirect_dma source(%arg17 : memref<80xf32, #tpu.memory_space<vmem>>) target(%dma_start3A_107 : memref<10000xf32, #tpu.memory_space<vmem_shared>>) offsets(%arg16 : memref<80xi32, #tpu.memory_space<vmem>>) semaphore(%arg22 : memref<!tpu.dma_semaphore, #tpu.memory_space<semaphore_mem>>) {add = true}
        "tpu.region"() ({
          %run_scoped3A = tpu.sem_alloc : memref<!tpu.dma_semaphore, #tpu.memory_space<semaphore_mem>>
          %dma_start3A_111 = arith.constant 0 : i32
          %dma_start3A_112 = arith.constant 0 : i32
          %dma_start3A_113 = tpu.memref_slice %arg9[%dma_start3A_111, %dma_start3A_112] : memref<10000x128xf32, #tpu.memory_space<vmem_shared>> -> memref<10000x128xf32, #tpu.memory_space<vmem_shared>>
          tpu.enqueue_indirect_dma source(%arg12 : memref<80x128xf32, #tpu.memory_space<vmem>>) target(%dma_start3A_113 : memref<10000x128xf32, #tpu.memory_space<vmem_shared>>) offsets(%arg16 : memref<80xi32, #tpu.memory_space<vmem>>) semaphore(%run_scoped3A : memref<!tpu.dma_semaphore, #tpu.memory_space<semaphore_mem>>) {add = true}
          %dma_wait3A_114 = arith.constant 0 : i32
          %dma_wait3A_115 = arith.constant 0 : i32
          %dma_wait3A_116 = tpu.memref_slice %arg9[%dma_wait3A_114, %dma_wait3A_115] : memref<10000x128xf32, #tpu.memory_space<vmem_shared>> -> memref<10000x128xf32, #tpu.memory_space<vmem_shared>>
          tpu.wait_indirect_dma semaphore(%run_scoped3A : memref<!tpu.dma_semaphore, #tpu.memory_space<semaphore_mem>>) src(%arg12 : memref<80x128xf32, #tpu.memory_space<vmem>>) dst(%dma_wait3A_116 : memref<10000x128xf32, #tpu.memory_space<vmem_shared>>)
          tpu.yield
        }) : () -> ()
        %dma_wait3A_108 = arith.constant 0 : i32
        %dma_wait3A_109 = tpu.memref_slice %arg10[%dma_wait3A_108] : memref<10000xf32, #tpu.memory_space<vmem_shared>> -> memref<10000xf32, #tpu.memory_space<vmem_shared>>
        tpu.wait_indirect_dma semaphore(%arg22 : memref<!tpu.dma_semaphore, #tpu.memory_space<semaphore_mem>>) src(%arg17 : memref<80xf32, #tpu.memory_space<vmem>>) dst(%dma_wait3A_109 : memref<10000xf32, #tpu.memory_space<vmem_shared>>)
        %scan3A_110 = arith.constant 0 : i32
        scf.yield %scan3A_110 : i32
      }
      %scan3A_69 = arith.constant 62 : i32
      %dma_wait3A = arith.constant 0 : i32
      %dma_wait3A_70 = arith.constant 0 : i32
      %dma_wait3A_71 = tpu.memref_slice %arg2[%dma_wait3A, %dma_wait3A_70] : memref<10000x128xf32, #tpu.memory_space<hbm>> -> memref<10000x128xf32, #tpu.memory_space<hbm>>
      tpu.wait_indirect_dma semaphore(%arg19 : memref<!tpu.dma_semaphore, #tpu.memory_space<semaphore_mem>>) src(%dma_wait3A_71 : memref<10000x128xf32, #tpu.memory_space<hbm>>) dst(%arg11 : memref<80x128xf32, #tpu.memory_space<vmem>>)
      %dma_start3A_72 = arith.constant 0 : i32
      %dma_start3A_73 = tpu.memref_slice %arg10[%dma_start3A_72] : memref<10000xf32, #tpu.memory_space<vmem_shared>> -> memref<10000xf32, #tpu.memory_space<vmem_shared>>
      tpu.enqueue_indirect_dma source(%arg17 : memref<80xf32, #tpu.memory_space<vmem>>) target(%dma_start3A_73 : memref<10000xf32, #tpu.memory_space<vmem_shared>>) offsets(%arg14 : memref<80xi32, #tpu.memory_space<vmem>>) semaphore(%arg21 : memref<!tpu.dma_semaphore, #tpu.memory_space<semaphore_mem>>) {add = true}
      "tpu.region"() ({
        %run_scoped3A = tpu.sem_alloc : memref<!tpu.dma_semaphore, #tpu.memory_space<semaphore_mem>>
        %dma_start3A_76 = arith.constant 0 : i32
        %dma_start3A_77 = arith.constant 0 : i32
        %dma_start3A_78 = tpu.memref_slice %arg9[%dma_start3A_76, %dma_start3A_77] : memref<10000x128xf32, #tpu.memory_space<vmem_shared>> -> memref<10000x128xf32, #tpu.memory_space<vmem_shared>>
        tpu.enqueue_indirect_dma source(%arg11 : memref<80x128xf32, #tpu.memory_space<vmem>>) target(%dma_start3A_78 : memref<10000x128xf32, #tpu.memory_space<vmem_shared>>) offsets(%arg14 : memref<80xi32, #tpu.memory_space<vmem>>) semaphore(%run_scoped3A : memref<!tpu.dma_semaphore, #tpu.memory_space<semaphore_mem>>) {add = true}
        %dma_wait3A_79 = arith.constant 0 : i32
        %dma_wait3A_80 = arith.constant 0 : i32
        %dma_wait3A_81 = tpu.memref_slice %arg9[%dma_wait3A_79, %dma_wait3A_80] : memref<10000x128xf32, #tpu.memory_space<vmem_shared>> -> memref<10000x128xf32, #tpu.memory_space<vmem_shared>>
        tpu.wait_indirect_dma semaphore(%run_scoped3A : memref<!tpu.dma_semaphore, #tpu.memory_space<semaphore_mem>>) src(%arg11 : memref<80x128xf32, #tpu.memory_space<vmem>>) dst(%dma_wait3A_81 : memref<10000x128xf32, #tpu.memory_space<vmem_shared>>)
        tpu.yield
      }) : () -> ()
      %dma_wait3A_74 = arith.constant 0 : i32
      %dma_wait3A_75 = tpu.memref_slice %arg10[%dma_wait3A_74] : memref<10000xf32, #tpu.memory_space<vmem_shared>> -> memref<10000xf32, #tpu.memory_space<vmem_shared>>
      tpu.wait_indirect_dma semaphore(%arg21 : memref<!tpu.dma_semaphore, #tpu.memory_space<semaphore_mem>>) src(%arg17 : memref<80xf32, #tpu.memory_space<vmem>>) dst(%dma_wait3A_75 : memref<10000xf32, #tpu.memory_space<vmem_shared>>)
    } else {
    }
    %eq3A_45 = arith.constant 1 : i32
    %eq3A_46 = arith.cmpi eq, %arg0, %eq3A_45 : i32
    %convert_element_type3A_47 = arith.extui %eq3A_46 : i1 to i32
    %cond3A_48 = arith.constant 0 : i32
    %cond3A_49 = arith.cmpi ne, %convert_element_type3A_47, %cond3A_48 : i32
    scf.if %cond3A_49 {
      %add3A_59 = arith.constant 0 : i32
      %add3A_60 = arith.addi %mul3A_39, %add3A_59 : i32
      "tpu.region"() ({
        %run_scoped3A = tpu.sem_alloc : memref<!tpu.dma_semaphore, #tpu.memory_space<semaphore_mem>>
        %dma_start3A_76 = tpu.memref_slice %arg5[%add3A_60] : memref<160000xi32, #tpu.memory_space<hbm>> -> memref<80xi32, #tpu.memory_space<hbm>>
        %dma_start3A_77 = tpu.memref_slice %arg5[%add3A_60] : memref<160000xi32, #tpu.memory_space<hbm>> -> memref<80xi32, #tpu.memory_space<hbm>>
        tpu.enqueue_dma source(%dma_start3A_77 : memref<80xi32, #tpu.memory_space<hbm>>) target(%arg13 : memref<80xi32, #tpu.memory_space<vmem>>) target_semaphore(%run_scoped3A : memref<!tpu.dma_semaphore, #tpu.memory_space<semaphore_mem>>)
        %dma_wait3A_78 = tpu.memref_slice %arg5[%add3A_60] : memref<160000xi32, #tpu.memory_space<hbm>> -> memref<80xi32, #tpu.memory_space<hbm>>
        %dma_wait3A_79 = tpu.memref_slice %arg5[%add3A_60] : memref<160000xi32, #tpu.memory_space<hbm>> -> memref<80xi32, #tpu.memory_space<hbm>>
        tpu.wait_dma2 semaphore(%run_scoped3A : memref<!tpu.dma_semaphore, #tpu.memory_space<semaphore_mem>>) src(%dma_wait3A_79 : memref<80xi32, #tpu.memory_space<hbm>>) dst(%arg13 : memref<80xi32, #tpu.memory_space<vmem>>)
        tpu.yield
      }) : () -> ()
      "tpu.region"() ({
        %run_scoped3A = tpu.sem_alloc : memref<!tpu.dma_semaphore, #tpu.memory_space<semaphore_mem>>
        %dma_start3A_76 = tpu.memref_slice %arg6[%add3A_60] : memref<160000xi32, #tpu.memory_space<hbm>> -> memref<80xi32, #tpu.memory_space<hbm>>
        %dma_start3A_77 = tpu.memref_slice %arg6[%add3A_60] : memref<160000xi32, #tpu.memory_space<hbm>> -> memref<80xi32, #tpu.memory_space<hbm>>
        tpu.enqueue_dma source(%dma_start3A_77 : memref<80xi32, #tpu.memory_space<hbm>>) target(%arg14 : memref<80xi32, #tpu.memory_space<vmem>>) target_semaphore(%run_scoped3A : memref<!tpu.dma_semaphore, #tpu.memory_space<semaphore_mem>>)
        %dma_wait3A_78 = tpu.memref_slice %arg6[%add3A_60] : memref<160000xi32, #tpu.memory_space<hbm>> -> memref<80xi32, #tpu.memory_space<hbm>>
        %dma_wait3A_79 = tpu.memref_slice %arg6[%add3A_60] : memref<160000xi32, #tpu.memory_space<hbm>> -> memref<80xi32, #tpu.memory_space<hbm>>
        tpu.wait_dma2 semaphore(%run_scoped3A : memref<!tpu.dma_semaphore, #tpu.memory_space<semaphore_mem>>) src(%dma_wait3A_79 : memref<80xi32, #tpu.memory_space<hbm>>) dst(%arg14 : memref<80xi32, #tpu.memory_space<vmem>>)
        tpu.yield
      }) : () -> ()
      %dma_start3A = arith.constant 0 : i32
      %dma_start3A_61 = arith.constant 0 : i32
      %dma_start3A_62 = tpu.memref_slice %arg2[%dma_start3A, %dma_start3A_61] : memref<10000x128xf32, #tpu.memory_space<hbm>> -> memref<10000x128xf32, #tpu.memory_space<hbm>>
      tpu.enqueue_indirect_dma source(%dma_start3A_62 : memref<10000x128xf32, #tpu.memory_space<hbm>>) target(%arg11 : memref<80x128xf32, #tpu.memory_space<vmem>>) offsets(%arg13 : memref<80xi32, #tpu.memory_space<vmem>>) semaphore(%arg19 : memref<!tpu.dma_semaphore, #tpu.memory_space<semaphore_mem>>)
      %scan3A_63 = arith.constant 0 : i32
      %scan3A_64 = arith.constant 0 : i32
      %scan3A_65 = arith.constant 62 : i32
      %scan3A_66 = arith.addi %scan3A_64, %scan3A_65 : i32
      %scan3A_67 = arith.constant 1 : i32
      %scan3A_68 = scf.for %scan3A_76 = %scan3A_64 to %scan3A_66 step %scan3A_67 iter_args(%scan3A_77 = %scan3A_63) -> (i32)  : i32 {
        %mul3A_78 = arith.constant 2 : i32
        %mul3A_79 = arith.muli %mul3A_78, %scan3A_76 : i32
        %add3A_80 = arith.constant 1 : i32
        %add3A_81 = arith.addi %mul3A_79, %add3A_80 : i32
        %mul3A_82 = arith.constant 80 : i32
        %mul3A_83 = arith.muli %add3A_81, %mul3A_82 : i32
        %add3A_84 = arith.addi %mul3A_39, %mul3A_83 : i32
        "tpu.region"() ({
          %run_scoped3A = tpu.sem_alloc : memref<!tpu.dma_semaphore, #tpu.memory_space<semaphore_mem>>
          %dma_start3A_111 = tpu.memref_slice %arg5[%add3A_84] : memref<160000xi32, #tpu.memory_space<hbm>> -> memref<80xi32, #tpu.memory_space<hbm>>
          %dma_start3A_112 = tpu.memref_slice %arg5[%add3A_84] : memref<160000xi32, #tpu.memory_space<hbm>> -> memref<80xi32, #tpu.memory_space<hbm>>
          tpu.enqueue_dma source(%dma_start3A_112 : memref<80xi32, #tpu.memory_space<hbm>>) target(%arg15 : memref<80xi32, #tpu.memory_space<vmem>>) target_semaphore(%run_scoped3A : memref<!tpu.dma_semaphore, #tpu.memory_space<semaphore_mem>>)
          %dma_wait3A_113 = tpu.memref_slice %arg5[%add3A_84] : memref<160000xi32, #tpu.memory_space<hbm>> -> memref<80xi32, #tpu.memory_space<hbm>>
          %dma_wait3A_114 = tpu.memref_slice %arg5[%add3A_84] : memref<160000xi32, #tpu.memory_space<hbm>> -> memref<80xi32, #tpu.memory_space<hbm>>
          tpu.wait_dma2 semaphore(%run_scoped3A : memref<!tpu.dma_semaphore, #tpu.memory_space<semaphore_mem>>) src(%dma_wait3A_114 : memref<80xi32, #tpu.memory_space<hbm>>) dst(%arg15 : memref<80xi32, #tpu.memory_space<vmem>>)
          tpu.yield
        }) : () -> ()
        "tpu.region"() ({
          %run_scoped3A = tpu.sem_alloc : memref<!tpu.dma_semaphore, #tpu.memory_space<semaphore_mem>>
          %dma_start3A_111 = tpu.memref_slice %arg6[%add3A_84] : memref<160000xi32, #tpu.memory_space<hbm>> -> memref<80xi32, #tpu.memory_space<hbm>>
          %dma_start3A_112 = tpu.memref_slice %arg6[%add3A_84] : memref<160000xi32, #tpu.memory_space<hbm>> -> memref<80xi32, #tpu.memory_space<hbm>>
          tpu.enqueue_dma source(%dma_start3A_112 : memref<80xi32, #tpu.memory_space<hbm>>) target(%arg16 : memref<80xi32, #tpu.memory_space<vmem>>) target_semaphore(%run_scoped3A : memref<!tpu.dma_semaphore, #tpu.memory_space<semaphore_mem>>)
          %dma_wait3A_113 = tpu.memref_slice %arg6[%add3A_84] : memref<160000xi32, #tpu.memory_space<hbm>> -> memref<80xi32, #tpu.memory_space<hbm>>
          %dma_wait3A_114 = tpu.memref_slice %arg6[%add3A_84] : memref<160000xi32, #tpu.memory_space<hbm>> -> memref<80xi32, #tpu.memory_space<hbm>>
          tpu.wait_dma2 semaphore(%run_scoped3A : memref<!tpu.dma_semaphore, #tpu.memory_space<semaphore_mem>>) src(%dma_wait3A_114 : memref<80xi32, #tpu.memory_space<hbm>>) dst(%arg16 : memref<80xi32, #tpu.memory_space<vmem>>)
          tpu.yield
        }) : () -> ()
        %dma_start3A_85 = arith.constant 0 : i32
        %dma_start3A_86 = arith.constant 0 : i32
        %dma_start3A_87 = tpu.memref_slice %arg2[%dma_start3A_85, %dma_start3A_86] : memref<10000x128xf32, #tpu.memory_space<hbm>> -> memref<10000x128xf32, #tpu.memory_space<hbm>>
        tpu.enqueue_indirect_dma source(%dma_start3A_87 : memref<10000x128xf32, #tpu.memory_space<hbm>>) target(%arg12 : memref<80x128xf32, #tpu.memory_space<vmem>>) offsets(%arg15 : memref<80xi32, #tpu.memory_space<vmem>>) semaphore(%arg20 : memref<!tpu.dma_semaphore, #tpu.memory_space<semaphore_mem>>)
        %dma_wait3A_88 = arith.constant 0 : i32
        %dma_wait3A_89 = arith.constant 0 : i32
        %dma_wait3A_90 = tpu.memref_slice %arg2[%dma_wait3A_88, %dma_wait3A_89] : memref<10000x128xf32, #tpu.memory_space<hbm>> -> memref<10000x128xf32, #tpu.memory_space<hbm>>
        tpu.wait_indirect_dma semaphore(%arg19 : memref<!tpu.dma_semaphore, #tpu.memory_space<semaphore_mem>>) src(%dma_wait3A_90 : memref<10000x128xf32, #tpu.memory_space<hbm>>) dst(%arg11 : memref<80x128xf32, #tpu.memory_space<vmem>>)
        %dma_start3A_91 = arith.constant 0 : i32
        %dma_start3A_92 = tpu.memref_slice %arg10[%dma_start3A_91] : memref<10000xf32, #tpu.memory_space<vmem_shared>> -> memref<10000xf32, #tpu.memory_space<vmem_shared>>
        tpu.enqueue_indirect_dma source(%arg17 : memref<80xf32, #tpu.memory_space<vmem>>) target(%dma_start3A_92 : memref<10000xf32, #tpu.memory_space<vmem_shared>>) offsets(%arg14 : memref<80xi32, #tpu.memory_space<vmem>>) semaphore(%arg21 : memref<!tpu.dma_semaphore, #tpu.memory_space<semaphore_mem>>) {add = true}
        "tpu.region"() ({
          %run_scoped3A = tpu.sem_alloc : memref<!tpu.dma_semaphore, #tpu.memory_space<semaphore_mem>>
          %dma_start3A_111 = arith.constant 0 : i32
          %dma_start3A_112 = arith.constant 0 : i32
          %dma_start3A_113 = tpu.memref_slice %arg9[%dma_start3A_111, %dma_start3A_112] : memref<10000x128xf32, #tpu.memory_space<vmem_shared>> -> memref<10000x128xf32, #tpu.memory_space<vmem_shared>>
          tpu.enqueue_indirect_dma source(%arg11 : memref<80x128xf32, #tpu.memory_space<vmem>>) target(%dma_start3A_113 : memref<10000x128xf32, #tpu.memory_space<vmem_shared>>) offsets(%arg14 : memref<80xi32, #tpu.memory_space<vmem>>) semaphore(%run_scoped3A : memref<!tpu.dma_semaphore, #tpu.memory_space<semaphore_mem>>) {add = true}
          %dma_wait3A_114 = arith.constant 0 : i32
          %dma_wait3A_115 = arith.constant 0 : i32
          %dma_wait3A_116 = tpu.memref_slice %arg9[%dma_wait3A_114, %dma_wait3A_115] : memref<10000x128xf32, #tpu.memory_space<vmem_shared>> -> memref<10000x128xf32, #tpu.memory_space<vmem_shared>>
          tpu.wait_indirect_dma semaphore(%run_scoped3A : memref<!tpu.dma_semaphore, #tpu.memory_space<semaphore_mem>>) src(%arg11 : memref<80x128xf32, #tpu.memory_space<vmem>>) dst(%dma_wait3A_116 : memref<10000x128xf32, #tpu.memory_space<vmem_shared>>)
          tpu.yield
        }) : () -> ()
        %dma_wait3A_93 = arith.constant 0 : i32
        %dma_wait3A_94 = tpu.memref_slice %arg10[%dma_wait3A_93] : memref<10000xf32, #tpu.memory_space<vmem_shared>> -> memref<10000xf32, #tpu.memory_space<vmem_shared>>
        tpu.wait_indirect_dma semaphore(%arg21 : memref<!tpu.dma_semaphore, #tpu.memory_space<semaphore_mem>>) src(%arg17 : memref<80xf32, #tpu.memory_space<vmem>>) dst(%dma_wait3A_94 : memref<10000xf32, #tpu.memory_space<vmem_shared>>)
        %add3A_95 = arith.constant 2 : i32
        %add3A_96 = arith.addi %mul3A_79, %add3A_95 : i32
        %mul3A_97 = arith.constant 80 : i32
        %mul3A_98 = arith.muli %add3A_96, %mul3A_97 : i32
        %add3A_99 = arith.addi %mul3A_39, %mul3A_98 : i32
        "tpu.region"() ({
          %run_scoped3A = tpu.sem_alloc : memref<!tpu.dma_semaphore, #tpu.memory_space<semaphore_mem>>
          %dma_start3A_111 = tpu.memref_slice %arg5[%add3A_99] : memref<160000xi32, #tpu.memory_space<hbm>> -> memref<80xi32, #tpu.memory_space<hbm>>
          %dma_start3A_112 = tpu.memref_slice %arg5[%add3A_99] : memref<160000xi32, #tpu.memory_space<hbm>> -> memref<80xi32, #tpu.memory_space<hbm>>
          tpu.enqueue_dma source(%dma_start3A_112 : memref<80xi32, #tpu.memory_space<hbm>>) target(%arg13 : memref<80xi32, #tpu.memory_space<vmem>>) target_semaphore(%run_scoped3A : memref<!tpu.dma_semaphore, #tpu.memory_space<semaphore_mem>>)
          %dma_wait3A_113 = tpu.memref_slice %arg5[%add3A_99] : memref<160000xi32, #tpu.memory_space<hbm>> -> memref<80xi32, #tpu.memory_space<hbm>>
          %dma_wait3A_114 = tpu.memref_slice %arg5[%add3A_99] : memref<160000xi32, #tpu.memory_space<hbm>> -> memref<80xi32, #tpu.memory_space<hbm>>
          tpu.wait_dma2 semaphore(%run_scoped3A : memref<!tpu.dma_semaphore, #tpu.memory_space<semaphore_mem>>) src(%dma_wait3A_114 : memref<80xi32, #tpu.memory_space<hbm>>) dst(%arg13 : memref<80xi32, #tpu.memory_space<vmem>>)
          tpu.yield
        }) : () -> ()
        "tpu.region"() ({
          %run_scoped3A = tpu.sem_alloc : memref<!tpu.dma_semaphore, #tpu.memory_space<semaphore_mem>>
          %dma_start3A_111 = tpu.memref_slice %arg6[%add3A_99] : memref<160000xi32, #tpu.memory_space<hbm>> -> memref<80xi32, #tpu.memory_space<hbm>>
          %dma_start3A_112 = tpu.memref_slice %arg6[%add3A_99] : memref<160000xi32, #tpu.memory_space<hbm>> -> memref<80xi32, #tpu.memory_space<hbm>>
          tpu.enqueue_dma source(%dma_start3A_112 : memref<80xi32, #tpu.memory_space<hbm>>) target(%arg14 : memref<80xi32, #tpu.memory_space<vmem>>) target_semaphore(%run_scoped3A : memref<!tpu.dma_semaphore, #tpu.memory_space<semaphore_mem>>)
          %dma_wait3A_113 = tpu.memref_slice %arg6[%add3A_99] : memref<160000xi32, #tpu.memory_space<hbm>> -> memref<80xi32, #tpu.memory_space<hbm>>
          %dma_wait3A_114 = tpu.memref_slice %arg6[%add3A_99] : memref<160000xi32, #tpu.memory_space<hbm>> -> memref<80xi32, #tpu.memory_space<hbm>>
          tpu.wait_dma2 semaphore(%run_scoped3A : memref<!tpu.dma_semaphore, #tpu.memory_space<semaphore_mem>>) src(%dma_wait3A_114 : memref<80xi32, #tpu.memory_space<hbm>>) dst(%arg14 : memref<80xi32, #tpu.memory_space<vmem>>)
          tpu.yield
        }) : () -> ()
        %dma_start3A_100 = arith.constant 0 : i32
        %dma_start3A_101 = arith.constant 0 : i32
        %dma_start3A_102 = tpu.memref_slice %arg2[%dma_start3A_100, %dma_start3A_101] : memref<10000x128xf32, #tpu.memory_space<hbm>> -> memref<10000x128xf32, #tpu.memory_space<hbm>>
        tpu.enqueue_indirect_dma source(%dma_start3A_102 : memref<10000x128xf32, #tpu.memory_space<hbm>>) target(%arg11 : memref<80x128xf32, #tpu.memory_space<vmem>>) offsets(%arg13 : memref<80xi32, #tpu.memory_space<vmem>>) semaphore(%arg19 : memref<!tpu.dma_semaphore, #tpu.memory_space<semaphore_mem>>)
        %dma_wait3A_103 = arith.constant 0 : i32
        %dma_wait3A_104 = arith.constant 0 : i32
        %dma_wait3A_105 = tpu.memref_slice %arg2[%dma_wait3A_103, %dma_wait3A_104] : memref<10000x128xf32, #tpu.memory_space<hbm>> -> memref<10000x128xf32, #tpu.memory_space<hbm>>
        tpu.wait_indirect_dma semaphore(%arg20 : memref<!tpu.dma_semaphore, #tpu.memory_space<semaphore_mem>>) src(%dma_wait3A_105 : memref<10000x128xf32, #tpu.memory_space<hbm>>) dst(%arg12 : memref<80x128xf32, #tpu.memory_space<vmem>>)
        %dma_start3A_106 = arith.constant 0 : i32
        %dma_start3A_107 = tpu.memref_slice %arg10[%dma_start3A_106] : memref<10000xf32, #tpu.memory_space<vmem_shared>> -> memref<10000xf32, #tpu.memory_space<vmem_shared>>
        tpu.enqueue_indirect_dma source(%arg17 : memref<80xf32, #tpu.memory_space<vmem>>) target(%dma_start3A_107 : memref<10000xf32, #tpu.memory_space<vmem_shared>>) offsets(%arg16 : memref<80xi32, #tpu.memory_space<vmem>>) semaphore(%arg22 : memref<!tpu.dma_semaphore, #tpu.memory_space<semaphore_mem>>) {add = true}
        "tpu.region"() ({
          %run_scoped3A = tpu.sem_alloc : memref<!tpu.dma_semaphore, #tpu.memory_space<semaphore_mem>>
          %dma_start3A_111 = arith.constant 0 : i32
          %dma_start3A_112 = arith.constant 0 : i32
          %dma_start3A_113 = tpu.memref_slice %arg9[%dma_start3A_111, %dma_start3A_112] : memref<10000x128xf32, #tpu.memory_space<vmem_shared>> -> memref<10000x128xf32, #tpu.memory_space<vmem_shared>>
          tpu.enqueue_indirect_dma source(%arg12 : memref<80x128xf32, #tpu.memory_space<vmem>>) target(%dma_start3A_113 : memref<10000x128xf32, #tpu.memory_space<vmem_shared>>) offsets(%arg16 : memref<80xi32, #tpu.memory_space<vmem>>) semaphore(%run_scoped3A : memref<!tpu.dma_semaphore, #tpu.memory_space<semaphore_mem>>) {add = true}
          %dma_wait3A_114 = arith.constant 0 : i32
          %dma_wait3A_115 = arith.constant 0 : i32
          %dma_wait3A_116 = tpu.memref_slice %arg9[%dma_wait3A_114, %dma_wait3A_115] : memref<10000x128xf32, #tpu.memory_space<vmem_shared>> -> memref<10000x128xf32, #tpu.memory_space<vmem_shared>>
          tpu.wait_indirect_dma semaphore(%run_scoped3A : memref<!tpu.dma_semaphore, #tpu.memory_space<semaphore_mem>>) src(%arg12 : memref<80x128xf32, #tpu.memory_space<vmem>>) dst(%dma_wait3A_116 : memref<10000x128xf32, #tpu.memory_space<vmem_shared>>)
          tpu.yield
        }) : () -> ()
        %dma_wait3A_108 = arith.constant 0 : i32
        %dma_wait3A_109 = tpu.memref_slice %arg10[%dma_wait3A_108] : memref<10000xf32, #tpu.memory_space<vmem_shared>> -> memref<10000xf32, #tpu.memory_space<vmem_shared>>
        tpu.wait_indirect_dma semaphore(%arg22 : memref<!tpu.dma_semaphore, #tpu.memory_space<semaphore_mem>>) src(%arg17 : memref<80xf32, #tpu.memory_space<vmem>>) dst(%dma_wait3A_109 : memref<10000xf32, #tpu.memory_space<vmem_shared>>)
        %scan3A_110 = arith.constant 0 : i32
        scf.yield %scan3A_110 : i32
      }
      %scan3A_69 = arith.constant 62 : i32
      %dma_wait3A = arith.constant 0 : i32
      %dma_wait3A_70 = arith.constant 0 : i32
      %dma_wait3A_71 = tpu.memref_slice %arg2[%dma_wait3A, %dma_wait3A_70] : memref<10000x128xf32, #tpu.memory_space<hbm>> -> memref<10000x128xf32, #tpu.memory_space<hbm>>
      tpu.wait_indirect_dma semaphore(%arg19 : memref<!tpu.dma_semaphore, #tpu.memory_space<semaphore_mem>>) src(%dma_wait3A_71 : memref<10000x128xf32, #tpu.memory_space<hbm>>) dst(%arg11 : memref<80x128xf32, #tpu.memory_space<vmem>>)
      %dma_start3A_72 = arith.constant 0 : i32
      %dma_start3A_73 = tpu.memref_slice %arg10[%dma_start3A_72] : memref<10000xf32, #tpu.memory_space<vmem_shared>> -> memref<10000xf32, #tpu.memory_space<vmem_shared>>
      tpu.enqueue_indirect_dma source(%arg17 : memref<80xf32, #tpu.memory_space<vmem>>) target(%dma_start3A_73 : memref<10000xf32, #tpu.memory_space<vmem_shared>>) offsets(%arg14 : memref<80xi32, #tpu.memory_space<vmem>>) semaphore(%arg21 : memref<!tpu.dma_semaphore, #tpu.memory_space<semaphore_mem>>) {add = true}
      "tpu.region"() ({
        %run_scoped3A = tpu.sem_alloc : memref<!tpu.dma_semaphore, #tpu.memory_space<semaphore_mem>>
        %dma_start3A_76 = arith.constant 0 : i32
        %dma_start3A_77 = arith.constant 0 : i32
        %dma_start3A_78 = tpu.memref_slice %arg9[%dma_start3A_76, %dma_start3A_77] : memref<10000x128xf32, #tpu.memory_space<vmem_shared>> -> memref<10000x128xf32, #tpu.memory_space<vmem_shared>>
        tpu.enqueue_indirect_dma source(%arg11 : memref<80x128xf32, #tpu.memory_space<vmem>>) target(%dma_start3A_78 : memref<10000x128xf32, #tpu.memory_space<vmem_shared>>) offsets(%arg14 : memref<80xi32, #tpu.memory_space<vmem>>) semaphore(%run_scoped3A : memref<!tpu.dma_semaphore, #tpu.memory_space<semaphore_mem>>) {add = true}
        %dma_wait3A_79 = arith.constant 0 : i32
        %dma_wait3A_80 = arith.constant 0 : i32
        %dma_wait3A_81 = tpu.memref_slice %arg9[%dma_wait3A_79, %dma_wait3A_80] : memref<10000x128xf32, #tpu.memory_space<vmem_shared>> -> memref<10000x128xf32, #tpu.memory_space<vmem_shared>>
        tpu.wait_indirect_dma semaphore(%run_scoped3A : memref<!tpu.dma_semaphore, #tpu.memory_space<semaphore_mem>>) src(%arg11 : memref<80x128xf32, #tpu.memory_space<vmem>>) dst(%dma_wait3A_81 : memref<10000x128xf32, #tpu.memory_space<vmem_shared>>)
        tpu.yield
      }) : () -> ()
      %dma_wait3A_74 = arith.constant 0 : i32
      %dma_wait3A_75 = tpu.memref_slice %arg10[%dma_wait3A_74] : memref<10000xf32, #tpu.memory_space<vmem_shared>> -> memref<10000xf32, #tpu.memory_space<vmem_shared>>
      tpu.wait_indirect_dma semaphore(%arg21 : memref<!tpu.dma_semaphore, #tpu.memory_space<semaphore_mem>>) src(%arg17 : memref<80xf32, #tpu.memory_space<vmem>>) dst(%dma_wait3A_75 : memref<10000xf32, #tpu.memory_space<vmem_shared>>)
    } else {
    }
    %barrier3A_50 = arith.constant 0 : index
    tpu.barrier barrier_id(%barrier3A_50)
    "tpu.region"() ({
      %run_scoped3A = tpu.sem_alloc : memref<!tpu.dma_semaphore, #tpu.memory_space<semaphore_mem>>
      %dma_start3A = arith.constant 0 : i32
      %dma_start3A_59 = tpu.memref_slice %arg7[%arg0, %mul3A_20, %dma_start3A] : memref<2x10000x128xf32, #tpu.memory_space<hbm>> -> memref<1x624x128xf32, #tpu.memory_space<hbm>>
      %dma_start3A_60 = tpu.memref_squeeze %dma_start3A_59 : memref<1x624x128xf32, #tpu.memory_space<hbm>> -> memref<624x128xf32, #tpu.memory_space<hbm>>
      %dma_start3A_61 = arith.constant 0 : i32
      %dma_start3A_62 = tpu.memref_slice %arg9[%mul3A_20, %dma_start3A_61] : memref<10000x128xf32, #tpu.memory_space<vmem_shared>> -> memref<624x128xf32, #tpu.memory_space<vmem_shared>>
      tpu.enqueue_dma source(%dma_start3A_62 : memref<624x128xf32, #tpu.memory_space<vmem_shared>>) target(%dma_start3A_60 : memref<624x128xf32, #tpu.memory_space<hbm>>) target_semaphore(%run_scoped3A : memref<!tpu.dma_semaphore, #tpu.memory_space<semaphore_mem>>)
      %dma_wait3A = arith.constant 0 : i32
      %dma_wait3A_63 = tpu.memref_slice %arg7[%arg0, %mul3A_20, %dma_wait3A] : memref<2x10000x128xf32, #tpu.memory_space<hbm>> -> memref<1x624x128xf32, #tpu.memory_space<hbm>>
      %dma_wait3A_64 = tpu.memref_squeeze %dma_wait3A_63 : memref<1x624x128xf32, #tpu.memory_space<hbm>> -> memref<624x128xf32, #tpu.memory_space<hbm>>
      %dma_wait3A_65 = arith.constant 0 : i32
      %dma_wait3A_66 = tpu.memref_slice %arg9[%mul3A_20, %dma_wait3A_65] : memref<10000x128xf32, #tpu.memory_space<vmem_shared>> -> memref<624x128xf32, #tpu.memory_space<vmem_shared>>
      tpu.wait_dma2 semaphore(%run_scoped3A : memref<!tpu.dma_semaphore, #tpu.memory_space<semaphore_mem>>) src(%dma_wait3A_66 : memref<624x128xf32, #tpu.memory_space<vmem_shared>>) dst(%dma_wait3A_64 : memref<624x128xf32, #tpu.memory_space<hbm>>)
      tpu.yield
    }) : () -> ()
    "tpu.region"() ({
      %run_scoped3A = tpu.sem_alloc : memref<!tpu.dma_semaphore, #tpu.memory_space<semaphore_mem>>
      %dma_start3A = tpu.memref_slice %arg10[%mul3A_20] : memref<10000xf32, #tpu.memory_space<vmem_shared>> -> memref<624xf32, #tpu.memory_space<vmem_shared>>
      %dma_start3A_59 = tpu.memref_slice %arg10[%mul3A_20] : memref<10000xf32, #tpu.memory_space<vmem_shared>> -> memref<624xf32, #tpu.memory_space<vmem_shared>>
      tpu.enqueue_dma source(%dma_start3A_59 : memref<624xf32, #tpu.memory_space<vmem_shared>>) target(%arg18 : memref<624xf32, #tpu.memory_space<vmem>>) target_semaphore(%run_scoped3A : memref<!tpu.dma_semaphore, #tpu.memory_space<semaphore_mem>>)
      %dma_wait3A = tpu.memref_slice %arg10[%mul3A_20] : memref<10000xf32, #tpu.memory_space<vmem_shared>> -> memref<624xf32, #tpu.memory_space<vmem_shared>>
      %dma_wait3A_60 = tpu.memref_slice %arg10[%mul3A_20] : memref<10000xf32, #tpu.memory_space<vmem_shared>> -> memref<624xf32, #tpu.memory_space<vmem_shared>>
      tpu.wait_dma2 semaphore(%run_scoped3A : memref<!tpu.dma_semaphore, #tpu.memory_space<semaphore_mem>>) src(%dma_wait3A_60 : memref<624xf32, #tpu.memory_space<vmem_shared>>) dst(%arg18 : memref<624xf32, #tpu.memory_space<vmem>>)
      tpu.yield
    }) : () -> ()
    %mul3A_51 = arith.constant 10000 : i32
    %mul3A_52 = arith.muli %arg0, %mul3A_51 : i32
    %add3A_53 = arith.addi %mul3A_52, %mul3A_20 : i32
    "tpu.region"() ({
      %run_scoped3A = tpu.sem_alloc : memref<!tpu.dma_semaphore, #tpu.memory_space<semaphore_mem>>
      %dma_start3A = tpu.memref_slice %arg8[%add3A_53] : memref<20000xf32, #tpu.memory_space<hbm>> -> memref<624xf32, #tpu.memory_space<hbm>>
      %dma_start3A_59 = tpu.memref_slice %arg8[%add3A_53] : memref<20000xf32, #tpu.memory_space<hbm>> -> memref<624xf32, #tpu.memory_space<hbm>>
      tpu.enqueue_dma source(%arg18 : memref<624xf32, #tpu.memory_space<vmem>>) target(%dma_start3A_59 : memref<624xf32, #tpu.memory_space<hbm>>) target_semaphore(%run_scoped3A : memref<!tpu.dma_semaphore, #tpu.memory_space<semaphore_mem>>)
      %dma_wait3A = tpu.memref_slice %arg8[%add3A_53] : memref<20000xf32, #tpu.memory_space<hbm>> -> memref<624xf32, #tpu.memory_space<hbm>>
      %dma_wait3A_60 = tpu.memref_slice %arg8[%add3A_53] : memref<20000xf32, #tpu.memory_space<hbm>> -> memref<624xf32, #tpu.memory_space<hbm>>
      tpu.wait_dma2 semaphore(%run_scoped3A : memref<!tpu.dma_semaphore, #tpu.memory_space<semaphore_mem>>) src(%arg18 : memref<624xf32, #tpu.memory_space<vmem>>) dst(%dma_wait3A_60 : memref<624xf32, #tpu.memory_space<hbm>>)
      tpu.yield
    }) : () -> ()
    %eq3A_54 = arith.constant 15 : i32
    %eq3A_55 = arith.cmpi eq, %arg1, %eq3A_54 : i32
    %convert_element_type3A_56 = arith.extui %eq3A_55 : i1 to i32
    %cond3A_57 = arith.constant 0 : i32
    %cond3A_58 = arith.cmpi ne, %convert_element_type3A_56, %cond3A_57 : i32
    scf.if %cond3A_58 {
      "tpu.region"() ({
        %run_scoped3A = tpu.sem_alloc : memref<!tpu.dma_semaphore, #tpu.memory_space<semaphore_mem>>
        %dma_start3A = arith.constant 9984 : i32
        %dma_start3A_63 = arith.constant 0 : i32
        %dma_start3A_64 = tpu.memref_slice %arg7[%arg0, %dma_start3A, %dma_start3A_63] : memref<2x10000x128xf32, #tpu.memory_space<hbm>> -> memref<1x16x128xf32, #tpu.memory_space<hbm>>
        %dma_start3A_65 = tpu.memref_squeeze %dma_start3A_64 : memref<1x16x128xf32, #tpu.memory_space<hbm>> -> memref<16x128xf32, #tpu.memory_space<hbm>>
        %dma_start3A_66 = arith.constant 9984 : i32
        %dma_start3A_67 = arith.constant 0 : i32
        %dma_start3A_68 = tpu.memref_slice %arg9[%dma_start3A_66, %dma_start3A_67] : memref<10000x128xf32, #tpu.memory_space<vmem_shared>> -> memref<16x128xf32, #tpu.memory_space<vmem_shared>>
        tpu.enqueue_dma source(%dma_start3A_68 : memref<16x128xf32, #tpu.memory_space<vmem_shared>>) target(%dma_start3A_65 : memref<16x128xf32, #tpu.memory_space<hbm>>) target_semaphore(%run_scoped3A : memref<!tpu.dma_semaphore, #tpu.memory_space<semaphore_mem>>)
        %dma_wait3A = arith.constant 9984 : i32
        %dma_wait3A_69 = arith.constant 0 : i32
        %dma_wait3A_70 = tpu.memref_slice %arg7[%arg0, %dma_wait3A, %dma_wait3A_69] : memref<2x10000x128xf32, #tpu.memory_space<hbm>> -> memref<1x16x128xf32, #tpu.memory_space<hbm>>
        %dma_wait3A_71 = tpu.memref_squeeze %dma_wait3A_70 : memref<1x16x128xf32, #tpu.memory_space<hbm>> -> memref<16x128xf32, #tpu.memory_space<hbm>>
        %dma_wait3A_72 = arith.constant 9984 : i32
        %dma_wait3A_73 = arith.constant 0 : i32
        %dma_wait3A_74 = tpu.memref_slice %arg9[%dma_wait3A_72, %dma_wait3A_73] : memref<10000x128xf32, #tpu.memory_space<vmem_shared>> -> memref<16x128xf32, #tpu.memory_space<vmem_shared>>
        tpu.wait_dma2 semaphore(%run_scoped3A : memref<!tpu.dma_semaphore, #tpu.memory_space<semaphore_mem>>) src(%dma_wait3A_74 : memref<16x128xf32, #tpu.memory_space<vmem_shared>>) dst(%dma_wait3A_71 : memref<16x128xf32, #tpu.memory_space<hbm>>)
        tpu.yield
      }) : () -> ()
      "tpu.region"() ({
        %run_scoped3A = tpu.sem_alloc : memref<!tpu.dma_semaphore, #tpu.memory_space<semaphore_mem>>
        %dma_start3A = arith.constant 0 : i32
        %dma_start3A_63 = tpu.memref_slice %arg18[%dma_start3A] : memref<624xf32, #tpu.memory_space<vmem>> -> memref<16xf32, #tpu.memory_space<vmem>>
        %dma_start3A_64 = arith.constant 9984 : i32
        %dma_start3A_65 = tpu.memref_slice %arg10[%dma_start3A_64] : memref<10000xf32, #tpu.memory_space<vmem_shared>> -> memref<16xf32, #tpu.memory_space<vmem_shared>>
        %dma_start3A_66 = arith.constant 0 : i32
        %dma_start3A_67 = tpu.memref_slice %arg18[%dma_start3A_66] : memref<624xf32, #tpu.memory_space<vmem>> -> memref<16xf32, #tpu.memory_space<vmem>>
        %dma_start3A_68 = arith.constant 9984 : i32
        %dma_start3A_69 = tpu.memref_slice %arg10[%dma_start3A_68] : memref<10000xf32, #tpu.memory_space<vmem_shared>> -> memref<16xf32, #tpu.memory_space<vmem_shared>>
        tpu.enqueue_dma source(%dma_start3A_69 : memref<16xf32, #tpu.memory_space<vmem_shared>>) target(%dma_start3A_67 : memref<16xf32, #tpu.memory_space<vmem>>) target_semaphore(%run_scoped3A : memref<!tpu.dma_semaphore, #tpu.memory_space<semaphore_mem>>)
        %dma_wait3A = arith.constant 0 : i32
        %dma_wait3A_70 = tpu.memref_slice %arg18[%dma_wait3A] : memref<624xf32, #tpu.memory_space<vmem>> -> memref<16xf32, #tpu.memory_space<vmem>>
        %dma_wait3A_71 = arith.constant 9984 : i32
        %dma_wait3A_72 = tpu.memref_slice %arg10[%dma_wait3A_71] : memref<10000xf32, #tpu.memory_space<vmem_shared>> -> memref<16xf32, #tpu.memory_space<vmem_shared>>
        %dma_wait3A_73 = arith.constant 0 : i32
        %dma_wait3A_74 = tpu.memref_slice %arg18[%dma_wait3A_73] : memref<624xf32, #tpu.memory_space<vmem>> -> memref<16xf32, #tpu.memory_space<vmem>>
        %dma_wait3A_75 = arith.constant 9984 : i32
        %dma_wait3A_76 = tpu.memref_slice %arg10[%dma_wait3A_75] : memref<10000xf32, #tpu.memory_space<vmem_shared>> -> memref<16xf32, #tpu.memory_space<vmem_shared>>
        tpu.wait_dma2 semaphore(%run_scoped3A : memref<!tpu.dma_semaphore, #tpu.memory_space<semaphore_mem>>) src(%dma_wait3A_76 : memref<16xf32, #tpu.memory_space<vmem_shared>>) dst(%dma_wait3A_74 : memref<16xf32, #tpu.memory_space<vmem>>)
        tpu.yield
      }) : () -> ()
      %mul3A_59 = arith.constant 10000 : i32
      %mul3A_60 = arith.muli %arg0, %mul3A_59 : i32
      %add3A_61 = arith.constant 9984 : i32
      %add3A_62 = arith.addi %mul3A_60, %add3A_61 : i32
      "tpu.region"() ({
        %run_scoped3A = tpu.sem_alloc : memref<!tpu.dma_semaphore, #tpu.memory_space<semaphore_mem>>
        %dma_start3A = arith.constant 0 : i32
        %dma_start3A_63 = tpu.memref_slice %arg18[%dma_start3A] : memref<624xf32, #tpu.memory_space<vmem>> -> memref<16xf32, #tpu.memory_space<vmem>>
        %dma_start3A_64 = tpu.memref_slice %arg8[%add3A_62] : memref<20000xf32, #tpu.memory_space<hbm>> -> memref<16xf32, #tpu.memory_space<hbm>>
        %dma_start3A_65 = tpu.memref_slice %arg8[%add3A_62] : memref<20000xf32, #tpu.memory_space<hbm>> -> memref<16xf32, #tpu.memory_space<hbm>>
        %dma_start3A_66 = arith.constant 0 : i32
        %dma_start3A_67 = tpu.memref_slice %arg18[%dma_start3A_66] : memref<624xf32, #tpu.memory_space<vmem>> -> memref<16xf32, #tpu.memory_space<vmem>>
        tpu.enqueue_dma source(%dma_start3A_67 : memref<16xf32, #tpu.memory_space<vmem>>) target(%dma_start3A_65 : memref<16xf32, #tpu.memory_space<hbm>>) target_semaphore(%run_scoped3A : memref<!tpu.dma_semaphore, #tpu.memory_space<semaphore_mem>>)
        %dma_wait3A = arith.constant 0 : i32
        %dma_wait3A_68 = tpu.memref_slice %arg18[%dma_wait3A] : memref<624xf32, #tpu.memory_space<vmem>> -> memref<16xf32, #tpu.memory_space<vmem>>
        %dma_wait3A_69 = tpu.memref_slice %arg8[%add3A_62] : memref<20000xf32, #tpu.memory_space<hbm>> -> memref<16xf32, #tpu.memory_space<hbm>>
        %dma_wait3A_70 = tpu.memref_slice %arg8[%add3A_62] : memref<20000xf32, #tpu.memory_space<hbm>> -> memref<16xf32, #tpu.memory_space<hbm>>
        %dma_wait3A_71 = arith.constant 0 : i32
        %dma_wait3A_72 = tpu.memref_slice %arg18[%dma_wait3A_71] : memref<624xf32, #tpu.memory_space<vmem>> -> memref<16xf32, #tpu.memory_space<vmem>>
        tpu.wait_dma2 semaphore(%run_scoped3A : memref<!tpu.dma_semaphore, #tpu.memory_space<semaphore_mem>>) src(%dma_wait3A_72 : memref<16xf32, #tpu.memory_space<vmem>>) dst(%dma_wait3A_70 : memref<16xf32, #tpu.memory_space<hbm>>)
        tpu.yield
      }) : () -> ()
    } else {
    }
    return
  }
}

#map = affine_map<(d0, d1) -> (0, 0)>
#map1 = affine_map<(d0, d1) -> (0)>
#map2 = affine_map<(d0, d1) -> (0, 0, 0)>
module attributes {stable_mosaic.version = 14 : i64} {
  func.func @_agg_body(%arg0: i32, %arg1: i32, %arg2: memref<10000x128xf32, #tpu.memory_space<hbm>>, %arg3: memref<160000xi32, #tpu.memory_space<hbm>>, %arg4: memref<160000xi32, #tpu.memory_space<hbm>>, %arg5: memref<160000xi32, #tpu.memory_space<hbm>>, %arg6: memref<160000xi32, #tpu.memory_space<hbm>>, %arg7: memref<2x10000x128xf32, #tpu.memory_space<hbm>>, %arg8: memref<20000xf32, #tpu.memory_space<hbm>>, %arg9: memref<10000x128xf32, #tpu.memory_space<vmem_shared>>, %arg10: memref<10000xf32, #tpu.memory_space<vmem_shared>>, %arg11: memref<80x128xf32, #tpu.memory_space<vmem>>, %arg12: memref<80x128xf32, #tpu.memory_space<vmem>>, %arg13: memref<80xi32, #tpu.memory_space<vmem>>, %arg14: memref<80xi32, #tpu.memory_space<vmem>>, %arg15: memref<80xi32, #tpu.memory_space<vmem>>, %arg16: memref<80xi32, #tpu.memory_space<vmem>>, %arg17: memref<80xf32, #tpu.memory_space<vmem>>, %arg18: memref<624xf32, #tpu.memory_space<vmem>>, %arg19: memref<!tpu.dma_semaphore, #tpu.memory_space<semaphore_mem>>, %arg20: memref<!tpu.dma_semaphore, #tpu.memory_space<semaphore_mem>>, %arg21: memref<!tpu.dma_semaphore, #tpu.memory_space<semaphore_mem>>, %arg22: memref<!tpu.dma_semaphore, #tpu.memory_space<semaphore_mem>>) attributes {dimension_semantics = [#tpu.dimension_semantics<core_parallel>, #tpu.dimension_semantics<subcore_parallel>], iteration_bounds = array<i64: 2, 16>, scalar_prefetch = 0 : i64, scratch_operands = 14 : i64, tpu.core_type = #tpu.core_type<sc_vector_subcore>, window_params = [{transform_indices = #map}, {transform_indices = #map1}, {transform_indices = #map1}, {transform_indices = #map1}, {transform_indices = #map1}, {transform_indices = #map2}, {transform_indices = #map1}]} {
    %scan3A = arith.constant 0 : i32
    %scan3A_0 = arith.constant 0 : i32
    %scan3A_1 = arith.constant 80 : i32
    %scan3A_2 = arith.addi %scan3A_0, %scan3A_1 : i32
    %scan3A_3 = arith.constant 1 : i32
    %scan3A_4 = scf.for %scan3A_59 = %scan3A_0 to %scan3A_2 step %scan3A_3 iter_args(%scan3A_60 = %scan3A) -> (i32)  : i32 {
      %broadcast_in_dim3A = arith.constant 0.000000e+00 : f32
      %broadcast_in_dim3A_61 = vector.broadcast %broadcast_in_dim3A : f32 to vector<16xf32>
      %swap3A = arith.index_cast %scan3A_59 : i32 to index
      %swap3A_62 = arith.constant 0 : index
      %swap3A_63 = tpu.vector_load %arg11[%swap3A, %swap3A_62] {strides = array<i32>} : memref<80x128xf32, #tpu.memory_space<vmem>>, vector<1x16xf32>,
      %swap3A_64 = vector.shape_cast %swap3A_63 : vector<1x16xf32> to vector<16xf32>
      %swap3A_65 = vector.shape_cast %broadcast_in_dim3A_61 : vector<16xf32> to vector<1x16xf32>
      tpu.vector_store %arg11[%swap3A, %swap3A_62], %swap3A_65 {strides = array<i32>} : memref<80x128xf32, #tpu.memory_space<vmem>>, vector<1x16xf32>,
      %broadcast_in_dim3A_66 = arith.constant 0.000000e+00 : f32
      %broadcast_in_dim3A_67 = vector.broadcast %broadcast_in_dim3A_66 : f32 to vector<16xf32>
      %swap3A_68 = arith.index_cast %scan3A_59 : i32 to index
      %swap3A_69 = arith.constant 16 : index
      %swap3A_70 = tpu.vector_load %arg11[%swap3A_68, %swap3A_69] {strides = array<i32>} : memref<80x128xf32, #tpu.memory_space<vmem>>, vector<1x16xf32>,
      %swap3A_71 = vector.shape_cast %swap3A_70 : vector<1x16xf32> to vector<16xf32>
      %swap3A_72 = vector.shape_cast %broadcast_in_dim3A_67 : vector<16xf32> to vector<1x16xf32>
      tpu.vector_store %arg11[%swap3A_68, %swap3A_69], %swap3A_72 {strides = array<i32>} : memref<80x128xf32, #tpu.memory_space<vmem>>, vector<1x16xf32>,
      %broadcast_in_dim3A_73 = arith.constant 0.000000e+00 : f32
      %broadcast_in_dim3A_74 = vector.broadcast %broadcast_in_dim3A_73 : f32 to vector<16xf32>
      %swap3A_75 = arith.index_cast %scan3A_59 : i32 to index
      %swap3A_76 = arith.constant 32 : index
      %swap3A_77 = tpu.vector_load %arg11[%swap3A_75, %swap3A_76] {strides = array<i32>} : memref<80x128xf32, #tpu.memory_space<vmem>>, vector<1x16xf32>,
      %swap3A_78 = vector.shape_cast %swap3A_77 : vector<1x16xf32> to vector<16xf32>
      %swap3A_79 = vector.shape_cast %broadcast_in_dim3A_74 : vector<16xf32> to vector<1x16xf32>
      tpu.vector_store %arg11[%swap3A_75, %swap3A_76], %swap3A_79 {strides = array<i32>} : memref<80x128xf32, #tpu.memory_space<vmem>>, vector<1x16xf32>,
      %broadcast_in_dim3A_80 = arith.constant 0.000000e+00 : f32
      %broadcast_in_dim3A_81 = vector.broadcast %broadcast_in_dim3A_80 : f32 to vector<16xf32>
      %swap3A_82 = arith.index_cast %scan3A_59 : i32 to index
      %swap3A_83 = arith.constant 48 : index
      %swap3A_84 = tpu.vector_load %arg11[%swap3A_82, %swap3A_83] {strides = array<i32>} : memref<80x128xf32, #tpu.memory_space<vmem>>, vector<1x16xf32>,
      %swap3A_85 = vector.shape_cast %swap3A_84 : vector<1x16xf32> to vector<16xf32>
      %swap3A_86 = vector.shape_cast %broadcast_in_dim3A_81 : vector<16xf32> to vector<1x16xf32>
      tpu.vector_store %arg11[%swap3A_82, %swap3A_83], %swap3A_86 {strides = array<i32>} : memref<80x128xf32, #tpu.memory_space<vmem>>, vector<1x16xf32>,
      %broadcast_in_dim3A_87 = arith.constant 0.000000e+00 : f32
      %broadcast_in_dim3A_88 = vector.broadcast %broadcast_in_dim3A_87 : f32 to vector<16xf32>
      %swap3A_89 = arith.index_cast %scan3A_59 : i32 to index
      %swap3A_90 = arith.constant 64 : index
      %swap3A_91 = tpu.vector_load %arg11[%swap3A_89, %swap3A_90] {strides = array<i32>} : memref<80x128xf32, #tpu.memory_space<vmem>>, vector<1x16xf32>,
      %swap3A_92 = vector.shape_cast %swap3A_91 : vector<1x16xf32> to vector<16xf32>
      %swap3A_93 = vector.shape_cast %broadcast_in_dim3A_88 : vector<16xf32> to vector<1x16xf32>
      tpu.vector_store %arg11[%swap3A_89, %swap3A_90], %swap3A_93 {strides = array<i32>} : memref<80x128xf32, #tpu.memory_space<vmem>>, vector<1x16xf32>,
      %broadcast_in_dim3A_94 = arith.constant 0.000000e+00 : f32
      %broadcast_in_dim3A_95 = vector.broadcast %broadcast_in_dim3A_94 : f32 to vector<16xf32>
      %swap3A_96 = arith.index_cast %scan3A_59 : i32 to index
      %swap3A_97 = arith.constant 80 : index
      %swap3A_98 = tpu.vector_load %arg11[%swap3A_96, %swap3A_97] {strides = array<i32>} : memref<80x128xf32, #tpu.memory_space<vmem>>, vector<1x16xf32>,
      %swap3A_99 = vector.shape_cast %swap3A_98 : vector<1x16xf32> to vector<16xf32>
      %swap3A_100 = vector.shape_cast %broadcast_in_dim3A_95 : vector<16xf32> to vector<1x16xf32>
      tpu.vector_store %arg11[%swap3A_96, %swap3A_97], %swap3A_100 {strides = array<i32>} : memref<80x128xf32, #tpu.memory_space<vmem>>, vector<1x16xf32>,
      %broadcast_in_dim3A_101 = arith.constant 0.000000e+00 : f32
      %broadcast_in_dim3A_102 = vector.broadcast %broadcast_in_dim3A_101 : f32 to vector<16xf32>
      %swap3A_103 = arith.index_cast %scan3A_59 : i32 to index
      %swap3A_104 = arith.constant 96 : index
      %swap3A_105 = tpu.vector_load %arg11[%swap3A_103, %swap3A_104] {strides = array<i32>} : memref<80x128xf32, #tpu.memory_space<vmem>>, vector<1x16xf32>,
      %swap3A_106 = vector.shape_cast %swap3A_105 : vector<1x16xf32> to vector<16xf32>
      %swap3A_107 = vector.shape_cast %broadcast_in_dim3A_102 : vector<16xf32> to vector<1x16xf32>
      tpu.vector_store %arg11[%swap3A_103, %swap3A_104], %swap3A_107 {strides = array<i32>} : memref<80x128xf32, #tpu.memory_space<vmem>>, vector<1x16xf32>,
      %broadcast_in_dim3A_108 = arith.constant 0.000000e+00 : f32
      %broadcast_in_dim3A_109 = vector.broadcast %broadcast_in_dim3A_108 : f32 to vector<16xf32>
      %swap3A_110 = arith.index_cast %scan3A_59 : i32 to index
      %swap3A_111 = arith.constant 112 : index
      %swap3A_112 = tpu.vector_load %arg11[%swap3A_110, %swap3A_111] {strides = array<i32>} : memref<80x128xf32, #tpu.memory_space<vmem>>, vector<1x16xf32>,
      %swap3A_113 = vector.shape_cast %swap3A_112 : vector<1x16xf32> to vector<16xf32>
      %swap3A_114 = vector.shape_cast %broadcast_in_dim3A_109 : vector<16xf32> to vector<1x16xf32>
      tpu.vector_store %arg11[%swap3A_110, %swap3A_111], %swap3A_114 {strides = array<i32>} : memref<80x128xf32, #tpu.memory_space<vmem>>, vector<1x16xf32>,
      %scan3A_115 = arith.constant 0 : i32
      scf.yield %scan3A_115 : i32
    }
    %scan3A_5 = arith.constant 80 : i32
    %scan3A_6 = arith.constant 0 : i32
    %scan3A_7 = arith.constant 0 : i32
    %scan3A_8 = arith.constant 5 : i32
    %scan3A_9 = arith.addi %scan3A_7, %scan3A_8 : i32
    %scan3A_10 = arith.constant 1 : i32
    %scan3A_11 = scf.for %scan3A_59 = %scan3A_7 to %scan3A_9 step %scan3A_10 iter_args(%scan3A_60 = %scan3A_6) -> (i32)  : i32 {
      %broadcast_in_dim3A = arith.constant 1.000000e+00 : f32
      %broadcast_in_dim3A_61 = vector.broadcast %broadcast_in_dim3A : f32 to vector<16xf32>
      %mul3A_62 = arith.constant 16 : i32
      %mul3A_63 = arith.muli %scan3A_59, %mul3A_62 : i32
      %swap3A = arith.index_cast %mul3A_63 : i32 to index
      %swap3A_64 = tpu.vector_load %arg17[%swap3A] {strides = array<i32>} : memref<80xf32, #tpu.memory_space<vmem>>, vector<16xf32>,
      %swap3A_65 = vector.shape_cast %swap3A_64 : vector<16xf32> to vector<16xf32>
      %swap3A_66 = vector.shape_cast %broadcast_in_dim3A_61 : vector<16xf32> to vector<16xf32>
      tpu.vector_store %arg17[%swap3A], %swap3A_66 {strides = array<i32>} : memref<80xf32, #tpu.memory_space<vmem>>, vector<16xf32>,
      %scan3A_67 = arith.constant 0 : i32
      scf.yield %scan3A_67 : i32
    }
    %scan3A_12 = arith.constant 5 : i32
    %scan3A_13 = arith.constant 0 : i32
    %scan3A_14 = arith.constant 0 : i32
    %scan3A_15 = arith.constant 39 : i32
    %scan3A_16 = arith.addi %scan3A_14, %scan3A_15 : i32
    %scan3A_17 = arith.constant 1 : i32
    %scan3A_18 = scf.for %scan3A_59 = %scan3A_14 to %scan3A_16 step %scan3A_17 iter_args(%scan3A_60 = %scan3A_13) -> (i32)  : i32 {
      %broadcast_in_dim3A = arith.constant 0.000000e+00 : f32
      %broadcast_in_dim3A_61 = vector.broadcast %broadcast_in_dim3A : f32 to vector<16xf32>
      %mul3A_62 = arith.constant 16 : i32
      %mul3A_63 = arith.muli %scan3A_59, %mul3A_62 : i32
      %swap3A = arith.index_cast %mul3A_63 : i32 to index
      %swap3A_64 = tpu.vector_load %arg18[%swap3A] {strides = array<i32>} : memref<624xf32, #tpu.memory_space<vmem>>, vector<16xf32>,
      %swap3A_65 = vector.shape_cast %swap3A_64 : vector<16xf32> to vector<16xf32>
      %swap3A_66 = vector.shape_cast %broadcast_in_dim3A_61 : vector<16xf32> to vector<16xf32>
      tpu.vector_store %arg18[%swap3A], %swap3A_66 {strides = array<i32>} : memref<624xf32, #tpu.memory_space<vmem>>, vector<16xf32>,
      %scan3A_67 = arith.constant 0 : i32
      scf.yield %scan3A_67 : i32
    }
    %scan3A_19 = arith.constant 39 : i32
    %mul3A = arith.constant 624 : i32
    %mul3A_20 = arith.muli %arg1, %mul3A : i32
    %add3A = arith.constant 0 : i32
    %add3A_21 = arith.addi %mul3A_20, %add3A : i32
    "tpu.region"() ({
      %run_scoped3A = tpu.sem_alloc : memref<!tpu.dma_semaphore, #tpu.memory_space<semaphore_mem>>
      %dma_start3A = arith.constant 0 : i32
      %dma_start3A_59 = tpu.memref_slice %arg9[%add3A_21, %dma_start3A] : memref<10000x128xf32, #tpu.memory_space<vmem_shared>> -> memref<80x128xf32, #tpu.memory_space<vmem_shared>>
      %dma_start3A_60 = arith.constant 0 : i32
      %dma_start3A_61 = tpu.memref_slice %arg9[%add3A_21, %dma_start3A_60] : memref<10000x128xf32, #tpu.memory_space<vmem_shared>> -> memref<80x128xf32, #tpu.memory_space<vmem_shared>>
      tpu.enqueue_dma source(%arg11 : memref<80x128xf32, #tpu.memory_space<vmem>>) target(%dma_start3A_61 : memref<80x128xf32, #tpu.memory_space<vmem_shared>>) target_semaphore(%run_scoped3A : memref<!tpu.dma_semaphore, #tpu.memory_space<semaphore_mem>>)
      %dma_wait3A = arith.constant 0 : i32
      %dma_wait3A_62 = tpu.memref_slice %arg9[%add3A_21, %dma_wait3A] : memref<10000x128xf32, #tpu.memory_space<vmem_shared>> -> memref<80x128xf32, #tpu.memory_space<vmem_shared>>
      %dma_wait3A_63 = arith.constant 0 : i32
      %dma_wait3A_64 = tpu.memref_slice %arg9[%add3A_21, %dma_wait3A_63] : memref<10000x128xf32, #tpu.memory_space<vmem_shared>> -> memref<80x128xf32, #tpu.memory_space<vmem_shared>>
      tpu.wait_dma2 semaphore(%run_scoped3A : memref<!tpu.dma_semaphore, #tpu.memory_space<semaphore_mem>>) src(%arg11 : memref<80x128xf32, #tpu.memory_space<vmem>>) dst(%dma_wait3A_64 : memref<80x128xf32, #tpu.memory_space<vmem_shared>>)
      tpu.yield
    }) : () -> ()
    %add3A_22 = arith.constant 80 : i32
    %add3A_23 = arith.addi %mul3A_20, %add3A_22 : i32
    "tpu.region"() ({
      %run_scoped3A = tpu.sem_alloc : memref<!tpu.dma_semaphore, #tpu.memory_space<semaphore_mem>>
      %dma_start3A = arith.constant 0 : i32
      %dma_start3A_59 = tpu.memref_slice %arg9[%add3A_23, %dma_start3A] : memref<10000x128xf32, #tpu.memory_space<vmem_shared>> -> memref<80x128xf32, #tpu.memory_space<vmem_shared>>
      %dma_start3A_60 = arith.constant 0 : i32
      %dma_start3A_61 = tpu.memref_slice %arg9[%add3A_23, %dma_start3A_60] : memref<10000x128xf32, #tpu.memory_space<vmem_shared>> -> memref<80x128xf32, #tpu.memory_space<vmem_shared>>
      tpu.enqueue_dma source(%arg11 : memref<80x128xf32, #tpu.memory_space<vmem>>) target(%dma_start3A_61 : memref<80x128xf32, #tpu.memory_space<vmem_shared>>) target_semaphore(%run_scoped3A : memref<!tpu.dma_semaphore, #tpu.memory_space<semaphore_mem>>)
      %dma_wait3A = arith.constant 0 : i32
      %dma_wait3A_62 = tpu.memref_slice %arg9[%add3A_23, %dma_wait3A] : memref<10000x128xf32, #tpu.memory_space<vmem_shared>> -> memref<80x128xf32, #tpu.memory_space<vmem_shared>>
      %dma_wait3A_63 = arith.constant 0 : i32
      %dma_wait3A_64 = tpu.memref_slice %arg9[%add3A_23, %dma_wait3A_63] : memref<10000x128xf32, #tpu.memory_space<vmem_shared>> -> memref<80x128xf32, #tpu.memory_space<vmem_shared>>
      tpu.wait_dma2 semaphore(%run_scoped3A : memref<!tpu.dma_semaphore, #tpu.memory_space<semaphore_mem>>) src(%arg11 : memref<80x128xf32, #tpu.memory_space<vmem>>) dst(%dma_wait3A_64 : memref<80x128xf32, #tpu.memory_space<vmem_shared>>)
      tpu.yield
    }) : () -> ()
    %add3A_24 = arith.constant 160 : i32
    %add3A_25 = arith.addi %mul3A_20, %add3A_24 : i32
    "tpu.region"() ({
      %run_scoped3A = tpu.sem_alloc : memref<!tpu.dma_semaphore, #tpu.memory_space<semaphore_mem>>
      %dma_start3A = arith.constant 0 : i32
      %dma_start3A_59 = tpu.memref_slice %arg9[%add3A_25, %dma_start3A] : memref<10000x128xf32, #tpu.memory_space<vmem_shared>> -> memref<80x128xf32, #tpu.memory_space<vmem_shared>>
      %dma_start3A_60 = arith.constant 0 : i32
      %dma_start3A_61 = tpu.memref_slice %arg9[%add3A_25, %dma_start3A_60] : memref<10000x128xf32, #tpu.memory_space<vmem_shared>> -> memref<80x128xf32, #tpu.memory_space<vmem_shared>>
      tpu.enqueue_dma source(%arg11 : memref<80x128xf32, #tpu.memory_space<vmem>>) target(%dma_start3A_61 : memref<80x128xf32, #tpu.memory_space<vmem_shared>>) target_semaphore(%run_scoped3A : memref<!tpu.dma_semaphore, #tpu.memory_space<semaphore_mem>>)
      %dma_wait3A = arith.constant 0 : i32
      %dma_wait3A_62 = tpu.memref_slice %arg9[%add3A_25, %dma_wait3A] : memref<10000x128xf32, #tpu.memory_space<vmem_shared>> -> memref<80x128xf32, #tpu.memory_space<vmem_shared>>
      %dma_wait3A_63 = arith.constant 0 : i32
      %dma_wait3A_64 = tpu.memref_slice %arg9[%add3A_25, %dma_wait3A_63] : memref<10000x128xf32, #tpu.memory_space<vmem_shared>> -> memref<80x128xf32, #tpu.memory_space<vmem_shared>>
      tpu.wait_dma2 semaphore(%run_scoped3A : memref<!tpu.dma_semaphore, #tpu.memory_space<semaphore_mem>>) src(%arg11 : memref<80x128xf32, #tpu.memory_space<vmem>>) dst(%dma_wait3A_64 : memref<80x128xf32, #tpu.memory_space<vmem_shared>>)
      tpu.yield
    }) : () -> ()
    %add3A_26 = arith.constant 240 : i32
    %add3A_27 = arith.addi %mul3A_20, %add3A_26 : i32
    "tpu.region"() ({
      %run_scoped3A = tpu.sem_alloc : memref<!tpu.dma_semaphore, #tpu.memory_space<semaphore_mem>>
      %dma_start3A = arith.constant 0 : i32
      %dma_start3A_59 = tpu.memref_slice %arg9[%add3A_27, %dma_start3A] : memref<10000x128xf32, #tpu.memory_space<vmem_shared>> -> memref<80x128xf32, #tpu.memory_space<vmem_shared>>
      %dma_start3A_60 = arith.constant 0 : i32
      %dma_start3A_61 = tpu.memref_slice %arg9[%add3A_27, %dma_start3A_60] : memref<10000x128xf32, #tpu.memory_space<vmem_shared>> -> memref<80x128xf32, #tpu.memory_space<vmem_shared>>
      tpu.enqueue_dma source(%arg11 : memref<80x128xf32, #tpu.memory_space<vmem>>) target(%dma_start3A_61 : memref<80x128xf32, #tpu.memory_space<vmem_shared>>) target_semaphore(%run_scoped3A : memref<!tpu.dma_semaphore, #tpu.memory_space<semaphore_mem>>)
      %dma_wait3A = arith.constant 0 : i32
      %dma_wait3A_62 = tpu.memref_slice %arg9[%add3A_27, %dma_wait3A] : memref<10000x128xf32, #tpu.memory_space<vmem_shared>> -> memref<80x128xf32, #tpu.memory_space<vmem_shared>>
      %dma_wait3A_63 = arith.constant 0 : i32
      %dma_wait3A_64 = tpu.memref_slice %arg9[%add3A_27, %dma_wait3A_63] : memref<10000x128xf32, #tpu.memory_space<vmem_shared>> -> memref<80x128xf32, #tpu.memory_space<vmem_shared>>
      tpu.wait_dma2 semaphore(%run_scoped3A : memref<!tpu.dma_semaphore, #tpu.memory_space<semaphore_mem>>) src(%arg11 : memref<80x128xf32, #tpu.memory_space<vmem>>) dst(%dma_wait3A_64 : memref<80x128xf32, #tpu.memory_space<vmem_shared>>)
      tpu.yield
    }) : () -> ()
    %add3A_28 = arith.constant 320 : i32
    %add3A_29 = arith.addi %mul3A_20, %add3A_28 : i32
    "tpu.region"() ({
      %run_scoped3A = tpu.sem_alloc : memref<!tpu.dma_semaphore, #tpu.memory_space<semaphore_mem>>
      %dma_start3A = arith.constant 0 : i32
      %dma_start3A_59 = tpu.memref_slice %arg9[%add3A_29, %dma_start3A] : memref<10000x128xf32, #tpu.memory_space<vmem_shared>> -> memref<80x128xf32, #tpu.memory_space<vmem_shared>>
      %dma_start3A_60 = arith.constant 0 : i32
      %dma_start3A_61 = tpu.memref_slice %arg9[%add3A_29, %dma_start3A_60] : memref<10000x128xf32, #tpu.memory_space<vmem_shared>> -> memref<80x128xf32, #tpu.memory_space<vmem_shared>>
      tpu.enqueue_dma source(%arg11 : memref<80x128xf32, #tpu.memory_space<vmem>>) target(%dma_start3A_61 : memref<80x128xf32, #tpu.memory_space<vmem_shared>>) target_semaphore(%run_scoped3A : memref<!tpu.dma_semaphore, #tpu.memory_space<semaphore_mem>>)
      %dma_wait3A = arith.constant 0 : i32
      %dma_wait3A_62 = tpu.memref_slice %arg9[%add3A_29, %dma_wait3A] : memref<10000x128xf32, #tpu.memory_space<vmem_shared>> -> memref<80x128xf32, #tpu.memory_space<vmem_shared>>
      %dma_wait3A_63 = arith.constant 0 : i32
      %dma_wait3A_64 = tpu.memref_slice %arg9[%add3A_29, %dma_wait3A_63] : memref<10000x128xf32, #tpu.memory_space<vmem_shared>> -> memref<80x128xf32, #tpu.memory_space<vmem_shared>>
      tpu.wait_dma2 semaphore(%run_scoped3A : memref<!tpu.dma_semaphore, #tpu.memory_space<semaphore_mem>>) src(%arg11 : memref<80x128xf32, #tpu.memory_space<vmem>>) dst(%dma_wait3A_64 : memref<80x128xf32, #tpu.memory_space<vmem_shared>>)
      tpu.yield
    }) : () -> ()
    %add3A_30 = arith.constant 400 : i32
    %add3A_31 = arith.addi %mul3A_20, %add3A_30 : i32
    "tpu.region"() ({
      %run_scoped3A = tpu.sem_alloc : memref<!tpu.dma_semaphore, #tpu.memory_space<semaphore_mem>>
      %dma_start3A = arith.constant 0 : i32
      %dma_start3A_59 = tpu.memref_slice %arg9[%add3A_31, %dma_start3A] : memref<10000x128xf32, #tpu.memory_space<vmem_shared>> -> memref<80x128xf32, #tpu.memory_space<vmem_shared>>
      %dma_start3A_60 = arith.constant 0 : i32
      %dma_start3A_61 = tpu.memref_slice %arg9[%add3A_31, %dma_start3A_60] : memref<10000x128xf32, #tpu.memory_space<vmem_shared>> -> memref<80x128xf32, #tpu.memory_space<vmem_shared>>
      tpu.enqueue_dma source(%arg11 : memref<80x128xf32, #tpu.memory_space<vmem>>) target(%dma_start3A_61 : memref<80x128xf32, #tpu.memory_space<vmem_shared>>) target_semaphore(%run_scoped3A : memref<!tpu.dma_semaphore, #tpu.memory_space<semaphore_mem>>)
      %dma_wait3A = arith.constant 0 : i32
      %dma_wait3A_62 = tpu.memref_slice %arg9[%add3A_31, %dma_wait3A] : memref<10000x128xf32, #tpu.memory_space<vmem_shared>> -> memref<80x128xf32, #tpu.memory_space<vmem_shared>>
      %dma_wait3A_63 = arith.constant 0 : i32
      %dma_wait3A_64 = tpu.memref_slice %arg9[%add3A_31, %dma_wait3A_63] : memref<10000x128xf32, #tpu.memory_space<vmem_shared>> -> memref<80x128xf32, #tpu.memory_space<vmem_shared>>
      tpu.wait_dma2 semaphore(%run_scoped3A : memref<!tpu.dma_semaphore, #tpu.memory_space<semaphore_mem>>) src(%arg11 : memref<80x128xf32, #tpu.memory_space<vmem>>) dst(%dma_wait3A_64 : memref<80x128xf32, #tpu.memory_space<vmem_shared>>)
      tpu.yield
    }) : () -> ()
    %add3A_32 = arith.constant 480 : i32
    %add3A_33 = arith.addi %mul3A_20, %add3A_32 : i32
    "tpu.region"() ({
      %run_scoped3A = tpu.sem_alloc : memref<!tpu.dma_semaphore, #tpu.memory_space<semaphore_mem>>
      %dma_start3A = arith.constant 0 : i32
      %dma_start3A_59 = tpu.memref_slice %arg9[%add3A_33, %dma_start3A] : memref<10000x128xf32, #tpu.memory_space<vmem_shared>> -> memref<80x128xf32, #tpu.memory_space<vmem_shared>>
      %dma_start3A_60 = arith.constant 0 : i32
      %dma_start3A_61 = tpu.memref_slice %arg9[%add3A_33, %dma_start3A_60] : memref<10000x128xf32, #tpu.memory_space<vmem_shared>> -> memref<80x128xf32, #tpu.memory_space<vmem_shared>>
      tpu.enqueue_dma source(%arg11 : memref<80x128xf32, #tpu.memory_space<vmem>>) target(%dma_start3A_61 : memref<80x128xf32, #tpu.memory_space<vmem_shared>>) target_semaphore(%run_scoped3A : memref<!tpu.dma_semaphore, #tpu.memory_space<semaphore_mem>>)
      %dma_wait3A = arith.constant 0 : i32
      %dma_wait3A_62 = tpu.memref_slice %arg9[%add3A_33, %dma_wait3A] : memref<10000x128xf32, #tpu.memory_space<vmem_shared>> -> memref<80x128xf32, #tpu.memory_space<vmem_shared>>
      %dma_wait3A_63 = arith.constant 0 : i32
      %dma_wait3A_64 = tpu.memref_slice %arg9[%add3A_33, %dma_wait3A_63] : memref<10000x128xf32, #tpu.memory_space<vmem_shared>> -> memref<80x128xf32, #tpu.memory_space<vmem_shared>>
      tpu.wait_dma2 semaphore(%run_scoped3A : memref<!tpu.dma_semaphore, #tpu.memory_space<semaphore_mem>>) src(%arg11 : memref<80x128xf32, #tpu.memory_space<vmem>>) dst(%dma_wait3A_64 : memref<80x128xf32, #tpu.memory_space<vmem_shared>>)
      tpu.yield
    }) : () -> ()
    %add3A_34 = arith.constant 560 : i32
    %add3A_35 = arith.addi %mul3A_20, %add3A_34 : i32
    "tpu.region"() ({
      %run_scoped3A = tpu.sem_alloc : memref<!tpu.dma_semaphore, #tpu.memory_space<semaphore_mem>>
      %dma_start3A = arith.constant 0 : i32
      %dma_start3A_59 = arith.constant 0 : i32
      %dma_start3A_60 = tpu.memref_slice %arg11[%dma_start3A, %dma_start3A_59] : memref<80x128xf32, #tpu.memory_space<vmem>> -> memref<64x128xf32, #tpu.memory_space<vmem>>
      %dma_start3A_61 = arith.constant 0 : i32
      %dma_start3A_62 = tpu.memref_slice %arg9[%add3A_35, %dma_start3A_61] : memref<10000x128xf32, #tpu.memory_space<vmem_shared>> -> memref<64x128xf32, #tpu.memory_space<vmem_shared>>
      %dma_start3A_63 = arith.constant 0 : i32
      %dma_start3A_64 = tpu.memref_slice %arg9[%add3A_35, %dma_start3A_63] : memref<10000x128xf32, #tpu.memory_space<vmem_shared>> -> memref<64x128xf32, #tpu.memory_space<vmem_shared>>
      %dma_start3A_65 = arith.constant 0 : i32
      %dma_start3A_66 = arith.constant 0 : i32
      %dma_start3A_67 = tpu.memref_slice %arg11[%dma_start3A_65, %dma_start3A_66] : memref<80x128xf32, #tpu.memory_space<vmem>> -> memref<64x128xf32, #tpu.memory_space<vmem>>
      tpu.enqueue_dma source(%dma_start3A_67 : memref<64x128xf32, #tpu.memory_space<vmem>>) target(%dma_start3A_64 : memref<64x128xf32, #tpu.memory_space<vmem_shared>>) target_semaphore(%run_scoped3A : memref<!tpu.dma_semaphore, #tpu.memory_space<semaphore_mem>>)
      %dma_wait3A = arith.constant 0 : i32
      %dma_wait3A_68 = arith.constant 0 : i32
      %dma_wait3A_69 = tpu.memref_slice %arg11[%dma_wait3A, %dma_wait3A_68] : memref<80x128xf32, #tpu.memory_space<vmem>> -> memref<64x128xf32, #tpu.memory_space<vmem>>
      %dma_wait3A_70 = arith.constant 0 : i32
      %dma_wait3A_71 = tpu.memref_slice %arg9[%add3A_35, %dma_wait3A_70] : memref<10000x128xf32, #tpu.memory_space<vmem_shared>> -> memref<64x128xf32, #tpu.memory_space<vmem_shared>>
      %dma_wait3A_72 = arith.constant 0 : i32
      %dma_wait3A_73 = tpu.memref_slice %arg9[%add3A_35, %dma_wait3A_72] : memref<10000x128xf32, #tpu.memory_space<vmem_shared>> -> memref<64x128xf32, #tpu.memory_space<vmem_shared>>
      %dma_wait3A_74 = arith.constant 0 : i32
      %dma_wait3A_75 = arith.constant 0 : i32
      %dma_wait3A_76 = tpu.memref_slice %arg11[%dma_wait3A_74, %dma_wait3A_75] : memref<80x128xf32, #tpu.memory_space<vmem>> -> memref<64x128xf32, #tpu.memory_space<vmem>>
      tpu.wait_dma2 semaphore(%run_scoped3A : memref<!tpu.dma_semaphore, #tpu.memory_space<semaphore_mem>>) src(%dma_wait3A_76 : memref<64x128xf32, #tpu.memory_space<vmem>>) dst(%dma_wait3A_73 : memref<64x128xf32, #tpu.memory_space<vmem_shared>>)
      tpu.yield
    }) : () -> ()
    "tpu.region"() ({
      %run_scoped3A = tpu.sem_alloc : memref<!tpu.dma_semaphore, #tpu.memory_space<semaphore_mem>>
      %dma_start3A = tpu.memref_slice %arg10[%mul3A_20] : memref<10000xf32, #tpu.memory_space<vmem_shared>> -> memref<624xf32, #tpu.memory_space<vmem_shared>>
      %dma_start3A_59 = tpu.memref_slice %arg10[%mul3A_20] : memref<10000xf32, #tpu.memory_space<vmem_shared>> -> memref<624xf32, #tpu.memory_space<vmem_shared>>
      tpu.enqueue_dma source(%arg18 : memref<624xf32, #tpu.memory_space<vmem>>) target(%dma_start3A_59 : memref<624xf32, #tpu.memory_space<vmem_shared>>) target_semaphore(%run_scoped3A : memref<!tpu.dma_semaphore, #tpu.memory_space<semaphore_mem>>)
      %dma_wait3A = tpu.memref_slice %arg10[%mul3A_20] : memref<10000xf32, #tpu.memory_space<vmem_shared>> -> memref<624xf32, #tpu.memory_space<vmem_shared>>
      %dma_wait3A_60 = tpu.memref_slice %arg10[%mul3A_20] : memref<10000xf32, #tpu.memory_space<vmem_shared>> -> memref<624xf32, #tpu.memory_space<vmem_shared>>
      tpu.wait_dma2 semaphore(%run_scoped3A : memref<!tpu.dma_semaphore, #tpu.memory_space<semaphore_mem>>) src(%arg18 : memref<624xf32, #tpu.memory_space<vmem>>) dst(%dma_wait3A_60 : memref<624xf32, #tpu.memory_space<vmem_shared>>)
      tpu.yield
    }) : () -> ()
    %eq3A = arith.constant 15 : i32
    %eq3A_36 = arith.cmpi eq, %arg1, %eq3A : i32
    %convert_element_type3A = arith.extui %eq3A_36 : i1 to i32
    %cond3A = arith.constant 0 : i32
    %cond3A_37 = arith.cmpi ne, %convert_element_type3A, %cond3A : i32
    scf.if %cond3A_37 {
      "tpu.region"() ({
        %run_scoped3A = tpu.sem_alloc : memref<!tpu.dma_semaphore, #tpu.memory_space<semaphore_mem>>
        %dma_start3A = arith.constant 0 : i32
        %dma_start3A_59 = arith.constant 0 : i32
        %dma_start3A_60 = tpu.memref_slice %arg11[%dma_start3A, %dma_start3A_59] : memref<80x128xf32, #tpu.memory_space<vmem>> -> memref<16x128xf32, #tpu.memory_space<vmem>>
        %dma_start3A_61 = arith.constant 9984 : i32
        %dma_start3A_62 = arith.constant 0 : i32
        %dma_start3A_63 = tpu.memref_slice %arg9[%dma_start3A_61, %dma_start3A_62] : memref<10000x128xf32, #tpu.memory_space<vmem_shared>> -> memref<16x128xf32, #tpu.memory_space<vmem_shared>>
        %dma_start3A_64 = arith.constant 9984 : i32
        %dma_start3A_65 = arith.constant 0 : i32
        %dma_start3A_66 = tpu.memref_slice %arg9[%dma_start3A_64, %dma_start3A_65] : memref<10000x128xf32, #tpu.memory_space<vmem_shared>> -> memref<16x128xf32, #tpu.memory_space<vmem_shared>>
        %dma_start3A_67 = arith.constant 0 : i32
        %dma_start3A_68 = arith.constant 0 : i32
        %dma_start3A_69 = tpu.memref_slice %arg11[%dma_start3A_67, %dma_start3A_68] : memref<80x128xf32, #tpu.memory_space<vmem>> -> memref<16x128xf32, #tpu.memory_space<vmem>>
        tpu.enqueue_dma source(%dma_start3A_69 : memref<16x128xf32, #tpu.memory_space<vmem>>) target(%dma_start3A_66 : memref<16x128xf32, #tpu.memory_space<vmem_shared>>) target_semaphore(%run_scoped3A : memref<!tpu.dma_semaphore, #tpu.memory_space<semaphore_mem>>)
        %dma_wait3A = arith.constant 0 : i32
        %dma_wait3A_70 = arith.constant 0 : i32
        %dma_wait3A_71 = tpu.memref_slice %arg11[%dma_wait3A, %dma_wait3A_70] : memref<80x128xf32, #tpu.memory_space<vmem>> -> memref<16x128xf32, #tpu.memory_space<vmem>>
        %dma_wait3A_72 = arith.constant 9984 : i32
        %dma_wait3A_73 = arith.constant 0 : i32
        %dma_wait3A_74 = tpu.memref_slice %arg9[%dma_wait3A_72, %dma_wait3A_73] : memref<10000x128xf32, #tpu.memory_space<vmem_shared>> -> memref<16x128xf32, #tpu.memory_space<vmem_shared>>
        %dma_wait3A_75 = arith.constant 9984 : i32
        %dma_wait3A_76 = arith.constant 0 : i32
        %dma_wait3A_77 = tpu.memref_slice %arg9[%dma_wait3A_75, %dma_wait3A_76] : memref<10000x128xf32, #tpu.memory_space<vmem_shared>> -> memref<16x128xf32, #tpu.memory_space<vmem_shared>>
        %dma_wait3A_78 = arith.constant 0 : i32
        %dma_wait3A_79 = arith.constant 0 : i32
        %dma_wait3A_80 = tpu.memref_slice %arg11[%dma_wait3A_78, %dma_wait3A_79] : memref<80x128xf32, #tpu.memory_space<vmem>> -> memref<16x128xf32, #tpu.memory_space<vmem>>
        tpu.wait_dma2 semaphore(%run_scoped3A : memref<!tpu.dma_semaphore, #tpu.memory_space<semaphore_mem>>) src(%dma_wait3A_80 : memref<16x128xf32, #tpu.memory_space<vmem>>) dst(%dma_wait3A_77 : memref<16x128xf32, #tpu.memory_space<vmem_shared>>)
        tpu.yield
      }) : () -> ()
      "tpu.region"() ({
        %run_scoped3A = tpu.sem_alloc : memref<!tpu.dma_semaphore, #tpu.memory_space<semaphore_mem>>
        %dma_start3A = arith.constant 0 : i32
        %dma_start3A_59 = tpu.memref_slice %arg18[%dma_start3A] : memref<624xf32, #tpu.memory_space<vmem>> -> memref<16xf32, #tpu.memory_space<vmem>>
        %dma_start3A_60 = arith.constant 9984 : i32
        %dma_start3A_61 = tpu.memref_slice %arg10[%dma_start3A_60] : memref<10000xf32, #tpu.memory_space<vmem_shared>> -> memref<16xf32, #tpu.memory_space<vmem_shared>>
        %dma_start3A_62 = arith.constant 9984 : i32
        %dma_start3A_63 = tpu.memref_slice %arg10[%dma_start3A_62] : memref<10000xf32, #tpu.memory_space<vmem_shared>> -> memref<16xf32, #tpu.memory_space<vmem_shared>>
        %dma_start3A_64 = arith.constant 0 : i32
        %dma_start3A_65 = tpu.memref_slice %arg18[%dma_start3A_64] : memref<624xf32, #tpu.memory_space<vmem>> -> memref<16xf32, #tpu.memory_space<vmem>>
        tpu.enqueue_dma source(%dma_start3A_65 : memref<16xf32, #tpu.memory_space<vmem>>) target(%dma_start3A_63 : memref<16xf32, #tpu.memory_space<vmem_shared>>) target_semaphore(%run_scoped3A : memref<!tpu.dma_semaphore, #tpu.memory_space<semaphore_mem>>)
        %dma_wait3A = arith.constant 0 : i32
        %dma_wait3A_66 = tpu.memref_slice %arg18[%dma_wait3A] : memref<624xf32, #tpu.memory_space<vmem>> -> memref<16xf32, #tpu.memory_space<vmem>>
        %dma_wait3A_67 = arith.constant 9984 : i32
        %dma_wait3A_68 = tpu.memref_slice %arg10[%dma_wait3A_67] : memref<10000xf32, #tpu.memory_space<vmem_shared>> -> memref<16xf32, #tpu.memory_space<vmem_shared>>
        %dma_wait3A_69 = arith.constant 9984 : i32
        %dma_wait3A_70 = tpu.memref_slice %arg10[%dma_wait3A_69] : memref<10000xf32, #tpu.memory_space<vmem_shared>> -> memref<16xf32, #tpu.memory_space<vmem_shared>>
        %dma_wait3A_71 = arith.constant 0 : i32
        %dma_wait3A_72 = tpu.memref_slice %arg18[%dma_wait3A_71] : memref<624xf32, #tpu.memory_space<vmem>> -> memref<16xf32, #tpu.memory_space<vmem>>
        tpu.wait_dma2 semaphore(%run_scoped3A : memref<!tpu.dma_semaphore, #tpu.memory_space<semaphore_mem>>) src(%dma_wait3A_72 : memref<16xf32, #tpu.memory_space<vmem>>) dst(%dma_wait3A_70 : memref<16xf32, #tpu.memory_space<vmem_shared>>)
        tpu.yield
      }) : () -> ()
    } else {
    }
    %barrier3A = arith.constant 0 : index
    tpu.barrier barrier_id(%barrier3A)
    %mul3A_38 = arith.constant 10000 : i32
    %mul3A_39 = arith.muli %arg1, %mul3A_38 : i32
    %eq3A_40 = arith.constant 0 : i32
    %eq3A_41 = arith.cmpi eq, %arg0, %eq3A_40 : i32
    %convert_element_type3A_42 = arith.extui %eq3A_41 : i1 to i32
    %cond3A_43 = arith.constant 0 : i32
    %cond3A_44 = arith.cmpi ne, %convert_element_type3A_42, %cond3A_43 : i32
    scf.if %cond3A_44 {
      %add3A_59 = arith.constant 0 : i32
      %add3A_60 = arith.addi %mul3A_39, %add3A_59 : i32
      "tpu.region"() ({
        %run_scoped3A = tpu.sem_alloc : memref<!tpu.dma_semaphore, #tpu.memory_space<semaphore_mem>>
        %dma_start3A_76 = tpu.memref_slice %arg3[%add3A_60] : memref<160000xi32, #tpu.memory_space<hbm>> -> memref<80xi32, #tpu.memory_space<hbm>>
        %dma_start3A_77 = tpu.memref_slice %arg3[%add3A_60] : memref<160000xi32, #tpu.memory_space<hbm>> -> memref<80xi32, #tpu.memory_space<hbm>>
        tpu.enqueue_dma source(%dma_start3A_77 : memref<80xi32, #tpu.memory_space<hbm>>) target(%arg13 : memref<80xi32, #tpu.memory_space<vmem>>) target_semaphore(%run_scoped3A : memref<!tpu.dma_semaphore, #tpu.memory_space<semaphore_mem>>)
        %dma_wait3A_78 = tpu.memref_slice %arg3[%add3A_60] : memref<160000xi32, #tpu.memory_space<hbm>> -> memref<80xi32, #tpu.memory_space<hbm>>
        %dma_wait3A_79 = tpu.memref_slice %arg3[%add3A_60] : memref<160000xi32, #tpu.memory_space<hbm>> -> memref<80xi32, #tpu.memory_space<hbm>>
        tpu.wait_dma2 semaphore(%run_scoped3A : memref<!tpu.dma_semaphore, #tpu.memory_space<semaphore_mem>>) src(%dma_wait3A_79 : memref<80xi32, #tpu.memory_space<hbm>>) dst(%arg13 : memref<80xi32, #tpu.memory_space<vmem>>)
        tpu.yield
      }) : () -> ()
      "tpu.region"() ({
        %run_scoped3A = tpu.sem_alloc : memref<!tpu.dma_semaphore, #tpu.memory_space<semaphore_mem>>
        %dma_start3A_76 = tpu.memref_slice %arg4[%add3A_60] : memref<160000xi32, #tpu.memory_space<hbm>> -> memref<80xi32, #tpu.memory_space<hbm>>
        %dma_start3A_77 = tpu.memref_slice %arg4[%add3A_60] : memref<160000xi32, #tpu.memory_space<hbm>> -> memref<80xi32, #tpu.memory_space<hbm>>
        tpu.enqueue_dma source(%dma_start3A_77 : memref<80xi32, #tpu.memory_space<hbm>>) target(%arg14 : memref<80xi32, #tpu.memory_space<vmem>>) target_semaphore(%run_scoped3A : memref<!tpu.dma_semaphore, #tpu.memory_space<semaphore_mem>>)
        %dma_wait3A_78 = tpu.memref_slice %arg4[%add3A_60] : memref<160000xi32, #tpu.memory_space<hbm>> -> memref<80xi32, #tpu.memory_space<hbm>>
        %dma_wait3A_79 = tpu.memref_slice %arg4[%add3A_60] : memref<160000xi32, #tpu.memory_space<hbm>> -> memref<80xi32, #tpu.memory_space<hbm>>
        tpu.wait_dma2 semaphore(%run_scoped3A : memref<!tpu.dma_semaphore, #tpu.memory_space<semaphore_mem>>) src(%dma_wait3A_79 : memref<80xi32, #tpu.memory_space<hbm>>) dst(%arg14 : memref<80xi32, #tpu.memory_space<vmem>>)
        tpu.yield
      }) : () -> ()
      %dma_start3A = arith.constant 0 : i32
      %dma_start3A_61 = arith.constant 0 : i32
      %dma_start3A_62 = tpu.memref_slice %arg2[%dma_start3A, %dma_start3A_61] : memref<10000x128xf32, #tpu.memory_space<hbm>> -> memref<10000x128xf32, #tpu.memory_space<hbm>>
      tpu.enqueue_indirect_dma source(%dma_start3A_62 : memref<10000x128xf32, #tpu.memory_space<hbm>>) target(%arg11 : memref<80x128xf32, #tpu.memory_space<vmem>>) offsets(%arg13 : memref<80xi32, #tpu.memory_space<vmem>>) semaphore(%arg19 : memref<!tpu.dma_semaphore, #tpu.memory_space<semaphore_mem>>)
      %scan3A_63 = arith.constant 0 : i32
      %scan3A_64 = arith.constant 0 : i32
      %scan3A_65 = arith.constant 62 : i32
      %scan3A_66 = arith.addi %scan3A_64, %scan3A_65 : i32
      %scan3A_67 = arith.constant 1 : i32
      %scan3A_68 = scf.for %scan3A_76 = %scan3A_64 to %scan3A_66 step %scan3A_67 iter_args(%scan3A_77 = %scan3A_63) -> (i32)  : i32 {
        %mul3A_78 = arith.constant 2 : i32
        %mul3A_79 = arith.muli %mul3A_78, %scan3A_76 : i32
        %add3A_80 = arith.constant 1 : i32
        %add3A_81 = arith.addi %mul3A_79, %add3A_80 : i32
        %mul3A_82 = arith.constant 80 : i32
        %mul3A_83 = arith.muli %add3A_81, %mul3A_82 : i32
        %add3A_84 = arith.addi %mul3A_39, %mul3A_83 : i32
        "tpu.region"() ({
          %run_scoped3A = tpu.sem_alloc : memref<!tpu.dma_semaphore, #tpu.memory_space<semaphore_mem>>
          %dma_start3A_111 = tpu.memref_slice %arg3[%add3A_84] : memref<160000xi32, #tpu.memory_space<hbm>> -> memref<80xi32, #tpu.memory_space<hbm>>
          %dma_start3A_112 = tpu.memref_slice %arg3[%add3A_84] : memref<160000xi32, #tpu.memory_space<hbm>> -> memref<80xi32, #tpu.memory_space<hbm>>
          tpu.enqueue_dma source(%dma_start3A_112 : memref<80xi32, #tpu.memory_space<hbm>>) target(%arg15 : memref<80xi32, #tpu.memory_space<vmem>>) target_semaphore(%run_scoped3A : memref<!tpu.dma_semaphore, #tpu.memory_space<semaphore_mem>>)
          %dma_wait3A_113 = tpu.memref_slice %arg3[%add3A_84] : memref<160000xi32, #tpu.memory_space<hbm>> -> memref<80xi32, #tpu.memory_space<hbm>>
          %dma_wait3A_114 = tpu.memref_slice %arg3[%add3A_84] : memref<160000xi32, #tpu.memory_space<hbm>> -> memref<80xi32, #tpu.memory_space<hbm>>
          tpu.wait_dma2 semaphore(%run_scoped3A : memref<!tpu.dma_semaphore, #tpu.memory_space<semaphore_mem>>) src(%dma_wait3A_114 : memref<80xi32, #tpu.memory_space<hbm>>) dst(%arg15 : memref<80xi32, #tpu.memory_space<vmem>>)
          tpu.yield
        }) : () -> ()
        "tpu.region"() ({
          %run_scoped3A = tpu.sem_alloc : memref<!tpu.dma_semaphore, #tpu.memory_space<semaphore_mem>>
          %dma_start3A_111 = tpu.memref_slice %arg4[%add3A_84] : memref<160000xi32, #tpu.memory_space<hbm>> -> memref<80xi32, #tpu.memory_space<hbm>>
          %dma_start3A_112 = tpu.memref_slice %arg4[%add3A_84] : memref<160000xi32, #tpu.memory_space<hbm>> -> memref<80xi32, #tpu.memory_space<hbm>>
          tpu.enqueue_dma source(%dma_start3A_112 : memref<80xi32, #tpu.memory_space<hbm>>) target(%arg16 : memref<80xi32, #tpu.memory_space<vmem>>) target_semaphore(%run_scoped3A : memref<!tpu.dma_semaphore, #tpu.memory_space<semaphore_mem>>)
          %dma_wait3A_113 = tpu.memref_slice %arg4[%add3A_84] : memref<160000xi32, #tpu.memory_space<hbm>> -> memref<80xi32, #tpu.memory_space<hbm>>
          %dma_wait3A_114 = tpu.memref_slice %arg4[%add3A_84] : memref<160000xi32, #tpu.memory_space<hbm>> -> memref<80xi32, #tpu.memory_space<hbm>>
          tpu.wait_dma2 semaphore(%run_scoped3A : memref<!tpu.dma_semaphore, #tpu.memory_space<semaphore_mem>>) src(%dma_wait3A_114 : memref<80xi32, #tpu.memory_space<hbm>>) dst(%arg16 : memref<80xi32, #tpu.memory_space<vmem>>)
          tpu.yield
        }) : () -> ()
        %dma_start3A_85 = arith.constant 0 : i32
        %dma_start3A_86 = arith.constant 0 : i32
        %dma_start3A_87 = tpu.memref_slice %arg2[%dma_start3A_85, %dma_start3A_86] : memref<10000x128xf32, #tpu.memory_space<hbm>> -> memref<10000x128xf32, #tpu.memory_space<hbm>>
        tpu.enqueue_indirect_dma source(%dma_start3A_87 : memref<10000x128xf32, #tpu.memory_space<hbm>>) target(%arg12 : memref<80x128xf32, #tpu.memory_space<vmem>>) offsets(%arg15 : memref<80xi32, #tpu.memory_space<vmem>>) semaphore(%arg20 : memref<!tpu.dma_semaphore, #tpu.memory_space<semaphore_mem>>)
        %dma_wait3A_88 = arith.constant 0 : i32
        %dma_wait3A_89 = arith.constant 0 : i32
        %dma_wait3A_90 = tpu.memref_slice %arg2[%dma_wait3A_88, %dma_wait3A_89] : memref<10000x128xf32, #tpu.memory_space<hbm>> -> memref<10000x128xf32, #tpu.memory_space<hbm>>
        tpu.wait_indirect_dma semaphore(%arg19 : memref<!tpu.dma_semaphore, #tpu.memory_space<semaphore_mem>>) src(%dma_wait3A_90 : memref<10000x128xf32, #tpu.memory_space<hbm>>) dst(%arg11 : memref<80x128xf32, #tpu.memory_space<vmem>>)
        %dma_start3A_91 = arith.constant 0 : i32
        %dma_start3A_92 = tpu.memref_slice %arg10[%dma_start3A_91] : memref<10000xf32, #tpu.memory_space<vmem_shared>> -> memref<10000xf32, #tpu.memory_space<vmem_shared>>
        tpu.enqueue_indirect_dma source(%arg17 : memref<80xf32, #tpu.memory_space<vmem>>) target(%dma_start3A_92 : memref<10000xf32, #tpu.memory_space<vmem_shared>>) offsets(%arg14 : memref<80xi32, #tpu.memory_space<vmem>>) semaphore(%arg21 : memref<!tpu.dma_semaphore, #tpu.memory_space<semaphore_mem>>) {add = true}
        "tpu.region"() ({
          %run_scoped3A = tpu.sem_alloc : memref<!tpu.dma_semaphore, #tpu.memory_space<semaphore_mem>>
          %dma_start3A_111 = arith.constant 0 : i32
          %dma_start3A_112 = arith.constant 0 : i32
          %dma_start3A_113 = tpu.memref_slice %arg9[%dma_start3A_111, %dma_start3A_112] : memref<10000x128xf32, #tpu.memory_space<vmem_shared>> -> memref<10000x128xf32, #tpu.memory_space<vmem_shared>>
          tpu.enqueue_indirect_dma source(%arg11 : memref<80x128xf32, #tpu.memory_space<vmem>>) target(%dma_start3A_113 : memref<10000x128xf32, #tpu.memory_space<vmem_shared>>) offsets(%arg14 : memref<80xi32, #tpu.memory_space<vmem>>) semaphore(%run_scoped3A : memref<!tpu.dma_semaphore, #tpu.memory_space<semaphore_mem>>) {add = true}
          %dma_wait3A_114 = arith.constant 0 : i32
          %dma_wait3A_115 = arith.constant 0 : i32
          %dma_wait3A_116 = tpu.memref_slice %arg9[%dma_wait3A_114, %dma_wait3A_115] : memref<10000x128xf32, #tpu.memory_space<vmem_shared>> -> memref<10000x128xf32, #tpu.memory_space<vmem_shared>>
          tpu.wait_indirect_dma semaphore(%run_scoped3A : memref<!tpu.dma_semaphore, #tpu.memory_space<semaphore_mem>>) src(%arg11 : memref<80x128xf32, #tpu.memory_space<vmem>>) dst(%dma_wait3A_116 : memref<10000x128xf32, #tpu.memory_space<vmem_shared>>)
          tpu.yield
        }) : () -> ()
        %dma_wait3A_93 = arith.constant 0 : i32
        %dma_wait3A_94 = tpu.memref_slice %arg10[%dma_wait3A_93] : memref<10000xf32, #tpu.memory_space<vmem_shared>> -> memref<10000xf32, #tpu.memory_space<vmem_shared>>
        tpu.wait_indirect_dma semaphore(%arg21 : memref<!tpu.dma_semaphore, #tpu.memory_space<semaphore_mem>>) src(%arg17 : memref<80xf32, #tpu.memory_space<vmem>>) dst(%dma_wait3A_94 : memref<10000xf32, #tpu.memory_space<vmem_shared>>)
        %add3A_95 = arith.constant 2 : i32
        %add3A_96 = arith.addi %mul3A_79, %add3A_95 : i32
        %mul3A_97 = arith.constant 80 : i32
        %mul3A_98 = arith.muli %add3A_96, %mul3A_97 : i32
        %add3A_99 = arith.addi %mul3A_39, %mul3A_98 : i32
        "tpu.region"() ({
          %run_scoped3A = tpu.sem_alloc : memref<!tpu.dma_semaphore, #tpu.memory_space<semaphore_mem>>
          %dma_start3A_111 = tpu.memref_slice %arg3[%add3A_99] : memref<160000xi32, #tpu.memory_space<hbm>> -> memref<80xi32, #tpu.memory_space<hbm>>
          %dma_start3A_112 = tpu.memref_slice %arg3[%add3A_99] : memref<160000xi32, #tpu.memory_space<hbm>> -> memref<80xi32, #tpu.memory_space<hbm>>
          tpu.enqueue_dma source(%dma_start3A_112 : memref<80xi32, #tpu.memory_space<hbm>>) target(%arg13 : memref<80xi32, #tpu.memory_space<vmem>>) target_semaphore(%run_scoped3A : memref<!tpu.dma_semaphore, #tpu.memory_space<semaphore_mem>>)
          %dma_wait3A_113 = tpu.memref_slice %arg3[%add3A_99] : memref<160000xi32, #tpu.memory_space<hbm>> -> memref<80xi32, #tpu.memory_space<hbm>>
          %dma_wait3A_114 = tpu.memref_slice %arg3[%add3A_99] : memref<160000xi32, #tpu.memory_space<hbm>> -> memref<80xi32, #tpu.memory_space<hbm>>
          tpu.wait_dma2 semaphore(%run_scoped3A : memref<!tpu.dma_semaphore, #tpu.memory_space<semaphore_mem>>) src(%dma_wait3A_114 : memref<80xi32, #tpu.memory_space<hbm>>) dst(%arg13 : memref<80xi32, #tpu.memory_space<vmem>>)
          tpu.yield
        }) : () -> ()
        "tpu.region"() ({
          %run_scoped3A = tpu.sem_alloc : memref<!tpu.dma_semaphore, #tpu.memory_space<semaphore_mem>>
          %dma_start3A_111 = tpu.memref_slice %arg4[%add3A_99] : memref<160000xi32, #tpu.memory_space<hbm>> -> memref<80xi32, #tpu.memory_space<hbm>>
          %dma_start3A_112 = tpu.memref_slice %arg4[%add3A_99] : memref<160000xi32, #tpu.memory_space<hbm>> -> memref<80xi32, #tpu.memory_space<hbm>>
          tpu.enqueue_dma source(%dma_start3A_112 : memref<80xi32, #tpu.memory_space<hbm>>) target(%arg14 : memref<80xi32, #tpu.memory_space<vmem>>) target_semaphore(%run_scoped3A : memref<!tpu.dma_semaphore, #tpu.memory_space<semaphore_mem>>)
          %dma_wait3A_113 = tpu.memref_slice %arg4[%add3A_99] : memref<160000xi32, #tpu.memory_space<hbm>> -> memref<80xi32, #tpu.memory_space<hbm>>
          %dma_wait3A_114 = tpu.memref_slice %arg4[%add3A_99] : memref<160000xi32, #tpu.memory_space<hbm>> -> memref<80xi32, #tpu.memory_space<hbm>>
          tpu.wait_dma2 semaphore(%run_scoped3A : memref<!tpu.dma_semaphore, #tpu.memory_space<semaphore_mem>>) src(%dma_wait3A_114 : memref<80xi32, #tpu.memory_space<hbm>>) dst(%arg14 : memref<80xi32, #tpu.memory_space<vmem>>)
          tpu.yield
        }) : () -> ()
        %dma_start3A_100 = arith.constant 0 : i32
        %dma_start3A_101 = arith.constant 0 : i32
        %dma_start3A_102 = tpu.memref_slice %arg2[%dma_start3A_100, %dma_start3A_101] : memref<10000x128xf32, #tpu.memory_space<hbm>> -> memref<10000x128xf32, #tpu.memory_space<hbm>>
        tpu.enqueue_indirect_dma source(%dma_start3A_102 : memref<10000x128xf32, #tpu.memory_space<hbm>>) target(%arg11 : memref<80x128xf32, #tpu.memory_space<vmem>>) offsets(%arg13 : memref<80xi32, #tpu.memory_space<vmem>>) semaphore(%arg19 : memref<!tpu.dma_semaphore, #tpu.memory_space<semaphore_mem>>)
        %dma_wait3A_103 = arith.constant 0 : i32
        %dma_wait3A_104 = arith.constant 0 : i32
        %dma_wait3A_105 = tpu.memref_slice %arg2[%dma_wait3A_103, %dma_wait3A_104] : memref<10000x128xf32, #tpu.memory_space<hbm>> -> memref<10000x128xf32, #tpu.memory_space<hbm>>
        tpu.wait_indirect_dma semaphore(%arg20 : memref<!tpu.dma_semaphore, #tpu.memory_space<semaphore_mem>>) src(%dma_wait3A_105 : memref<10000x128xf32, #tpu.memory_space<hbm>>) dst(%arg12 : memref<80x128xf32, #tpu.memory_space<vmem>>)
        %dma_start3A_106 = arith.constant 0 : i32
        %dma_start3A_107 = tpu.memref_slice %arg10[%dma_start3A_106] : memref<10000xf32, #tpu.memory_space<vmem_shared>> -> memref<10000xf32, #tpu.memory_space<vmem_shared>>
        tpu.enqueue_indirect_dma source(%arg17 : memref<80xf32, #tpu.memory_space<vmem>>) target(%dma_start3A_107 : memref<10000xf32, #tpu.memory_space<vmem_shared>>) offsets(%arg16 : memref<80xi32, #tpu.memory_space<vmem>>) semaphore(%arg22 : memref<!tpu.dma_semaphore, #tpu.memory_space<semaphore_mem>>) {add = true}
        "tpu.region"() ({
          %run_scoped3A = tpu.sem_alloc : memref<!tpu.dma_semaphore, #tpu.memory_space<semaphore_mem>>
          %dma_start3A_111 = arith.constant 0 : i32
          %dma_start3A_112 = arith.constant 0 : i32
          %dma_start3A_113 = tpu.memref_slice %arg9[%dma_start3A_111, %dma_start3A_112] : memref<10000x128xf32, #tpu.memory_space<vmem_shared>> -> memref<10000x128xf32, #tpu.memory_space<vmem_shared>>
          tpu.enqueue_indirect_dma source(%arg12 : memref<80x128xf32, #tpu.memory_space<vmem>>) target(%dma_start3A_113 : memref<10000x128xf32, #tpu.memory_space<vmem_shared>>) offsets(%arg16 : memref<80xi32, #tpu.memory_space<vmem>>) semaphore(%run_scoped3A : memref<!tpu.dma_semaphore, #tpu.memory_space<semaphore_mem>>) {add = true}
          %dma_wait3A_114 = arith.constant 0 : i32
          %dma_wait3A_115 = arith.constant 0 : i32
          %dma_wait3A_116 = tpu.memref_slice %arg9[%dma_wait3A_114, %dma_wait3A_115] : memref<10000x128xf32, #tpu.memory_space<vmem_shared>> -> memref<10000x128xf32, #tpu.memory_space<vmem_shared>>
          tpu.wait_indirect_dma semaphore(%run_scoped3A : memref<!tpu.dma_semaphore, #tpu.memory_space<semaphore_mem>>) src(%arg12 : memref<80x128xf32, #tpu.memory_space<vmem>>) dst(%dma_wait3A_116 : memref<10000x128xf32, #tpu.memory_space<vmem_shared>>)
          tpu.yield
        }) : () -> ()
        %dma_wait3A_108 = arith.constant 0 : i32
        %dma_wait3A_109 = tpu.memref_slice %arg10[%dma_wait3A_108] : memref<10000xf32, #tpu.memory_space<vmem_shared>> -> memref<10000xf32, #tpu.memory_space<vmem_shared>>
        tpu.wait_indirect_dma semaphore(%arg22 : memref<!tpu.dma_semaphore, #tpu.memory_space<semaphore_mem>>) src(%arg17 : memref<80xf32, #tpu.memory_space<vmem>>) dst(%dma_wait3A_109 : memref<10000xf32, #tpu.memory_space<vmem_shared>>)
        %scan3A_110 = arith.constant 0 : i32
        scf.yield %scan3A_110 : i32
      }
      %scan3A_69 = arith.constant 62 : i32
      %dma_wait3A = arith.constant 0 : i32
      %dma_wait3A_70 = arith.constant 0 : i32
      %dma_wait3A_71 = tpu.memref_slice %arg2[%dma_wait3A, %dma_wait3A_70] : memref<10000x128xf32, #tpu.memory_space<hbm>> -> memref<10000x128xf32, #tpu.memory_space<hbm>>
      tpu.wait_indirect_dma semaphore(%arg19 : memref<!tpu.dma_semaphore, #tpu.memory_space<semaphore_mem>>) src(%dma_wait3A_71 : memref<10000x128xf32, #tpu.memory_space<hbm>>) dst(%arg11 : memref<80x128xf32, #tpu.memory_space<vmem>>)
      %dma_start3A_72 = arith.constant 0 : i32
      %dma_start3A_73 = tpu.memref_slice %arg10[%dma_start3A_72] : memref<10000xf32, #tpu.memory_space<vmem_shared>> -> memref<10000xf32, #tpu.memory_space<vmem_shared>>
      tpu.enqueue_indirect_dma source(%arg17 : memref<80xf32, #tpu.memory_space<vmem>>) target(%dma_start3A_73 : memref<10000xf32, #tpu.memory_space<vmem_shared>>) offsets(%arg14 : memref<80xi32, #tpu.memory_space<vmem>>) semaphore(%arg21 : memref<!tpu.dma_semaphore, #tpu.memory_space<semaphore_mem>>) {add = true}
      "tpu.region"() ({
        %run_scoped3A = tpu.sem_alloc : memref<!tpu.dma_semaphore, #tpu.memory_space<semaphore_mem>>
        %dma_start3A_76 = arith.constant 0 : i32
        %dma_start3A_77 = arith.constant 0 : i32
        %dma_start3A_78 = tpu.memref_slice %arg9[%dma_start3A_76, %dma_start3A_77] : memref<10000x128xf32, #tpu.memory_space<vmem_shared>> -> memref<10000x128xf32, #tpu.memory_space<vmem_shared>>
        tpu.enqueue_indirect_dma source(%arg11 : memref<80x128xf32, #tpu.memory_space<vmem>>) target(%dma_start3A_78 : memref<10000x128xf32, #tpu.memory_space<vmem_shared>>) offsets(%arg14 : memref<80xi32, #tpu.memory_space<vmem>>) semaphore(%run_scoped3A : memref<!tpu.dma_semaphore, #tpu.memory_space<semaphore_mem>>) {add = true}
        %dma_wait3A_79 = arith.constant 0 : i32
        %dma_wait3A_80 = arith.constant 0 : i32
        %dma_wait3A_81 = tpu.memref_slice %arg9[%dma_wait3A_79, %dma_wait3A_80] : memref<10000x128xf32, #tpu.memory_space<vmem_shared>> -> memref<10000x128xf32, #tpu.memory_space<vmem_shared>>
        tpu.wait_indirect_dma semaphore(%run_scoped3A : memref<!tpu.dma_semaphore, #tpu.memory_space<semaphore_mem>>) src(%arg11 : memref<80x128xf32, #tpu.memory_space<vmem>>) dst(%dma_wait3A_81 : memref<10000x128xf32, #tpu.memory_space<vmem_shared>>)
        tpu.yield
      }) : () -> ()
      %dma_wait3A_74 = arith.constant 0 : i32
      %dma_wait3A_75 = tpu.memref_slice %arg10[%dma_wait3A_74] : memref<10000xf32, #tpu.memory_space<vmem_shared>> -> memref<10000xf32, #tpu.memory_space<vmem_shared>>
      tpu.wait_indirect_dma semaphore(%arg21 : memref<!tpu.dma_semaphore, #tpu.memory_space<semaphore_mem>>) src(%arg17 : memref<80xf32, #tpu.memory_space<vmem>>) dst(%dma_wait3A_75 : memref<10000xf32, #tpu.memory_space<vmem_shared>>)
    } else {
    }
    %eq3A_45 = arith.constant 1 : i32
    %eq3A_46 = arith.cmpi eq, %arg0, %eq3A_45 : i32
    %convert_element_type3A_47 = arith.extui %eq3A_46 : i1 to i32
    %cond3A_48 = arith.constant 0 : i32
    %cond3A_49 = arith.cmpi ne, %convert_element_type3A_47, %cond3A_48 : i32
    scf.if %cond3A_49 {
      %add3A_59 = arith.constant 0 : i32
      %add3A_60 = arith.addi %mul3A_39, %add3A_59 : i32
      "tpu.region"() ({
        %run_scoped3A = tpu.sem_alloc : memref<!tpu.dma_semaphore, #tpu.memory_space<semaphore_mem>>
        %dma_start3A_76 = tpu.memref_slice %arg5[%add3A_60] : memref<160000xi32, #tpu.memory_space<hbm>> -> memref<80xi32, #tpu.memory_space<hbm>>
        %dma_start3A_77 = tpu.memref_slice %arg5[%add3A_60] : memref<160000xi32, #tpu.memory_space<hbm>> -> memref<80xi32, #tpu.memory_space<hbm>>
        tpu.enqueue_dma source(%dma_start3A_77 : memref<80xi32, #tpu.memory_space<hbm>>) target(%arg13 : memref<80xi32, #tpu.memory_space<vmem>>) target_semaphore(%run_scoped3A : memref<!tpu.dma_semaphore, #tpu.memory_space<semaphore_mem>>)
        %dma_wait3A_78 = tpu.memref_slice %arg5[%add3A_60] : memref<160000xi32, #tpu.memory_space<hbm>> -> memref<80xi32, #tpu.memory_space<hbm>>
        %dma_wait3A_79 = tpu.memref_slice %arg5[%add3A_60] : memref<160000xi32, #tpu.memory_space<hbm>> -> memref<80xi32, #tpu.memory_space<hbm>>
        tpu.wait_dma2 semaphore(%run_scoped3A : memref<!tpu.dma_semaphore, #tpu.memory_space<semaphore_mem>>) src(%dma_wait3A_79 : memref<80xi32, #tpu.memory_space<hbm>>) dst(%arg13 : memref<80xi32, #tpu.memory_space<vmem>>)
        tpu.yield
      }) : () -> ()
      "tpu.region"() ({
        %run_scoped3A = tpu.sem_alloc : memref<!tpu.dma_semaphore, #tpu.memory_space<semaphore_mem>>
        %dma_start3A_76 = tpu.memref_slice %arg6[%add3A_60] : memref<160000xi32, #tpu.memory_space<hbm>> -> memref<80xi32, #tpu.memory_space<hbm>>
        %dma_start3A_77 = tpu.memref_slice %arg6[%add3A_60] : memref<160000xi32, #tpu.memory_space<hbm>> -> memref<80xi32, #tpu.memory_space<hbm>>
        tpu.enqueue_dma source(%dma_start3A_77 : memref<80xi32, #tpu.memory_space<hbm>>) target(%arg14 : memref<80xi32, #tpu.memory_space<vmem>>) target_semaphore(%run_scoped3A : memref<!tpu.dma_semaphore, #tpu.memory_space<semaphore_mem>>)
        %dma_wait3A_78 = tpu.memref_slice %arg6[%add3A_60] : memref<160000xi32, #tpu.memory_space<hbm>> -> memref<80xi32, #tpu.memory_space<hbm>>
        %dma_wait3A_79 = tpu.memref_slice %arg6[%add3A_60] : memref<160000xi32, #tpu.memory_space<hbm>> -> memref<80xi32, #tpu.memory_space<hbm>>
        tpu.wait_dma2 semaphore(%run_scoped3A : memref<!tpu.dma_semaphore, #tpu.memory_space<semaphore_mem>>) src(%dma_wait3A_79 : memref<80xi32, #tpu.memory_space<hbm>>) dst(%arg14 : memref<80xi32, #tpu.memory_space<vmem>>)
        tpu.yield
      }) : () -> ()
      %dma_start3A = arith.constant 0 : i32
      %dma_start3A_61 = arith.constant 0 : i32
      %dma_start3A_62 = tpu.memref_slice %arg2[%dma_start3A, %dma_start3A_61] : memref<10000x128xf32, #tpu.memory_space<hbm>> -> memref<10000x128xf32, #tpu.memory_space<hbm>>
      tpu.enqueue_indirect_dma source(%dma_start3A_62 : memref<10000x128xf32, #tpu.memory_space<hbm>>) target(%arg11 : memref<80x128xf32, #tpu.memory_space<vmem>>) offsets(%arg13 : memref<80xi32, #tpu.memory_space<vmem>>) semaphore(%arg19 : memref<!tpu.dma_semaphore, #tpu.memory_space<semaphore_mem>>)
      %scan3A_63 = arith.constant 0 : i32
      %scan3A_64 = arith.constant 0 : i32
      %scan3A_65 = arith.constant 62 : i32
      %scan3A_66 = arith.addi %scan3A_64, %scan3A_65 : i32
      %scan3A_67 = arith.constant 1 : i32
      %scan3A_68 = scf.for %scan3A_76 = %scan3A_64 to %scan3A_66 step %scan3A_67 iter_args(%scan3A_77 = %scan3A_63) -> (i32)  : i32 {
        %mul3A_78 = arith.constant 2 : i32
        %mul3A_79 = arith.muli %mul3A_78, %scan3A_76 : i32
        %add3A_80 = arith.constant 1 : i32
        %add3A_81 = arith.addi %mul3A_79, %add3A_80 : i32
        %mul3A_82 = arith.constant 80 : i32
        %mul3A_83 = arith.muli %add3A_81, %mul3A_82 : i32
        %add3A_84 = arith.addi %mul3A_39, %mul3A_83 : i32
        "tpu.region"() ({
          %run_scoped3A = tpu.sem_alloc : memref<!tpu.dma_semaphore, #tpu.memory_space<semaphore_mem>>
          %dma_start3A_111 = tpu.memref_slice %arg5[%add3A_84] : memref<160000xi32, #tpu.memory_space<hbm>> -> memref<80xi32, #tpu.memory_space<hbm>>
          %dma_start3A_112 = tpu.memref_slice %arg5[%add3A_84] : memref<160000xi32, #tpu.memory_space<hbm>> -> memref<80xi32, #tpu.memory_space<hbm>>
          tpu.enqueue_dma source(%dma_start3A_112 : memref<80xi32, #tpu.memory_space<hbm>>) target(%arg15 : memref<80xi32, #tpu.memory_space<vmem>>) target_semaphore(%run_scoped3A : memref<!tpu.dma_semaphore, #tpu.memory_space<semaphore_mem>>)
          %dma_wait3A_113 = tpu.memref_slice %arg5[%add3A_84] : memref<160000xi32, #tpu.memory_space<hbm>> -> memref<80xi32, #tpu.memory_space<hbm>>
          %dma_wait3A_114 = tpu.memref_slice %arg5[%add3A_84] : memref<160000xi32, #tpu.memory_space<hbm>> -> memref<80xi32, #tpu.memory_space<hbm>>
          tpu.wait_dma2 semaphore(%run_scoped3A : memref<!tpu.dma_semaphore, #tpu.memory_space<semaphore_mem>>) src(%dma_wait3A_114 : memref<80xi32, #tpu.memory_space<hbm>>) dst(%arg15 : memref<80xi32, #tpu.memory_space<vmem>>)
          tpu.yield
        }) : () -> ()
        "tpu.region"() ({
          %run_scoped3A = tpu.sem_alloc : memref<!tpu.dma_semaphore, #tpu.memory_space<semaphore_mem>>
          %dma_start3A_111 = tpu.memref_slice %arg6[%add3A_84] : memref<160000xi32, #tpu.memory_space<hbm>> -> memref<80xi32, #tpu.memory_space<hbm>>
          %dma_start3A_112 = tpu.memref_slice %arg6[%add3A_84] : memref<160000xi32, #tpu.memory_space<hbm>> -> memref<80xi32, #tpu.memory_space<hbm>>
          tpu.enqueue_dma source(%dma_start3A_112 : memref<80xi32, #tpu.memory_space<hbm>>) target(%arg16 : memref<80xi32, #tpu.memory_space<vmem>>) target_semaphore(%run_scoped3A : memref<!tpu.dma_semaphore, #tpu.memory_space<semaphore_mem>>)
          %dma_wait3A_113 = tpu.memref_slice %arg6[%add3A_84] : memref<160000xi32, #tpu.memory_space<hbm>> -> memref<80xi32, #tpu.memory_space<hbm>>
          %dma_wait3A_114 = tpu.memref_slice %arg6[%add3A_84] : memref<160000xi32, #tpu.memory_space<hbm>> -> memref<80xi32, #tpu.memory_space<hbm>>
          tpu.wait_dma2 semaphore(%run_scoped3A : memref<!tpu.dma_semaphore, #tpu.memory_space<semaphore_mem>>) src(%dma_wait3A_114 : memref<80xi32, #tpu.memory_space<hbm>>) dst(%arg16 : memref<80xi32, #tpu.memory_space<vmem>>)
          tpu.yield
        }) : () -> ()
        %dma_start3A_85 = arith.constant 0 : i32
        %dma_start3A_86 = arith.constant 0 : i32
        %dma_start3A_87 = tpu.memref_slice %arg2[%dma_start3A_85, %dma_start3A_86] : memref<10000x128xf32, #tpu.memory_space<hbm>> -> memref<10000x128xf32, #tpu.memory_space<hbm>>
        tpu.enqueue_indirect_dma source(%dma_start3A_87 : memref<10000x128xf32, #tpu.memory_space<hbm>>) target(%arg12 : memref<80x128xf32, #tpu.memory_space<vmem>>) offsets(%arg15 : memref<80xi32, #tpu.memory_space<vmem>>) semaphore(%arg20 : memref<!tpu.dma_semaphore, #tpu.memory_space<semaphore_mem>>)
        %dma_wait3A_88 = arith.constant 0 : i32
        %dma_wait3A_89 = arith.constant 0 : i32
        %dma_wait3A_90 = tpu.memref_slice %arg2[%dma_wait3A_88, %dma_wait3A_89] : memref<10000x128xf32, #tpu.memory_space<hbm>> -> memref<10000x128xf32, #tpu.memory_space<hbm>>
        tpu.wait_indirect_dma semaphore(%arg19 : memref<!tpu.dma_semaphore, #tpu.memory_space<semaphore_mem>>) src(%dma_wait3A_90 : memref<10000x128xf32, #tpu.memory_space<hbm>>) dst(%arg11 : memref<80x128xf32, #tpu.memory_space<vmem>>)
        %dma_start3A_91 = arith.constant 0 : i32
        %dma_start3A_92 = tpu.memref_slice %arg10[%dma_start3A_91] : memref<10000xf32, #tpu.memory_space<vmem_shared>> -> memref<10000xf32, #tpu.memory_space<vmem_shared>>
        tpu.enqueue_indirect_dma source(%arg17 : memref<80xf32, #tpu.memory_space<vmem>>) target(%dma_start3A_92 : memref<10000xf32, #tpu.memory_space<vmem_shared>>) offsets(%arg14 : memref<80xi32, #tpu.memory_space<vmem>>) semaphore(%arg21 : memref<!tpu.dma_semaphore, #tpu.memory_space<semaphore_mem>>) {add = true}
        "tpu.region"() ({
          %run_scoped3A = tpu.sem_alloc : memref<!tpu.dma_semaphore, #tpu.memory_space<semaphore_mem>>
          %dma_start3A_111 = arith.constant 0 : i32
          %dma_start3A_112 = arith.constant 0 : i32
          %dma_start3A_113 = tpu.memref_slice %arg9[%dma_start3A_111, %dma_start3A_112] : memref<10000x128xf32, #tpu.memory_space<vmem_shared>> -> memref<10000x128xf32, #tpu.memory_space<vmem_shared>>
          tpu.enqueue_indirect_dma source(%arg11 : memref<80x128xf32, #tpu.memory_space<vmem>>) target(%dma_start3A_113 : memref<10000x128xf32, #tpu.memory_space<vmem_shared>>) offsets(%arg14 : memref<80xi32, #tpu.memory_space<vmem>>) semaphore(%run_scoped3A : memref<!tpu.dma_semaphore, #tpu.memory_space<semaphore_mem>>) {add = true}
          %dma_wait3A_114 = arith.constant 0 : i32
          %dma_wait3A_115 = arith.constant 0 : i32
          %dma_wait3A_116 = tpu.memref_slice %arg9[%dma_wait3A_114, %dma_wait3A_115] : memref<10000x128xf32, #tpu.memory_space<vmem_shared>> -> memref<10000x128xf32, #tpu.memory_space<vmem_shared>>
          tpu.wait_indirect_dma semaphore(%run_scoped3A : memref<!tpu.dma_semaphore, #tpu.memory_space<semaphore_mem>>) src(%arg11 : memref<80x128xf32, #tpu.memory_space<vmem>>) dst(%dma_wait3A_116 : memref<10000x128xf32, #tpu.memory_space<vmem_shared>>)
          tpu.yield
        }) : () -> ()
        %dma_wait3A_93 = arith.constant 0 : i32
        %dma_wait3A_94 = tpu.memref_slice %arg10[%dma_wait3A_93] : memref<10000xf32, #tpu.memory_space<vmem_shared>> -> memref<10000xf32, #tpu.memory_space<vmem_shared>>
        tpu.wait_indirect_dma semaphore(%arg21 : memref<!tpu.dma_semaphore, #tpu.memory_space<semaphore_mem>>) src(%arg17 : memref<80xf32, #tpu.memory_space<vmem>>) dst(%dma_wait3A_94 : memref<10000xf32, #tpu.memory_space<vmem_shared>>)
        %add3A_95 = arith.constant 2 : i32
        %add3A_96 = arith.addi %mul3A_79, %add3A_95 : i32
        %mul3A_97 = arith.constant 80 : i32
        %mul3A_98 = arith.muli %add3A_96, %mul3A_97 : i32
        %add3A_99 = arith.addi %mul3A_39, %mul3A_98 : i32
        "tpu.region"() ({
          %run_scoped3A = tpu.sem_alloc : memref<!tpu.dma_semaphore, #tpu.memory_space<semaphore_mem>>
          %dma_start3A_111 = tpu.memref_slice %arg5[%add3A_99] : memref<160000xi32, #tpu.memory_space<hbm>> -> memref<80xi32, #tpu.memory_space<hbm>>
          %dma_start3A_112 = tpu.memref_slice %arg5[%add3A_99] : memref<160000xi32, #tpu.memory_space<hbm>> -> memref<80xi32, #tpu.memory_space<hbm>>
          tpu.enqueue_dma source(%dma_start3A_112 : memref<80xi32, #tpu.memory_space<hbm>>) target(%arg13 : memref<80xi32, #tpu.memory_space<vmem>>) target_semaphore(%run_scoped3A : memref<!tpu.dma_semaphore, #tpu.memory_space<semaphore_mem>>)
          %dma_wait3A_113 = tpu.memref_slice %arg5[%add3A_99] : memref<160000xi32, #tpu.memory_space<hbm>> -> memref<80xi32, #tpu.memory_space<hbm>>
          %dma_wait3A_114 = tpu.memref_slice %arg5[%add3A_99] : memref<160000xi32, #tpu.memory_space<hbm>> -> memref<80xi32, #tpu.memory_space<hbm>>
          tpu.wait_dma2 semaphore(%run_scoped3A : memref<!tpu.dma_semaphore, #tpu.memory_space<semaphore_mem>>) src(%dma_wait3A_114 : memref<80xi32, #tpu.memory_space<hbm>>) dst(%arg13 : memref<80xi32, #tpu.memory_space<vmem>>)
          tpu.yield
        }) : () -> ()
        "tpu.region"() ({
          %run_scoped3A = tpu.sem_alloc : memref<!tpu.dma_semaphore, #tpu.memory_space<semaphore_mem>>
          %dma_start3A_111 = tpu.memref_slice %arg6[%add3A_99] : memref<160000xi32, #tpu.memory_space<hbm>> -> memref<80xi32, #tpu.memory_space<hbm>>
          %dma_start3A_112 = tpu.memref_slice %arg6[%add3A_99] : memref<160000xi32, #tpu.memory_space<hbm>> -> memref<80xi32, #tpu.memory_space<hbm>>
          tpu.enqueue_dma source(%dma_start3A_112 : memref<80xi32, #tpu.memory_space<hbm>>) target(%arg14 : memref<80xi32, #tpu.memory_space<vmem>>) target_semaphore(%run_scoped3A : memref<!tpu.dma_semaphore, #tpu.memory_space<semaphore_mem>>)
          %dma_wait3A_113 = tpu.memref_slice %arg6[%add3A_99] : memref<160000xi32, #tpu.memory_space<hbm>> -> memref<80xi32, #tpu.memory_space<hbm>>
          %dma_wait3A_114 = tpu.memref_slice %arg6[%add3A_99] : memref<160000xi32, #tpu.memory_space<hbm>> -> memref<80xi32, #tpu.memory_space<hbm>>
          tpu.wait_dma2 semaphore(%run_scoped3A : memref<!tpu.dma_semaphore, #tpu.memory_space<semaphore_mem>>) src(%dma_wait3A_114 : memref<80xi32, #tpu.memory_space<hbm>>) dst(%arg14 : memref<80xi32, #tpu.memory_space<vmem>>)
          tpu.yield
        }) : () -> ()
        %dma_start3A_100 = arith.constant 0 : i32
        %dma_start3A_101 = arith.constant 0 : i32
        %dma_start3A_102 = tpu.memref_slice %arg2[%dma_start3A_100, %dma_start3A_101] : memref<10000x128xf32, #tpu.memory_space<hbm>> -> memref<10000x128xf32, #tpu.memory_space<hbm>>
        tpu.enqueue_indirect_dma source(%dma_start3A_102 : memref<10000x128xf32, #tpu.memory_space<hbm>>) target(%arg11 : memref<80x128xf32, #tpu.memory_space<vmem>>) offsets(%arg13 : memref<80xi32, #tpu.memory_space<vmem>>) semaphore(%arg19 : memref<!tpu.dma_semaphore, #tpu.memory_space<semaphore_mem>>)
        %dma_wait3A_103 = arith.constant 0 : i32
        %dma_wait3A_104 = arith.constant 0 : i32
        %dma_wait3A_105 = tpu.memref_slice %arg2[%dma_wait3A_103, %dma_wait3A_104] : memref<10000x128xf32, #tpu.memory_space<hbm>> -> memref<10000x128xf32, #tpu.memory_space<hbm>>
        tpu.wait_indirect_dma semaphore(%arg20 : memref<!tpu.dma_semaphore, #tpu.memory_space<semaphore_mem>>) src(%dma_wait3A_105 : memref<10000x128xf32, #tpu.memory_space<hbm>>) dst(%arg12 : memref<80x128xf32, #tpu.memory_space<vmem>>)
        %dma_start3A_106 = arith.constant 0 : i32
        %dma_start3A_107 = tpu.memref_slice %arg10[%dma_start3A_106] : memref<10000xf32, #tpu.memory_space<vmem_shared>> -> memref<10000xf32, #tpu.memory_space<vmem_shared>>
        tpu.enqueue_indirect_dma source(%arg17 : memref<80xf32, #tpu.memory_space<vmem>>) target(%dma_start3A_107 : memref<10000xf32, #tpu.memory_space<vmem_shared>>) offsets(%arg16 : memref<80xi32, #tpu.memory_space<vmem>>) semaphore(%arg22 : memref<!tpu.dma_semaphore, #tpu.memory_space<semaphore_mem>>) {add = true}
        "tpu.region"() ({
          %run_scoped3A = tpu.sem_alloc : memref<!tpu.dma_semaphore, #tpu.memory_space<semaphore_mem>>
          %dma_start3A_111 = arith.constant 0 : i32
          %dma_start3A_112 = arith.constant 0 : i32
          %dma_start3A_113 = tpu.memref_slice %arg9[%dma_start3A_111, %dma_start3A_112] : memref<10000x128xf32, #tpu.memory_space<vmem_shared>> -> memref<10000x128xf32, #tpu.memory_space<vmem_shared>>
          tpu.enqueue_indirect_dma source(%arg12 : memref<80x128xf32, #tpu.memory_space<vmem>>) target(%dma_start3A_113 : memref<10000x128xf32, #tpu.memory_space<vmem_shared>>) offsets(%arg16 : memref<80xi32, #tpu.memory_space<vmem>>) semaphore(%run_scoped3A : memref<!tpu.dma_semaphore, #tpu.memory_space<semaphore_mem>>) {add = true}
          %dma_wait3A_114 = arith.constant 0 : i32
          %dma_wait3A_115 = arith.constant 0 : i32
          %dma_wait3A_116 = tpu.memref_slice %arg9[%dma_wait3A_114, %dma_wait3A_115] : memref<10000x128xf32, #tpu.memory_space<vmem_shared>> -> memref<10000x128xf32, #tpu.memory_space<vmem_shared>>
          tpu.wait_indirect_dma semaphore(%run_scoped3A : memref<!tpu.dma_semaphore, #tpu.memory_space<semaphore_mem>>) src(%arg12 : memref<80x128xf32, #tpu.memory_space<vmem>>) dst(%dma_wait3A_116 : memref<10000x128xf32, #tpu.memory_space<vmem_shared>>)
          tpu.yield
        }) : () -> ()
        %dma_wait3A_108 = arith.constant 0 : i32
        %dma_wait3A_109 = tpu.memref_slice %arg10[%dma_wait3A_108] : memref<10000xf32, #tpu.memory_space<vmem_shared>> -> memref<10000xf32, #tpu.memory_space<vmem_shared>>
        tpu.wait_indirect_dma semaphore(%arg22 : memref<!tpu.dma_semaphore, #tpu.memory_space<semaphore_mem>>) src(%arg17 : memref<80xf32, #tpu.memory_space<vmem>>) dst(%dma_wait3A_109 : memref<10000xf32, #tpu.memory_space<vmem_shared>>)
        %scan3A_110 = arith.constant 0 : i32
        scf.yield %scan3A_110 : i32
      }
      %scan3A_69 = arith.constant 62 : i32
      %dma_wait3A = arith.constant 0 : i32
      %dma_wait3A_70 = arith.constant 0 : i32
      %dma_wait3A_71 = tpu.memref_slice %arg2[%dma_wait3A, %dma_wait3A_70] : memref<10000x128xf32, #tpu.memory_space<hbm>> -> memref<10000x128xf32, #tpu.memory_space<hbm>>
      tpu.wait_indirect_dma semaphore(%arg19 : memref<!tpu.dma_semaphore, #tpu.memory_space<semaphore_mem>>) src(%dma_wait3A_71 : memref<10000x128xf32, #tpu.memory_space<hbm>>) dst(%arg11 : memref<80x128xf32, #tpu.memory_space<vmem>>)
      %dma_start3A_72 = arith.constant 0 : i32
      %dma_start3A_73 = tpu.memref_slice %arg10[%dma_start3A_72] : memref<10000xf32, #tpu.memory_space<vmem_shared>> -> memref<10000xf32, #tpu.memory_space<vmem_shared>>
      tpu.enqueue_indirect_dma source(%arg17 : memref<80xf32, #tpu.memory_space<vmem>>) target(%dma_start3A_73 : memref<10000xf32, #tpu.memory_space<vmem_shared>>) offsets(%arg14 : memref<80xi32, #tpu.memory_space<vmem>>) semaphore(%arg21 : memref<!tpu.dma_semaphore, #tpu.memory_space<semaphore_mem>>) {add = true}
      "tpu.region"() ({
        %run_scoped3A = tpu.sem_alloc : memref<!tpu.dma_semaphore, #tpu.memory_space<semaphore_mem>>
        %dma_start3A_76 = arith.constant 0 : i32
        %dma_start3A_77 = arith.constant 0 : i32
        %dma_start3A_78 = tpu.memref_slice %arg9[%dma_start3A_76, %dma_start3A_77] : memref<10000x128xf32, #tpu.memory_space<vmem_shared>> -> memref<10000x128xf32, #tpu.memory_space<vmem_shared>>
        tpu.enqueue_indirect_dma source(%arg11 : memref<80x128xf32, #tpu.memory_space<vmem>>) target(%dma_start3A_78 : memref<10000x128xf32, #tpu.memory_space<vmem_shared>>) offsets(%arg14 : memref<80xi32, #tpu.memory_space<vmem>>) semaphore(%run_scoped3A : memref<!tpu.dma_semaphore, #tpu.memory_space<semaphore_mem>>) {add = true}
        %dma_wait3A_79 = arith.constant 0 : i32
        %dma_wait3A_80 = arith.constant 0 : i32
        %dma_wait3A_81 = tpu.memref_slice %arg9[%dma_wait3A_79, %dma_wait3A_80] : memref<10000x128xf32, #tpu.memory_space<vmem_shared>> -> memref<10000x128xf32, #tpu.memory_space<vmem_shared>>
        tpu.wait_indirect_dma semaphore(%run_scoped3A : memref<!tpu.dma_semaphore, #tpu.memory_space<semaphore_mem>>) src(%arg11 : memref<80x128xf32, #tpu.memory_space<vmem>>) dst(%dma_wait3A_81 : memref<10000x128xf32, #tpu.memory_space<vmem_shared>>)
        tpu.yield
      }) : () -> ()
      %dma_wait3A_74 = arith.constant 0 : i32
      %dma_wait3A_75 = tpu.memref_slice %arg10[%dma_wait3A_74] : memref<10000xf32, #tpu.memory_space<vmem_shared>> -> memref<10000xf32, #tpu.memory_space<vmem_shared>>
      tpu.wait_indirect_dma semaphore(%arg21 : memref<!tpu.dma_semaphore, #tpu.memory_space<semaphore_mem>>) src(%arg17 : memref<80xf32, #tpu.memory_space<vmem>>) dst(%dma_wait3A_75 : memref<10000xf32, #tpu.memory_space<vmem_shared>>)
    } else {
    }
    %barrier3A_50 = arith.constant 0 : index
    tpu.barrier barrier_id(%barrier3A_50)
    "tpu.region"() ({
      %run_scoped3A = tpu.sem_alloc : memref<!tpu.dma_semaphore, #tpu.memory_space<semaphore_mem>>
      %dma_start3A = arith.constant 0 : i32
      %dma_start3A_59 = tpu.memref_slice %arg7[%arg0, %mul3A_20, %dma_start3A] : memref<2x10000x128xf32, #tpu.memory_space<hbm>> -> memref<1x624x128xf32, #tpu.memory_space<hbm>>
      %dma_start3A_60 = tpu.memref_squeeze %dma_start3A_59 : memref<1x624x128xf32, #tpu.memory_space<hbm>> -> memref<624x128xf32, #tpu.memory_space<hbm>>
      %dma_start3A_61 = arith.constant 0 : i32
      %dma_start3A_62 = tpu.memref_slice %arg9[%mul3A_20, %dma_start3A_61] : memref<10000x128xf32, #tpu.memory_space<vmem_shared>> -> memref<624x128xf32, #tpu.memory_space<vmem_shared>>
      tpu.enqueue_dma source(%dma_start3A_62 : memref<624x128xf32, #tpu.memory_space<vmem_shared>>) target(%dma_start3A_60 : memref<624x128xf32, #tpu.memory_space<hbm>>) target_semaphore(%run_scoped3A : memref<!tpu.dma_semaphore, #tpu.memory_space<semaphore_mem>>)
      %dma_wait3A = arith.constant 0 : i32
      %dma_wait3A_63 = tpu.memref_slice %arg7[%arg0, %mul3A_20, %dma_wait3A] : memref<2x10000x128xf32, #tpu.memory_space<hbm>> -> memref<1x624x128xf32, #tpu.memory_space<hbm>>
      %dma_wait3A_64 = tpu.memref_squeeze %dma_wait3A_63 : memref<1x624x128xf32, #tpu.memory_space<hbm>> -> memref<624x128xf32, #tpu.memory_space<hbm>>
      %dma_wait3A_65 = arith.constant 0 : i32
      %dma_wait3A_66 = tpu.memref_slice %arg9[%mul3A_20, %dma_wait3A_65] : memref<10000x128xf32, #tpu.memory_space<vmem_shared>> -> memref<624x128xf32, #tpu.memory_space<vmem_shared>>
      tpu.wait_dma2 semaphore(%run_scoped3A : memref<!tpu.dma_semaphore, #tpu.memory_space<semaphore_mem>>) src(%dma_wait3A_66 : memref<624x128xf32, #tpu.memory_space<vmem_shared>>) dst(%dma_wait3A_64 : memref<624x128xf32, #tpu.memory_space<hbm>>)
      tpu.yield
    }) : () -> ()
    "tpu.region"() ({
      %run_scoped3A = tpu.sem_alloc : memref<!tpu.dma_semaphore, #tpu.memory_space<semaphore_mem>>
      %dma_start3A = tpu.memref_slice %arg10[%mul3A_20] : memref<10000xf32, #tpu.memory_space<vmem_shared>> -> memref<624xf32, #tpu.memory_space<vmem_shared>>
      %dma_start3A_59 = tpu.memref_slice %arg10[%mul3A_20] : memref<10000xf32, #tpu.memory_space<vmem_shared>> -> memref<624xf32, #tpu.memory_space<vmem_shared>>
      tpu.enqueue_dma source(%dma_start3A_59 : memref<624xf32, #tpu.memory_space<vmem_shared>>) target(%arg18 : memref<624xf32, #tpu.memory_space<vmem>>) target_semaphore(%run_scoped3A : memref<!tpu.dma_semaphore, #tpu.memory_space<semaphore_mem>>)
      %dma_wait3A = tpu.memref_slice %arg10[%mul3A_20] : memref<10000xf32, #tpu.memory_space<vmem_shared>> -> memref<624xf32, #tpu.memory_space<vmem_shared>>
      %dma_wait3A_60 = tpu.memref_slice %arg10[%mul3A_20] : memref<10000xf32, #tpu.memory_space<vmem_shared>> -> memref<624xf32, #tpu.memory_space<vmem_shared>>
      tpu.wait_dma2 semaphore(%run_scoped3A : memref<!tpu.dma_semaphore, #tpu.memory_space<semaphore_mem>>) src(%dma_wait3A_60 : memref<624xf32, #tpu.memory_space<vmem_shared>>) dst(%arg18 : memref<624xf32, #tpu.memory_space<vmem>>)
      tpu.yield
    }) : () -> ()
    %mul3A_51 = arith.constant 10000 : i32
    %mul3A_52 = arith.muli %arg0, %mul3A_51 : i32
    %add3A_53 = arith.addi %mul3A_52, %mul3A_20 : i32
    "tpu.region"() ({
      %run_scoped3A = tpu.sem_alloc : memref<!tpu.dma_semaphore, #tpu.memory_space<semaphore_mem>>
      %dma_start3A = tpu.memref_slice %arg8[%add3A_53] : memref<20000xf32, #tpu.memory_space<hbm>> -> memref<624xf32, #tpu.memory_space<hbm>>
      %dma_start3A_59 = tpu.memref_slice %arg8[%add3A_53] : memref<20000xf32, #tpu.memory_space<hbm>> -> memref<624xf32, #tpu.memory_space<hbm>>
      tpu.enqueue_dma source(%arg18 : memref<624xf32, #tpu.memory_space<vmem>>) target(%dma_start3A_59 : memref<624xf32, #tpu.memory_space<hbm>>) target_semaphore(%run_scoped3A : memref<!tpu.dma_semaphore, #tpu.memory_space<semaphore_mem>>)
      %dma_wait3A = tpu.memref_slice %arg8[%add3A_53] : memref<20000xf32, #tpu.memory_space<hbm>> -> memref<624xf32, #tpu.memory_space<hbm>>
      %dma_wait3A_60 = tpu.memref_slice %arg8[%add3A_53] : memref<20000xf32, #tpu.memory_space<hbm>> -> memref<624xf32, #tpu.memory_space<hbm>>
      tpu.wait_dma2 semaphore(%run_scoped3A : memref<!tpu.dma_semaphore, #tpu.memory_space<semaphore_mem>>) src(%arg18 : memref<624xf32, #tpu.memory_space<vmem>>) dst(%dma_wait3A_60 : memref<624xf32, #tpu.memory_space<hbm>>)
      tpu.yield
    }) : () -> ()
    %eq3A_54 = arith.constant 15 : i32
    %eq3A_55 = arith.cmpi eq, %arg1, %eq3A_54 : i32
    %convert_element_type3A_56 = arith.extui %eq3A_55 : i1 to i32
    %cond3A_57 = arith.constant 0 : i32
    %cond3A_58 = arith.cmpi ne, %convert_element_type3A_56, %cond3A_57 : i32
    scf.if %cond3A_58 {
      "tpu.region"() ({
        %run_scoped3A = tpu.sem_alloc : memref<!tpu.dma_semaphore, #tpu.memory_space<semaphore_mem>>
        %dma_start3A = arith.constant 9984 : i32
        %dma_start3A_63 = arith.constant 0 : i32
        %dma_start3A_64 = tpu.memref_slice %arg7[%arg0, %dma_start3A, %dma_start3A_63] : memref<2x10000x128xf32, #tpu.memory_space<hbm>> -> memref<1x16x128xf32, #tpu.memory_space<hbm>>
        %dma_start3A_65 = tpu.memref_squeeze %dma_start3A_64 : memref<1x16x128xf32, #tpu.memory_space<hbm>> -> memref<16x128xf32, #tpu.memory_space<hbm>>
        %dma_start3A_66 = arith.constant 9984 : i32
        %dma_start3A_67 = arith.constant 0 : i32
        %dma_start3A_68 = tpu.memref_slice %arg9[%dma_start3A_66, %dma_start3A_67] : memref<10000x128xf32, #tpu.memory_space<vmem_shared>> -> memref<16x128xf32, #tpu.memory_space<vmem_shared>>
        tpu.enqueue_dma source(%dma_start3A_68 : memref<16x128xf32, #tpu.memory_space<vmem_shared>>) target(%dma_start3A_65 : memref<16x128xf32, #tpu.memory_space<hbm>>) target_semaphore(%run_scoped3A : memref<!tpu.dma_semaphore, #tpu.memory_space<semaphore_mem>>)
        %dma_wait3A = arith.constant 9984 : i32
        %dma_wait3A_69 = arith.constant 0 : i32
        %dma_wait3A_70 = tpu.memref_slice %arg7[%arg0, %dma_wait3A, %dma_wait3A_69] : memref<2x10000x128xf32, #tpu.memory_space<hbm>> -> memref<1x16x128xf32, #tpu.memory_space<hbm>>
        %dma_wait3A_71 = tpu.memref_squeeze %dma_wait3A_70 : memref<1x16x128xf32, #tpu.memory_space<hbm>> -> memref<16x128xf32, #tpu.memory_space<hbm>>
        %dma_wait3A_72 = arith.constant 9984 : i32
        %dma_wait3A_73 = arith.constant 0 : i32
        %dma_wait3A_74 = tpu.memref_slice %arg9[%dma_wait3A_72, %dma_wait3A_73] : memref<10000x128xf32, #tpu.memory_space<vmem_shared>> -> memref<16x128xf32, #tpu.memory_space<vmem_shared>>
        tpu.wait_dma2 semaphore(%run_scoped3A : memref<!tpu.dma_semaphore, #tpu.memory_space<semaphore_mem>>) src(%dma_wait3A_74 : memref<16x128xf32, #tpu.memory_space<vmem_shared>>) dst(%dma_wait3A_71 : memref<16x128xf32, #tpu.memory_space<hbm>>)
        tpu.yield
      }) : () -> ()
      "tpu.region"() ({
        %run_scoped3A = tpu.sem_alloc : memref<!tpu.dma_semaphore, #tpu.memory_space<semaphore_mem>>
        %dma_start3A = arith.constant 0 : i32
        %dma_start3A_63 = tpu.memref_slice %arg18[%dma_start3A] : memref<624xf32, #tpu.memory_space<vmem>> -> memref<16xf32, #tpu.memory_space<vmem>>
        %dma_start3A_64 = arith.constant 9984 : i32
        %dma_start3A_65 = tpu.memref_slice %arg10[%dma_start3A_64] : memref<10000xf32, #tpu.memory_space<vmem_shared>> -> memref<16xf32, #tpu.memory_space<vmem_shared>>
        %dma_start3A_66 = arith.constant 0 : i32
        %dma_start3A_67 = tpu.memref_slice %arg18[%dma_start3A_66] : memref<624xf32, #tpu.memory_space<vmem>> -> memref<16xf32, #tpu.memory_space<vmem>>
        %dma_start3A_68 = arith.constant 9984 : i32
        %dma_start3A_69 = tpu.memref_slice %arg10[%dma_start3A_68] : memref<10000xf32, #tpu.memory_space<vmem_shared>> -> memref<16xf32, #tpu.memory_space<vmem_shared>>
        tpu.enqueue_dma source(%dma_start3A_69 : memref<16xf32, #tpu.memory_space<vmem_shared>>) target(%dma_start3A_67 : memref<16xf32, #tpu.memory_space<vmem>>) target_semaphore(%run_scoped3A : memref<!tpu.dma_semaphore, #tpu.memory_space<semaphore_mem>>)
        %dma_wait3A = arith.constant 0 : i32
        %dma_wait3A_70 = tpu.memref_slice %arg18[%dma_wait3A] : memref<624xf32, #tpu.memory_space<vmem>> -> memref<16xf32, #tpu.memory_space<vmem>>
        %dma_wait3A_71 = arith.constant 9984 : i32
        %dma_wait3A_72 = tpu.memref_slice %arg10[%dma_wait3A_71] : memref<10000xf32, #tpu.memory_space<vmem_shared>> -> memref<16xf32, #tpu.memory_space<vmem_shared>>
        %dma_wait3A_73 = arith.constant 0 : i32
        %dma_wait3A_74 = tpu.memref_slice %arg18[%dma_wait3A_73] : memref<624xf32, #tpu.memory_space<vmem>> -> memref<16xf32, #tpu.memory_space<vmem>>
        %dma_wait3A_75 = arith.constant 9984 : i32
        %dma_wait3A_76 = tpu.memref_slice %arg10[%dma_wait3A_75] : memref<10000xf32, #tpu.memory_space<vmem_shared>> -> memref<16xf32, #tpu.memory_space<vmem_shared>>
        tpu.wait_dma2 semaphore(%run_scoped3A : memref<!tpu.dma_semaphore, #tpu.memory_space<semaphore_mem>>) src(%dma_wait3A_76 : memref<16xf32, #tpu.memory_space<vmem_shared>>) dst(%dma_wait3A_74 : memref<16xf32, #tpu.memory_space<vmem>>)
        tpu.yield
      }) : () -> ()
      %mul3A_59 = arith.constant 10000 : i32
      %mul3A_60 = arith.muli %arg0, %mul3A_59 : i32
      %add3A_61 = arith.constant 9984 : i32
      %add3A_62 = arith.addi %mul3A_60, %add3A_61 : i32
      "tpu.region"() ({
        %run_scoped3A = tpu.sem_alloc : memref<!tpu.dma_semaphore, #tpu.memory_space<semaphore_mem>>
        %dma_start3A = arith.constant 0 : i32
        %dma_start3A_63 = tpu.memref_slice %arg18[%dma_start3A] : memref<624xf32, #tpu.memory_space<vmem>> -> memref<16xf32, #tpu.memory_space<vmem>>
        %dma_start3A_64 = tpu.memref_slice %arg8[%add3A_62] : memref<20000xf32, #tpu.memory_space<hbm>> -> memref<16xf32, #tpu.memory_space<hbm>>
        %dma_start3A_65 = tpu.memref_slice %arg8[%add3A_62] : memref<20000xf32, #tpu.memory_space<hbm>> -> memref<16xf32, #tpu.memory_space<hbm>>
        %dma_start3A_66 = arith.constant 0 : i32
        %dma_start3A_67 = tpu.memref_slice %arg18[%dma_start3A_66] : memref<624xf32, #tpu.memory_space<vmem>> -> memref<16xf32, #tpu.memory_space<vmem>>
        tpu.enqueue_dma source(%dma_start3A_67 : memref<16xf32, #tpu.memory_space<vmem>>) target(%dma_start3A_65 : memref<16xf32, #tpu.memory_space<hbm>>) target_semaphore(%run_scoped3A : memref<!tpu.dma_semaphore, #tpu.memory_space<semaphore_mem>>)
        %dma_wait3A = arith.constant 0 : i32
        %dma_wait3A_68 = tpu.memref_slice %arg18[%dma_wait3A] : memref<624xf32, #tpu.memory_space<vmem>> -> memref<16xf32, #tpu.memory_space<vmem>>
        %dma_wait3A_69 = tpu.memref_slice %arg8[%add3A_62] : memref<20000xf32, #tpu.memory_space<hbm>> -> memref<16xf32, #tpu.memory_space<hbm>>
        %dma_wait3A_70 = tpu.memref_slice %arg8[%add3A_62] : memref<20000xf32, #tpu.memory_space<hbm>> -> memref<16xf32, #tpu.memory_space<hbm>>
        %dma_wait3A_71 = arith.constant 0 : i32
        %dma_wait3A_72 = tpu.memref_slice %arg18[%dma_wait3A_71] : memref<624xf32, #tpu.memory_space<vmem>> -> memref<16xf32, #tpu.memory_space<vmem>>
        tpu.wait_dma2 semaphore(%run_scoped3A : memref<!tpu.dma_semaphore, #tpu.memory_space<semaphore_mem>>) src(%dma_wait3A_72 : memref<16xf32, #tpu.memory_space<vmem>>) dst(%dma_wait3A_70 : memref<16xf32, #tpu.memory_space<hbm>>)
        tpu.yield
      }) : () -> ()
    } else {
    }
    return
  }
}

module attributes {stable_mosaic.version = 14 : i64} {
  func.func @_dense0_body(%arg0: i32, %arg1: memref<1000x128xf32, #tpu.memory_space<vmem>>, %arg2: memref<1000x128xf32, #tpu.memory_space<vmem>>, %arg3: memref<1000x1xf32, #tpu.memory_space<vmem>>, %arg4: memref<1000x1xf32, #tpu.memory_space<vmem>>, %arg5: memref<128x128xf32, #tpu.memory_space<vmem>>, %arg6: memref<128x128xf32, #tpu.memory_space<vmem>>, %arg7: memref<1x128xf32, #tpu.memory_space<vmem>>, %arg8: memref<1x128xf32, #tpu.memory_space<vmem>>, %arg9: memref<1000x128xf32, #tpu.memory_space<vmem>>) attributes {dimension_semantics = [#tpu.dimension_semantics<arbitrary>], iteration_bounds = array<i64: 10>, scalar_prefetch = 0 : i64, scratch_operands = 0 : i64, tpu.core_type = #tpu.core_type<tc>, window_params = [{transform_indices = @transform_0, window_bounds = array<i64: 1000, 128>}, {transform_indices = @transform_1, window_bounds = array<i64: 1000, 128>}, {transform_indices = @transform_2, window_bounds = array<i64: 1000, 1>}, {transform_indices = @transform_3, window_bounds = array<i64: 1000, 1>}, {pipeline_mode = #tpu.pipeline_mode<synchronous>, transform_indices = @transform_4, window_bounds = array<i64: 128, 128>}, {pipeline_mode = #tpu.pipeline_mode<synchronous>, transform_indices = @transform_5, window_bounds = array<i64: 128, 128>}, {pipeline_mode = #tpu.pipeline_mode<synchronous>, transform_indices = @transform_6, window_bounds = array<i64: 1, 128>}, {pipeline_mode = #tpu.pipeline_mode<synchronous>, transform_indices = @transform_7, window_bounds = array<i64: 1, 128>}, {transform_indices = @transform_8, window_bounds = array<i64: 1000, 128>}]} {
    %get3A = arith.constant 0 : index
    %get3A_0 = arith.constant 0 : index
    %get3A_1 = vector.load %arg1[%get3A, %get3A_0] : memref<1000x128xf32, #tpu.memory_space<vmem>>, vector<1000x128xf32>
    %get3A_2 = arith.constant 0 : index
    %get3A_3 = arith.constant 0 : index
    %get3A_4 = vector.load %arg3[%get3A_2, %get3A_3] : memref<1000x1xf32, #tpu.memory_space<vmem>>, vector<1000x1xf32>
    %max3A = arith.constant 1.000000e+00 : f32
    %max3A_5 = vector.broadcast %max3A : f32 to vector<1000x1xf32>
    %max3A_6 = arith.maximumf %get3A_4, %max3A_5 : vector<1000x1xf32>
    %div3A = arith.constant 1.000000e+00 : f32
    %div3A_7 = vector.broadcast %div3A : f32 to vector<1000x1xf32>
    %div3A_8 = arith.divf %div3A_7, %max3A_6 : vector<1000x1xf32>
    %mul3A = vector.broadcast %div3A_8 : vector<1000x1xf32> to vector<1000x128xf32>
    %mul3A_9 = arith.mulf %get3A_1, %mul3A : vector<1000x128xf32>
    %get3A_10 = arith.constant 0 : index
    %get3A_11 = arith.constant 0 : index
    %get3A_12 = vector.load %arg2[%get3A_10, %get3A_11] : memref<1000x128xf32, #tpu.memory_space<vmem>>, vector<1000x128xf32>
    %get3A_13 = arith.constant 0 : index
    %get3A_14 = arith.constant 0 : index
    %get3A_15 = vector.load %arg4[%get3A_13, %get3A_14] : memref<1000x1xf32, #tpu.memory_space<vmem>>, vector<1000x1xf32>
    %max3A_16 = arith.constant 1.000000e+00 : f32
    %max3A_17 = vector.broadcast %max3A_16 : f32 to vector<1000x1xf32>
    %max3A_18 = arith.maximumf %get3A_15, %max3A_17 : vector<1000x1xf32>
    %div3A_19 = arith.constant 1.000000e+00 : f32
    %div3A_20 = vector.broadcast %div3A_19 : f32 to vector<1000x1xf32>
    %div3A_21 = arith.divf %div3A_20, %max3A_18 : vector<1000x1xf32>
    %mul3A_22 = vector.broadcast %div3A_21 : vector<1000x1xf32> to vector<1000x128xf32>
    %mul3A_23 = arith.mulf %get3A_12, %mul3A_22 : vector<1000x128xf32>
    %get3A_24 = arith.constant 0 : index
    %get3A_25 = arith.constant 0 : index
    %get3A_26 = vector.load %arg5[%get3A_24, %get3A_25] : memref<128x128xf32, #tpu.memory_space<vmem>>, vector<128x128xf32>
    %dot_general3A = arith.constant dense<0.000000e+00> : vector<1000x128xf32>
    %dot_general3A_27 = tpu.matmul %mul3A_9, %get3A_26, %dot_general3A {dimension_numbers = #tpu.dot_dimension_numbers<[1], [0], [0], [1], [0, 0, 1, 1], [], []>, transpose_lhs_hint = false} : vector<1000x128xf32>, vector<128x128xf32>, vector<1000x128xf32> -> vector<1000x128xf32>
    %get3A_28 = arith.constant 0 : index
    %get3A_29 = arith.constant 0 : index
    %get3A_30 = vector.load %arg6[%get3A_28, %get3A_29] : memref<128x128xf32, #tpu.memory_space<vmem>>, vector<128x128xf32>
    %dot_general3A_31 = arith.constant dense<0.000000e+00> : vector<1000x128xf32>
    %dot_general3A_32 = tpu.matmul %mul3A_23, %get3A_30, %dot_general3A_31 {dimension_numbers = #tpu.dot_dimension_numbers<[1], [0], [0], [1], [0, 0, 1, 1], [], []>, transpose_lhs_hint = false} : vector<1000x128xf32>, vector<128x128xf32>, vector<1000x128xf32> -> vector<1000x128xf32>
    %add3A = arith.addf %dot_general3A_27, %dot_general3A_32 : vector<1000x128xf32>
    %get3A_33 = arith.constant 0 : index
    %get3A_34 = arith.constant 0 : index
    %get3A_35 = vector.load %arg7[%get3A_33, %get3A_34] : memref<1x128xf32, #tpu.memory_space<vmem>>, vector<1x128xf32>
    %add3A_36 = vector.broadcast %get3A_35 : vector<1x128xf32> to vector<1000x128xf32>
    %add3A_37 = arith.addf %add3A, %add3A_36 : vector<1000x128xf32>
    %get3A_38 = arith.constant 0 : index
    %get3A_39 = arith.constant 0 : index
    %get3A_40 = vector.load %arg8[%get3A_38, %get3A_39] : memref<1x128xf32, #tpu.memory_space<vmem>>, vector<1x128xf32>
    %add3A_41 = vector.broadcast %get3A_40 : vector<1x128xf32> to vector<1000x128xf32>
    %add3A_42 = arith.addf %add3A_37, %add3A_41 : vector<1000x128xf32>
    %max3A_43 = arith.constant 0.000000e+00 : f32
    %max3A_44 = vector.broadcast %max3A_43 : f32 to vector<1000x128xf32>
    %max3A_45 = arith.maximumf %add3A_42, %max3A_44 : vector<1000x128xf32>
    %swap3A = arith.constant 0 : index
    %swap3A_46 = arith.constant 0 : index
    %swap3A_47 = vector.load %arg9[%swap3A, %swap3A_46] : memref<1000x128xf32, #tpu.memory_space<vmem>>, vector<1000x128xf32>
    tpu.vector_store %arg9[%swap3A, %swap3A_46], %max3A_45 {strides = array<i32>} : memref<1000x128xf32, #tpu.memory_space<vmem>>, vector<1000x128xf32>,
    return
  }
  func.func @transform_0(%arg0: i32) -> (i32, i32) {
    %c0_i32 = arith.constant 0 : i32
    %c0_i32_0 = arith.constant 0 : i32
    return %arg0, %c0_i32 : i32, i32
  }
  func.func @transform_1(%arg0: i32) -> (i32, i32) {
    %c0_i32 = arith.constant 0 : i32
    %c0_i32_0 = arith.constant 0 : i32
    return %arg0, %c0_i32 : i32, i32
  }
  func.func @transform_2(%arg0: i32) -> (i32, i32) {
    %c0_i32 = arith.constant 0 : i32
    %c0_i32_0 = arith.constant 0 : i32
    return %arg0, %c0_i32 : i32, i32
  }
  func.func @transform_3(%arg0: i32) -> (i32, i32) {
    %c0_i32 = arith.constant 0 : i32
    %c0_i32_0 = arith.constant 0 : i32
    return %arg0, %c0_i32 : i32, i32
  }
  func.func @transform_4(%arg0: i32) -> (i32, i32) {
    %c0_i32 = arith.constant 0 : i32
    %c0_i32_0 = arith.constant 0 : i32
    %c0_i32_1 = arith.constant 0 : i32
    return %c0_i32, %c0_i32_0 : i32, i32
  }
  func.func @transform_5(%arg0: i32) -> (i32, i32) {
    %c0_i32 = arith.constant 0 : i32
    %c0_i32_0 = arith.constant 0 : i32
    %c0_i32_1 = arith.constant 0 : i32
    return %c0_i32, %c0_i32_0 : i32, i32
  }
  func.func @transform_6(%arg0: i32) -> (i32, i32) {
    %c0_i32 = arith.constant 0 : i32
    %c0_i32_0 = arith.constant 0 : i32
    %c0_i32_1 = arith.constant 0 : i32
    return %c0_i32, %c0_i32_0 : i32, i32
  }
  func.func @transform_7(%arg0: i32) -> (i32, i32) {
    %c0_i32 = arith.constant 0 : i32
    %c0_i32_0 = arith.constant 0 : i32
    %c0_i32_1 = arith.constant 0 : i32
    return %c0_i32, %c0_i32_0 : i32, i32
  }
  func.func @transform_8(%arg0: i32) -> (i32, i32) {
    %c0_i32 = arith.constant 0 : i32
    %c0_i32_0 = arith.constant 0 : i32
    return %arg0, %c0_i32 : i32, i32
  }
}

module attributes {stable_mosaic.version = 14 : i64} {
  func.func @_dense1_body(%arg0: i32, %arg1: memref<1000x128xf32, #tpu.memory_space<vmem>>, %arg2: memref<1000x128xf32, #tpu.memory_space<vmem>>, %arg3: memref<1000x1xf32, #tpu.memory_space<vmem>>, %arg4: memref<1000x1xf32, #tpu.memory_space<vmem>>, %arg5: memref<1000x128xf32, #tpu.memory_space<vmem>>, %arg6: memref<128x128xf32, #tpu.memory_space<vmem>>, %arg7: memref<128x128xf32, #tpu.memory_space<vmem>>, %arg8: memref<128x128xf32, #tpu.memory_space<vmem>>, %arg9: memref<1x128xf32, #tpu.memory_space<vmem>>, %arg10: memref<1x128xf32, #tpu.memory_space<vmem>>, %arg11: memref<1x128xf32, #tpu.memory_space<vmem>>, %arg12: memref<1000x128xf32, #tpu.memory_space<vmem>>) attributes {dimension_semantics = [#tpu.dimension_semantics<arbitrary>], iteration_bounds = array<i64: 10>, scalar_prefetch = 0 : i64, scratch_operands = 0 : i64, tpu.core_type = #tpu.core_type<tc>, window_params = [{transform_indices = @transform_0, window_bounds = array<i64: 1000, 128>}, {transform_indices = @transform_1, window_bounds = array<i64: 1000, 128>}, {transform_indices = @transform_2, window_bounds = array<i64: 1000, 1>}, {transform_indices = @transform_3, window_bounds = array<i64: 1000, 1>}, {transform_indices = @transform_4, window_bounds = array<i64: 1000, 128>}, {pipeline_mode = #tpu.pipeline_mode<synchronous>, transform_indices = @transform_5, window_bounds = array<i64: 128, 128>}, {pipeline_mode = #tpu.pipeline_mode<synchronous>, transform_indices = @transform_6, window_bounds = array<i64: 128, 128>}, {pipeline_mode = #tpu.pipeline_mode<synchronous>, transform_indices = @transform_7, window_bounds = array<i64: 128, 128>}, {pipeline_mode = #tpu.pipeline_mode<synchronous>, transform_indices = @transform_8, window_bounds = array<i64: 1, 128>}, {pipeline_mode = #tpu.pipeline_mode<synchronous>, transform_indices = @transform_9, window_bounds = array<i64: 1, 128>}, {pipeline_mode = #tpu.pipeline_mode<synchronous>, transform_indices = @transform_10, window_bounds = array<i64: 1, 128>}, {transform_indices = @transform_11, window_bounds = array<i64: 1000, 128>}]} {
    %get3A = arith.constant 0 : index
    %get3A_0 = arith.constant 0 : index
    %get3A_1 = vector.load %arg1[%get3A, %get3A_0] : memref<1000x128xf32, #tpu.memory_space<vmem>>, vector<1000x128xf32>
    %get3A_2 = arith.constant 0 : index
    %get3A_3 = arith.constant 0 : index
    %get3A_4 = vector.load %arg3[%get3A_2, %get3A_3] : memref<1000x1xf32, #tpu.memory_space<vmem>>, vector<1000x1xf32>
    %max3A = arith.constant 1.000000e+00 : f32
    %max3A_5 = vector.broadcast %max3A : f32 to vector<1000x1xf32>
    %max3A_6 = arith.maximumf %get3A_4, %max3A_5 : vector<1000x1xf32>
    %div3A = arith.constant 1.000000e+00 : f32
    %div3A_7 = vector.broadcast %div3A : f32 to vector<1000x1xf32>
    %div3A_8 = arith.divf %div3A_7, %max3A_6 : vector<1000x1xf32>
    %mul3A = vector.broadcast %div3A_8 : vector<1000x1xf32> to vector<1000x128xf32>
    %mul3A_9 = arith.mulf %get3A_1, %mul3A : vector<1000x128xf32>
    %get3A_10 = arith.constant 0 : index
    %get3A_11 = arith.constant 0 : index
    %get3A_12 = vector.load %arg2[%get3A_10, %get3A_11] : memref<1000x128xf32, #tpu.memory_space<vmem>>, vector<1000x128xf32>
    %get3A_13 = arith.constant 0 : index
    %get3A_14 = arith.constant 0 : index
    %get3A_15 = vector.load %arg4[%get3A_13, %get3A_14] : memref<1000x1xf32, #tpu.memory_space<vmem>>, vector<1000x1xf32>
    %max3A_16 = arith.constant 1.000000e+00 : f32
    %max3A_17 = vector.broadcast %max3A_16 : f32 to vector<1000x1xf32>
    %max3A_18 = arith.maximumf %get3A_15, %max3A_17 : vector<1000x1xf32>
    %div3A_19 = arith.constant 1.000000e+00 : f32
    %div3A_20 = vector.broadcast %div3A_19 : f32 to vector<1000x1xf32>
    %div3A_21 = arith.divf %div3A_20, %max3A_18 : vector<1000x1xf32>
    %mul3A_22 = vector.broadcast %div3A_21 : vector<1000x1xf32> to vector<1000x128xf32>
    %mul3A_23 = arith.mulf %get3A_12, %mul3A_22 : vector<1000x128xf32>
    %get3A_24 = arith.constant 0 : index
    %get3A_25 = arith.constant 0 : index
    %get3A_26 = vector.load %arg6[%get3A_24, %get3A_25] : memref<128x128xf32, #tpu.memory_space<vmem>>, vector<128x128xf32>
    %dot_general3A = arith.constant dense<0.000000e+00> : vector<1000x128xf32>
    %dot_general3A_27 = tpu.matmul %mul3A_9, %get3A_26, %dot_general3A {dimension_numbers = #tpu.dot_dimension_numbers<[1], [0], [0], [1], [0, 0, 1, 1], [], []>, transpose_lhs_hint = false} : vector<1000x128xf32>, vector<128x128xf32>, vector<1000x128xf32> -> vector<1000x128xf32>
    %get3A_28 = arith.constant 0 : index
    %get3A_29 = arith.constant 0 : index
    %get3A_30 = vector.load %arg7[%get3A_28, %get3A_29] : memref<128x128xf32, #tpu.memory_space<vmem>>, vector<128x128xf32>
    %dot_general3A_31 = arith.constant dense<0.000000e+00> : vector<1000x128xf32>
    %dot_general3A_32 = tpu.matmul %mul3A_23, %get3A_30, %dot_general3A_31 {dimension_numbers = #tpu.dot_dimension_numbers<[1], [0], [0], [1], [0, 0, 1, 1], [], []>, transpose_lhs_hint = false} : vector<1000x128xf32>, vector<128x128xf32>, vector<1000x128xf32> -> vector<1000x128xf32>
    %add3A = arith.addf %dot_general3A_27, %dot_general3A_32 : vector<1000x128xf32>
    %get3A_33 = arith.constant 0 : index
    %get3A_34 = arith.constant 0 : index
    %get3A_35 = vector.load %arg5[%get3A_33, %get3A_34] : memref<1000x128xf32, #tpu.memory_space<vmem>>, vector<1000x128xf32>
    %get3A_36 = arith.constant 0 : index
    %get3A_37 = arith.constant 0 : index
    %get3A_38 = vector.load %arg8[%get3A_36, %get3A_37] : memref<128x128xf32, #tpu.memory_space<vmem>>, vector<128x128xf32>
    %dot_general3A_39 = arith.constant dense<0.000000e+00> : vector<1000x128xf32>
    %dot_general3A_40 = tpu.matmul %get3A_35, %get3A_38, %dot_general3A_39 {dimension_numbers = #tpu.dot_dimension_numbers<[1], [0], [0], [1], [0, 0, 1, 1], [], []>, transpose_lhs_hint = false} : vector<1000x128xf32>, vector<128x128xf32>, vector<1000x128xf32> -> vector<1000x128xf32>
    %add3A_41 = arith.addf %add3A, %dot_general3A_40 : vector<1000x128xf32>
    %get3A_42 = arith.constant 0 : index
    %get3A_43 = arith.constant 0 : index
    %get3A_44 = vector.load %arg9[%get3A_42, %get3A_43] : memref<1x128xf32, #tpu.memory_space<vmem>>, vector<1x128xf32>
    %add3A_45 = vector.broadcast %get3A_44 : vector<1x128xf32> to vector<1000x128xf32>
    %add3A_46 = arith.addf %add3A_41, %add3A_45 : vector<1000x128xf32>
    %get3A_47 = arith.constant 0 : index
    %get3A_48 = arith.constant 0 : index
    %get3A_49 = vector.load %arg10[%get3A_47, %get3A_48] : memref<1x128xf32, #tpu.memory_space<vmem>>, vector<1x128xf32>
    %add3A_50 = vector.broadcast %get3A_49 : vector<1x128xf32> to vector<1000x128xf32>
    %add3A_51 = arith.addf %add3A_46, %add3A_50 : vector<1000x128xf32>
    %get3A_52 = arith.constant 0 : index
    %get3A_53 = arith.constant 0 : index
    %get3A_54 = vector.load %arg11[%get3A_52, %get3A_53] : memref<1x128xf32, #tpu.memory_space<vmem>>, vector<1x128xf32>
    %add3A_55 = vector.broadcast %get3A_54 : vector<1x128xf32> to vector<1000x128xf32>
    %add3A_56 = arith.addf %add3A_51, %add3A_55 : vector<1000x128xf32>
    %swap3A = arith.constant 0 : index
    %swap3A_57 = arith.constant 0 : index
    %swap3A_58 = vector.load %arg12[%swap3A, %swap3A_57] : memref<1000x128xf32, #tpu.memory_space<vmem>>, vector<1000x128xf32>
    tpu.vector_store %arg12[%swap3A, %swap3A_57], %add3A_56 {strides = array<i32>} : memref<1000x128xf32, #tpu.memory_space<vmem>>, vector<1000x128xf32>,
    return
  }
  func.func @transform_0(%arg0: i32) -> (i32, i32) {
    %c0_i32 = arith.constant 0 : i32
    %c0_i32_0 = arith.constant 0 : i32
    return %arg0, %c0_i32 : i32, i32
  }
  func.func @transform_1(%arg0: i32) -> (i32, i32) {
    %c0_i32 = arith.constant 0 : i32
    %c0_i32_0 = arith.constant 0 : i32
    return %arg0, %c0_i32 : i32, i32
  }
  func.func @transform_2(%arg0: i32) -> (i32, i32) {
    %c0_i32 = arith.constant 0 : i32
    %c0_i32_0 = arith.constant 0 : i32
    return %arg0, %c0_i32 : i32, i32
  }
  func.func @transform_3(%arg0: i32) -> (i32, i32) {
    %c0_i32 = arith.constant 0 : i32
    %c0_i32_0 = arith.constant 0 : i32
    return %arg0, %c0_i32 : i32, i32
  }
  func.func @transform_4(%arg0: i32) -> (i32, i32) {
    %c0_i32 = arith.constant 0 : i32
    %c0_i32_0 = arith.constant 0 : i32
    return %arg0, %c0_i32 : i32, i32
  }
  func.func @transform_5(%arg0: i32) -> (i32, i32) {
    %c0_i32 = arith.constant 0 : i32
    %c0_i32_0 = arith.constant 0 : i32
    %c0_i32_1 = arith.constant 0 : i32
    return %c0_i32, %c0_i32_0 : i32, i32
  }
  func.func @transform_6(%arg0: i32) -> (i32, i32) {
    %c0_i32 = arith.constant 0 : i32
    %c0_i32_0 = arith.constant 0 : i32
    %c0_i32_1 = arith.constant 0 : i32
    return %c0_i32, %c0_i32_0 : i32, i32
  }
  func.func @transform_7(%arg0: i32) -> (i32, i32) {
    %c0_i32 = arith.constant 0 : i32
    %c0_i32_0 = arith.constant 0 : i32
    %c0_i32_1 = arith.constant 0 : i32
    return %c0_i32, %c0_i32_0 : i32, i32
  }
  func.func @transform_8(%arg0: i32) -> (i32, i32) {
    %c0_i32 = arith.constant 0 : i32
    %c0_i32_0 = arith.constant 0 : i32
    %c0_i32_1 = arith.constant 0 : i32
    return %c0_i32, %c0_i32_0 : i32, i32
  }
  func.func @transform_9(%arg0: i32) -> (i32, i32) {
    %c0_i32 = arith.constant 0 : i32
    %c0_i32_0 = arith.constant 0 : i32
    %c0_i32_1 = arith.constant 0 : i32
    return %c0_i32, %c0_i32_0 : i32, i32
  }
  func.func @transform_10(%arg0: i32) -> (i32, i32) {
    %c0_i32 = arith.constant 0 : i32
    %c0_i32_0 = arith.constant 0 : i32
    %c0_i32_1 = arith.constant 0 : i32
    return %c0_i32, %c0_i32_0 : i32, i32
  }
  func.func @transform_11(%arg0: i32) -> (i32, i32) {
    %c0_i32 = arith.constant 0 : i32
    %c0_i32_0 = arith.constant 0 : i32
    return %arg0, %c0_i32 : i32, i32
  }
}

</mosaic_0001>

<sc_bundles>
// kernel: kernel.6.cloned.1.call-start
scs
__scs_entry_jumppad:
0x0: {  	(pc) =	sbr.rel $0x88, $3  }
0x1: {  	(tag) =	ssettag $0x0;
	lr =	simm.s32 $0x1  }
0x2: {  	[smem:$0x3F8E] =	sst lr;
	_ =	strace $0xD0000000  }
0x3: {  	_ = 	snop  }
0x4: {  	_ = 	snop  }
0x5: {  	_ = 	snop  }
0x6: {  	_ = 	snop  }
0x7: {  	_ = 	snop  }
__scs_overlays_trampoline_lowered:
0x8: {  	[smem:$0x3F9D] =	sst s0  }
0x9: {  	[smem:$0x3F9E] =	sst s1  }
0xa: {  	[smem:$0x3F9F] =	sst s2  }
0xb: {  	[smem:$0x3FA0] =	sst s3  }
0xc: {  	[smem:$0x3FA1] =	sst s4  }
0xd: {  	[smem:$0x3FA2] =	sst s5  }
0xe: {  	[smem:$0x3FA3] =	sst s6  }
0xf: {  	[smem:$0x3FA4] =	sst s7  }
0x10: {  	[smem:$0x3FA5] =	sst s8  }
0x11: {  	[smem:$0x3FA6] =	sst s9;
	s0 =	simm.s32 @!p0 $0x0  }
0x12: {  	s1 =	sld [smem:$0x3F8C];
	s0 =	simm.s32 @p0 $0x1  }
0x13: {  	[smem:$0x3FA7] =	sst s0;
	s0 =	simm.s32 @!p1 $0x0  }
0x14: {  	s2 =	sld [smem:$0x3F8B];
	s0 =	simm.s32 @p1 $0x1  }
0x15: {  	[smem:$0x3FA8] =	sst s0;
	s0 =	simm.s32 @!p2 $0x0  }
0x16: {  	s3 =	sld [smem:$0x3FDB];
	s0 =	simm.s32 @p2 $0x1  }
0x17: {  	s4 =	simm.s32 $0x1BF5;
	[smem:$0x3FAA] =	sst s0  }
0x18: {  	s0 =	sld [smem:$0x3F8D];
	_ =	swait.ge [sflag:s4], $0x0  }
0x19: {  	s7 =	sld [smem:$0x3F8E]  }
0x1a: {  	s8 =	sadd.s32 $0xFFFFE003, lr  }
0x1b: {  	s9 =	sadd.s32 $0xFFFFFEF7, lr;
	s5 =	simm.s32 $0xFFFFFFFF;
	p2 =	slt.u32 s8, $0xFFFFF086  }
0x1c: {  	p1 =	slt.u32 s9, $0xF7A;
	s5 =	simm.s32 @!p2 $0x0  }
0x1d: {  	s5 =	simm.s32 @p1 $0x1;
	p0 =	seq.s32 s7, s2  }
0x1e: {  	s7 =	smul.u32 @!p0 $0xF7A, s2;
	p2 =	seq.s32 @!p0 s5, $0x0  }
0x1f: {  	s9 =	smul.u32 $0xF7A, s1;
	s8 =	simm.s32 @!p0 $0x1BF5;
	p2 =	por !p2, p0  }
0x20: {  	[sflag:s8] =	ssyncset.s32 @!p0 $0xFFFFF086;
	s6 =	sadd.s32 @!p0 s3, s7;
	s7 =	simm.s32 @!p0 $0x108  }
0x21: {  	s3 =	sadd.s32 s3, s9;
	s6 =	sadd.s32 @!p0 $0x88, s6;
	s7 =	simm.s32 @p2 $0x1082  }
0x22: {  	[simem:s7], [sflag:s8] =	dma.local @!p0 [hbm:s6], $0xF7A  }
0x23: {  	s9 =	sor.u32 $0xD0000000, s2;
	s6 =	simm.s32 $0x108;
	_ =	swait.ge @!p0 [sflag:s8], $0x0  }
0x24: {  	s3 =	sadd.s32 $0x88, s3;
	s6 =	simm.s32 @!p1 $0x1082;
	[sflag:s4] =	ssyncset.s32 $0xFFFFF086  }
0x25: {  	[simem:s6], [sflag:s4] =	dma.local [hbm:s3], $0xF7A  }
0x26: {  	[smem:$0x3F8E] =	sst s1;
	(tag) =	ssettag s2;
	_ =	strace s9  }
0x27: {  	s1 =	sld [smem:$0x3F9E]  }
0x28: {  	s2 =	sld [smem:$0x3F9F]  }
0x29: {  	s4 =	sld [smem:$0x3FA1]  }
0x2a: {  	p0 =	seq.s32 s5, $0x0;
	s5 =	sld [smem:$0x3FA2]  }
0x2b: {  	s6 =	sld [smem:$0x3FA3]  }
0x2c: {  	s7 =	sld [smem:$0x3FA4]  }
0x2d: {  	s3 =	simm.s32 $0x108;
	s8 =	sld [smem:$0x3FA5]  }
0x2e: {  	s3 =	simm.s32 @!p0 $0x1082;
	s9 =	sld [smem:$0x3FA6]  }
0x2f: {  	lr =	sadd.s32 s0, s3;
	s0 =	sld [smem:$0x3F9D]  }
0x30: {  	s3 =	sld [smem:$0x3FA0]  }
0x31: {  	[smem:$0x3FA9] =	sst s10  }
0x32: {  	s10 =	sld [smem:$0x3FA7];
	_ =	sdelay $0x3  }
0x33: {  	p0 =	seq.s32 s10, $0x1;
	s10 =	sld [smem:$0x3FA9];
	_ =	sdelay $0x3  }
0x34: {  	[smem:$0x3FA9] =	sst s10  }
0x35: {  	s10 =	sld [smem:$0x3FA8];
	_ =	sdelay $0x3  }
0x36: {  	p1 =	seq.s32 s10, $0x1;
	s10 =	sld [smem:$0x3FA9];
	_ =	sdelay $0x3  }
0x37: {  	[smem:$0x3FA9] =	sst s10  }
0x38: {  	s10 =	sld [smem:$0x3FAA]  }
0x39: {  	_ = 	snop;
	(pc) =	sbr.ind lr, $3  }
0x3a: {  	_ = 	snop  }
0x3b: {  	_ = 	snop  }
0x3c: {  	p2 =	seq.s32 s10, $0x1;
	s10 =	sld [smem:$0x3FA9]  }
0x3d: {  	_ =	shalt  }
0x3e: {  	_ =	shalt  }
0x3f: {  	_ =	shalt  }
0x40: {  	_ =	shalt  }
0x41: {  	_ =	shalt  }
0x42: {  	_ =	shalt  }
0x43: {  	_ =	shalt  }
0x44: {  	_ =	shalt  }
0x45: {  	_ =	shalt  }
0x46: {  	_ =	shalt  }
0x47: {  	_ =	shalt  }
0x48: {  	_ =	shalt  }
0x49: {  	_ =	shalt  }
0x4a: {  	_ =	shalt  }
0x4b: {  	_ =	shalt  }
0x4c: {  	_ =	shalt  }
0x4d: {  	_ =	shalt  }
0x4e: {  	_ =	shalt  }
0x4f: {  	_ =	shalt  }
0x50: {  	_ =	shalt  }
0x51: {  	_ =	shalt  }
0x52: {  	_ =	shalt  }
0x53: {  	_ =	shalt  }
0x54: {  	_ =	shalt  }
0x55: {  	_ =	shalt  }
0x56: {  	_ =	shalt  }
0x57: {  	_ =	shalt  }
0x58: {  	_ =	shalt  }
0x59: {  	_ =	shalt  }
0x5a: {  	_ =	shalt  }
0x5b: {  	_ =	shalt  }
0x5c: {  	_ =	shalt  }
0x5d: {  	_ =	shalt  }
0x5e: {  	_ =	shalt  }
0x5f: {  	_ =	shalt  }
0x60: {  	_ =	shalt  }
0x61: {  	_ =	shalt  }
0x62: {  	_ =	shalt  }
0x63: {  	_ =	shalt  }
0x64: {  	_ =	shalt  }
0x65: {  	_ =	shalt  }
0x66: {  	_ =	shalt  }
0x67: {  	_ =	shalt  }
0x68: {  	_ =	shalt  }
0x69: {  	_ =	shalt  }
0x6a: {  	_ =	shalt  }
0x6b: {  	_ =	shalt  }
0x6c: {  	_ =	shalt  }
0x6d: {  	_ =	shalt  }
0x6e: {  	_ =	shalt  }
0x6f: {  	_ =	shalt  }
0x70: {  	_ =	shalt  }
0x71: {  	_ =	shalt  }
0x72: {  	_ =	shalt  }
0x73: {  	_ =	shalt  }
0x74: {  	_ =	shalt  }
0x75: {  	_ =	shalt  }
0x76: {  	_ =	shalt  }
0x77: {  	_ =	shalt  }
0x78: {  	_ =	shalt  }
0x79: {  	_ =	shalt  }
0x7a: {  	_ =	shalt  }
0x7b: {  	_ =	shalt  }
0x7c: {  	_ =	shalt  }
0x7d: {  	_ =	shalt  }
0x7e: {  	_ =	shalt  }
0x7f: {  	_ =	shalt  }
0x80: {  	_ =	shalt  }
0x81: {  	_ =	shalt  }
0x82: {  	_ =	shalt  }
0x83: {  	_ =	shalt  }
0x84: {  	_ =	shalt  }
0x85: {  	_ =	shalt  }
0x86: {  	_ =	shalt  }
0x87: {  	_ =	shalt  }
.Lfunc_end0:
.L_simem_size_0:
called_computation_lowered:
.L_overlay_start_0:
0x88: {  	s2 =	sld [smem:$0x3FD9]  }
0x89: {  	s3 =	sld [smem:$0x3FFE];
	_ =	sdelay $0x1  }
0x8a: {  	s1 =	srdreg.scid  }
0x8b: {  	s0 =	sand.u32 $0x1, s1  }
0x8c: {  	s17 =	sshll.u32 s0, $0xA;
	s2 =	sadd.s32 s3, s2  }
0x8d: {  	s2 =	sadd.s32 s2, s17  }
0x8e: {  	[smem:$0x3FB5] =	sst s2  }
0x8f: {  	_ = 	snop  }
0x90: {  	s2 =	sld [smem:$0x3FC9]  }
0x91: {  	s18 =	sld [smem:$0x3FC8]  }
0x92: {  	s4 =	sld [smem:$0x3FC7]  }
0x93: {  	s5 =	sld [smem:$0x3FC6]  }
0x94: {  	s6 =	sld [smem:$0x3FC5]  }
0x95: {  	s7 =	sld [smem:$0x3FD0];
	(tm) =	ssettm $0x1  }
0x96: {  	s8 =	sld [smem:$0x3FFB];
	_ =	sdelay $0x3  }
0x97: {  	_ =	strace s8  }
0x98: {  	s8 =	sld [smem:$0x3FFC];
	_ =	sdelay $0x3  }
0x99: {  	_ =	strace s8  }
0x9a: {  	s8 =	sld [smem:$0x3FFD];
	_ =	sdelay $0x3  }
0x9b: {  	_ =	strace s8  }
0x9c: {  	_ =	strace $0x8FFFFFFF  }
0x9d: {  	s19 =	sld [smem:$0x3FDB];
	_ =	sdelay $0x1  }
0x9e: {  	s9 =	simm.s32 $_scs_section_size  }
0x9f: {  	s10 =	simm.s32 $_size__tile_overlayer_lowered;
	s11 =	simm.s32 $_tile_overlayer_lowered  }
0xa0: {  	s22 =	simm.s32 $0x1BFF;
	s21 =	sshll.u32 s11, $0x1;
	s8 =	sadd.s32 s9, s19  }
0xa1: {  	s12 =	simm.s32 $0x0;
	s20 =	sshll.u32 s10, $0x1;
	s10 =	sadd.s32 s21, s8  }
0xa2: {  	[timem:s12], [sflag:s22] =	dma.local [hbm:s10], s20  }
0xa3: {  	_ =	swait.ge [sflag:s22], s20  }
0xa4: {  	s9 =	ssub.s32 $0x0, s20;
	[sflag:s22] =	ssyncset.done $0x0  }
0xa5: {  	[sflag:s22] =	ssyncadd.s32 s9;
	_ =	sdelay $0x1  }
0xa6: {  	s23 =	simm.s32 $0x1B8B  }
0xa7: {  	_ =	swait.ge [sflag:s23], $0x1  }
0xa8: {  	[sflag:s23] =	ssyncset.done $0x0  }
0xa9: {  	s25 =	simm.s32 $0x1B8E;
	s24 =	sld [smem:$0x3FFE];
	[sflag:s23] =	ssyncadd.s32 $0xFFFFFFFF  }
0xaa: {  	s26 =	simm.s32 $execute0_lowered;
	[smem:$0x3FD2] =	sst s25  }
0xab: {  	s10 =	sshll.u32 s26, $0x1;
	_ =	strace $0x80000046;
	[dreg:$0x1] =	wrdreg $0xFFFFFFFF  }
0xac: {  	s28 =	simm.s32 $_size_execute0_lowered;
	s8 =	sadd.s32 s8, s10;
	[dreg:$0x0] =	wrdreg $0x0  }
0xad: {  	s10 =	sshll.u32 s28, $0x1;
	[dreg:$0x2] =	wrdreg s8  }
0xae: {  	[dreg:$0x3] =	wrdreg s10  }
0xaf: {  	[dreg:$0x4] =	wrdreg $0xC0  }
0xb0: {  	_ =	task [dreg:s12], $0x5FFFF  }
0xb1: {  	[dreg:$0x1] =	wrdreg $0xFFFFFFFF  }
0xb2: {  	[dreg:$0x0] =	wrdreg $0x60  }
0xb3: {  	[dreg:$0x2] =	wrdreg s2  }
0xb4: {  	[dreg:$0x3] =	wrdreg s18  }
0xb5: {  	[dreg:$0x4] =	wrdreg s4  }
0xb6: {  	[dreg:$0x5] =	wrdreg s5  }
0xb7: {  	[dreg:$0x6] =	wrdreg s6  }
0xb8: {  	[dreg:$0x7] =	wrdreg s24  }
0xb9: {  	[dreg:$0x8] =	wrdreg s7  }
0xba: {  	[dreg:$0x9] =	wrdreg $0x0  }
0xbb: {  	[dreg:$0xa] =	wrdreg $0x138800  }
0xbc: {  	[dreg:$0xb] =	wrdreg $0x9  }
0xbd: {  	_ =	task.clear_ibuf [dreg:s12], $0xCFFFF;
	_ =	strace $0x90000046  }
0xbe: {  	s29 =	simm.s32 $0x9;
	_ =	strace $0x80000048  }
0xbf: {  	_ =	swait.ge [sflag:s29], $0x1  }
0xc0: {  	[sflag:s29] =	ssyncadd.s32 $0xFFFFFFFF  }
0xc1: {  	_ =	strace $0x90000048  }
0xc2: {  	_ =	sfence  }
0xc3: {  	s30 =	sld [smem:$0x0];
	_ =	sdelay $0x2  }
0xc4: {  	s31 =	sshll.u32 s1, $0xD;
	s1 =	sshrl.u32 s1, $0x2  }
0xc5: {  	s3 =	sand.u32 $0x4000, s31;
	s1 =	sadd.s32 s1, s30  }
0xc6: {  	s0 =	sor.u32 s3, s0;
	s1 =	sshll.u32 s1, $0x11  }
0xc7: {  	s0 =	sor.u32 s1, s0  }
0xc8: {  	s0 =	sadd.s32 $0x8F2B, s0  }
0xc9: {  	[sflag:s0] =	ssyncadd.remote.s32 $0x1  }
0xca: {  	_ =	sfence.sel $0xFFFF  }
0xcb: {  	[dreg:$0x0] =	wrdreg $0xFFFFFFFF;
	(pc) =	sbr.abs _section_cstart, $3  }
0xcc: {  	[dreg:$0x1] =	wrdreg $0xFFFFFFFF  }
0xcd: {  	_ =	task.clear_ibuf [dreg:s12], $0x2FFFF;
	_ =	strace $0x9FFFFFFF  }
0xce: {  	(tm) =	ssettm $0x7FFFFFFF  }
0xcf: {  	_ =	shalt  }
tec
execute0_lowered:
.L_overlay_start_1:
0x0: {  	(tag) =	ssettag $0x1  }
0x1: {  	s0 =	rddreg [dreg:$0x0]  }
0x2: {  	s1 =	rddreg [dreg:$0x1]  }
0x3: {  	s3 =	rddreg [dreg:$0x2]  }
0x4: {  	s7 =	rddreg [dreg:$0x3]  }
0x5: {  	s8 =	rddreg [dreg:$0x4]  }
0x6: {  	s6 =	rddreg [dreg:$0x5]  }
0x7: {  	s9 =	rddreg [dreg:$0x6]  }
0x8: {  	s2 =	rddreg [dreg:$0x7];
	s21 =	stileid.u32  }
0x9: {  	s5 =	simm.s32 $0x0;
	s10 =	srdreg.scid;
	s11 =	smul.u32 $0x4E000, s21  }
0xa: {  	s31 =	simm.s32 $0x13AF8;
	[smem:$0x7FF] =	sst s5;
	s14 =	smul.u32 $0x270, s21  }
0xb: {  	s12 =	sadd.s32 $0x3200, s6;
	s10 =	sand.u32 $0x1, s10;
	s15 =	smul.u32 $0x2710, s21  }
0xc: {  	s19 =	smul.u32 $0x13800, s21;
	p1 =	sne.s32 s21, $0xF;
	s28 =	sadd.s32 $0x138000, s2  }
0xd: {  	s4 =	rddreg [dreg:$0x8];
	_ =	strace $0x80000047;
	s30 =	smul.u32 $0x138800, s10  }
0xe: {  	s13 =	ssub.s32 $0x2, s10;
	s20 =	smul.u32 $0x2710, s10;
	p0 =	seq.s32 s10, $0x1  }
0xf: {  	s25 =	sshrl.u32 s11, $0x2;
	s26 =	sshrl.u32 s13, $0x1;
	s15 =	sshrl.u32 s15, $0x3  }
0x10: {  	s6 =	sadd.s32 s25, s2;
	s11 =	ssub.s32 s13, s26;
	s22 =	sadd.s32 s1, s15  }
0x11: {  	s23 =	sadd.s32 s19, s30;
	s24 =	sadd.s32 s3, s15;
	[dreg:$0xe] =	wrdreg s22  }
0x12: {  	s25 =	sadd.s32 s14, s20;
	s13 =	sshrl.u32 s30, $0x3;
	[dreg:$0xf] =	wrdreg s24  }
0x13: {  	s30 =	smul.u32 $0x4E2, s21;
	s29 =	sadd.s32 $0x2800, s6;
	[dreg:$0x1b] =	wrdreg s6  }
0x14: {  	s21 =	simm.s32 $0x4;
	s16 =	sadd.s32 $0x5000, s6;
	[dreg:$0xa] =	wrdreg s29  }
0x15: {  	s18 =	sadd.s32 $0x7800, s6;
	s17 =	sadd.s32 $0xA000, s6;
	[dreg:$0xb] =	wrdreg s16  }
0x16: {  	s10 =	sshrl.u32 s23, $0x3;
	s26 =	sshrl.u32 s25, $0x3;
	[dreg:$0xc] =	wrdreg s18  }
0x17: {  	s24 =	smax.u32 s11, $0x1;
	s25 =	sadd.s32 $0xF000, s6;
	[dreg:$0xd] =	wrdreg s17  }
0x18: {  	s10 =	sadd.s32 s12, s10;
	s12 =	sadd.s32 s12, s13;
	s29 =	sshrl.u32 s20, $0x3  }
0x19: {  	s13 =	sadd.s32 s7, s15;
	s15 =	sadd.s32 s8, s15;
	s17 =	sadd.s32 s30, s3  }
0x1a: {  	s18 =	sadd.s32 s30, s1;
	s19 =	sadd.s32 s30, s8;
	[dreg:$0x17] =	wrdreg s24  }
0x1b: {  	s20 =	sadd.s32 s30, s7;
	s16 =	sadd.s32 $0xC800, s6;
	[dreg:$0x18] =	wrdreg s25  }
0x1c: {  	s30 =	sadd.s32 $0x2700, s4;
	s1 =	simm.s32 $0x5;
	[dreg:$0x10] =	wrdreg s10  }
0x1d: {  	s3 =	simm.s32 $0x18BF8;
	s7 =	simm.s32 $0x18C78;
	[dreg:$0x12] =	wrdreg s13  }
0x1e: {  	s8 =	simm.s32 $0x162F8;
	s10 =	sadd.s32 s9, s26;
	[dreg:$0x13] =	wrdreg s15  }
0x1f: {  	s9 =	sadd.s32 s9, s29;
	[dreg:$0x14] =	wrdreg s16;
	s26 =	sadd.s32 s14, s4  }
0x20: {  	s22 =	sadd.s32 $0x27000, s12;
	s29 =	sadd.s32 $0x11800, s6;
	[dreg:$0x1a] =	wrdreg s30  }
.Ltmp0:
0x21: {  	s6 =	simm.s32 $0x18D78;
	s12 =	simm.s32 $0x18AF8;
	(pc) =	sbr.rel .LBB2_1-.Ltmp0, $4  }
0x22: {  	s15 =	simm.s32 $0x18B78;
	s16 =	simm.s32 $0x50;
	[dreg:$0x11] =	wrdreg s10  }
0x23: {  	s13 =	simm.s32 $0x3;
	s14 =	simm.s32 $0x2;
	[dreg:$0x15] =	wrdreg s22  }
0x24: {  	s23 =	sadd.s32 $0x4E0, s9;
	[dreg:$0x19] =	wrdreg s29;
	s9 =	simm.s32 $0x1  }
0x25: {  	v0 =	vimm.f32 $0.0e+00;
	v1 =	vimm.f32 $1.000000000e+00;
	s10 =	simm.s32 $0x18CF8;
	[dreg:$0x16] =	wrdreg s23;
	s23 =	simm.s32 $0x0  }
.LBB2_6:
0x26: {  	s11 =	sadd.s32 $0x4E2, s26;
	[sflag:s21] =	ssyncadd.s32 $0xFFFFFFB0  }
0x27: {  	[tilespmem:s3], [sflag:$0x5] =	stream.linear.gather [hbm4b:s11+s5], $0x50, $0x38;
	[tilespmem:$0x18FF8] =	vst v63  }
0x28: {  	_ =	swait.ge [sflag:s1], $0x50  }
0x29: {  	s25 =	sadd.s32 s24, s17;
	[sflag:s1] =	ssyncset.done $0x0  }
0x2a: {  	s22 =	sadd.s32 $0x4E2, s25;
	[sflag:s1] =	ssyncadd.s32 $0xFFFFFFB0  }
0x2b: {  	[tilespmem:s7], [sflag:$0x5] =	stream.linear.gather [hbm4b:s22+s5], $0x50, $0x38;
	[tilespmem:$0x18FF8] =	vst v63  }
0x2c: {  	_ =	swait.ge [sflag:s1], $0x50  }
0x2d: {  	[sflag:s1] =	ssyncset.done $0x0  }
0x2e: {  	[sflag:s1] =	ssyncadd.s32 $0xFFFFFFB0  }
0x2f: {  	[tilespmem:s8], [sflag:$0x2] =	stream.indirect.gather [hbm4b:s0+s16], $0x80, s3, s16, $0xb8;
	[tilespmem:$0x18FF8] =	vst v63  }
0x30: {  	_ =	swait.ge [sflag:s9], $0x2800  }
0x31: {  	[sflag:s9] =	ssyncset.done $0x0  }
0x32: {  	[sflag:s9] =	ssyncadd.s32 $0xFFFFD800  }
0x33: {  	[spmem:s4] =	stream.indirect.scatter.add.f32 [tilespmem:s10], [sflag:$0x3], $0x1, s15, s16, $0xb8;
	[tilespmem:$0x18FF8] =	vst v63  }
0x34: {  	_ = 	snop  }
0x35: {  	[spmem:s2] =	stream.indirect.scatter.add.f32 [tilespmem:s31], [sflag:$0x5], $0x80, s15, s16, $0xb8;
	[tilespmem:$0x18FF8] =	vst v63  }
0x36: {  	_ =	swait.ge [sflag:s1], $0x2800  }
0x37: {  	[sflag:s1] =	ssyncset.done $0x0  }
0x38: {  	[sflag:s1] =	ssyncadd.s32 $0xFFFFD800  }
0x39: {  	_ =	swait.ge [sflag:s13], $0x50  }
0x3a: {  	[sflag:s13] =	ssyncset.done $0x0  }
0x3b: {  	s28 =	sadd.s32 $0x4EC, s26;
	[sflag:s13] =	ssyncadd.s32 $0xFFFFFFB0  }
0x3c: {  	[tilespmem:s12], [sflag:$0x5] =	stream.linear.gather [hbm4b:s28+s5], $0x50, $0x38;
	[tilespmem:$0x18FF8] =	vst v63  }
0x3d: {  	_ =	swait.ge [sflag:s1], $0x50  }
0x3e: {  	[sflag:s1] =	ssyncset.done $0x0  }
0x3f: {  	s11 =	sadd.s32 $0x4EC, s25;
	[sflag:s1] =	ssyncadd.s32 $0xFFFFFFB0  }
0x40: {  	[tilespmem:s15], [sflag:$0x5] =	stream.linear.gather [hbm4b:s11+s5], $0x50, $0x38;
	[tilespmem:$0x18FF8] =	vst v63  }
0x41: {  	_ =	swait.ge [sflag:s1], $0x50  }
0x42: {  	[sflag:s1] =	ssyncset.done $0x0  }
0x43: {  	[sflag:s1] =	ssyncadd.s32 $0xFFFFFFB0  }
0x44: {  	[tilespmem:s31], [sflag:$0x1] =	stream.indirect.gather [hbm4b:s0+s16], $0x80, s12, s16, $0xb8;
	[tilespmem:$0x18FF8] =	vst v63  }
0x45: {  	_ =	swait.ge [sflag:s14], $0x2800  }
0x46: {  	[sflag:s14] =	ssyncset.done $0x0  }
0x47: {  	[sflag:s14] =	ssyncadd.s32 $0xFFFFD800  }
0x48: {  	[spmem:s4] =	stream.indirect.scatter.add.f32 [tilespmem:s10], [sflag:$0x4], $0x1, s7, s16, $0xb8;
	[tilespmem:$0x18FF8] =	vst v63  }
0x49: {  	_ = 	snop  }
0x4a: {  	[spmem:s2] =	stream.indirect.scatter.add.f32 [tilespmem:s8], [sflag:$0x5], $0x80, s7, s16, $0xb8;
	[tilespmem:$0x18FF8] =	vst v63  }
0x4b: {  	_ =	swait.ge [sflag:s1], $0x2800  }
0x4c: {  	[sflag:s1] =	ssyncset.done $0x0  }
0x4d: {  	[sflag:s1] =	ssyncadd.s32 $0xFFFFD800  }
0x4e: {  	_ =	swait.ge [sflag:s21], $0x50  }
0x4f: {  	[sflag:s21] =	ssyncset.done $0x0  }
0x50: {  	[sflag:s21] =	ssyncadd.s32 $0xFFFFFFB0  }
.LBB2_10:
0x51: {  	_ =	swait.ge [sflag:s9], $0x2800  }
0x52: {  	[sflag:s9] =	ssyncset.done $0x0  }
0x53: {  	[sflag:s9] =	ssyncadd.s32 $0xFFFFD800  }
0x54: {  	[spmem:s4] =	stream.indirect.scatter.add.f32 [tilespmem:s10], [sflag:$0x3], $0x1, s15, s16, $0xb8;
	[tilespmem:$0x18FF8] =	vst v63  }
0x55: {  	_ = 	snop  }
0x56: {  	[spmem:s2] =	stream.indirect.scatter.add.f32 [tilespmem:s31], [sflag:$0x5], $0x80, s15, s16, $0xb8;
	[tilespmem:$0x18FF8] =	vst v63  }
0x57: {  	_ =	swait.ge [sflag:s1], $0x2800  }
0x58: {  	[sflag:s1] =	ssyncset.done $0x0  }
0x59: {  	[sflag:s1] =	ssyncadd.s32 $0xFFFFD800  }
0x5a: {  	_ =	swait.ge [sflag:s13], $0x50  }
0x5b: {  	[sflag:s13] =	ssyncset.done $0x0  }
0x5c: {  	[sflag:s13] =	ssyncadd.s32 $0xFFFFFFB0  }
0x5d: {  	s11 =	stileid.u32;
	[bflag:$0x0] =	sbarrier.arrive $0xFFFF  }
0x5e: {  	s11 =	sshll.u32 s11, $0x6;
	s6 =	rddreg [dreg:$0x1b]  }
0x5f: {  	s11 =	sor.u32 $0x1C05, s11;
	s24 =	rddreg [dreg:$0x10];
	s22 =	sshrl.u32 s6, $0x3  }
0x60: {  	[hbm:s24], [sflag:s11] =	dma.local [spmem:s22], $0x2700  }
0x61: {  	_ =	swait.ge [sflag:s1], $0x2700  }
0x62: {  	[sflag:s1] =	ssyncset.done $0x0  }
0x63: {  	s25 =	simm.s32 $0x18D78;
	[sflag:s1] =	ssyncadd.s32 $0xFFFFD900  }
0x64: {  	[tilespmem:s25], [sflag:$0x5] =	stream.linear.gather [spmem:s29], $0x270, $0x38;
	[tilespmem:$0x18FF8] =	vst v63  }
0x65: {  	_ =	swait.ge [sflag:s1], $0x270  }
0x66: {  	[sflag:s1] =	ssyncset.done $0x0  }
0x67: {  	s26 =	smov.u32 s29;
	s29 =	rddreg [dreg:$0x11];
	[sflag:s1] =	ssyncadd.s32 $0xFFFFFD90  }
0x68: {  	[hbm4b:s29+s5] =	stream.linear.scatter [tilespmem:s25], [sflag:$0x5], $0x270, $0x38;
	[tilespmem:$0x18FF8] =	vst v63  }
0x69: {  	_ =	swait.ge [sflag:s1], $0x270  }
0x6a: {  	[sflag:s1] =	ssyncset.done $0x0  }
0x6b: {  	s22 =	sshrl.u32 @!p1 s30, $0x3;
	s24 =	rddreg [dreg:$0x15];
	[sflag:s1] =	ssyncadd.s32 $0xFFFFFD90  }
0x6c: {  	[hbm:s24], [sflag:s11] =	dma.local @!p1 [spmem:s22], $0x100  }
0x6d: {  	s11 =	simm.s32 @!p1 $0x5  }
0x6e: {  	_ =	swait.ge @!p1 [sflag:s11], $0x100  }
0x6f: {  	[sflag:s11] =	ssyncset.done @!p1 $0x0  }
0x70: {  	s22 =	simm.s32 @!p1 $0x18D78;
	s24 =	rddreg [dreg:$0x1a];
	[sflag:s11] =	ssyncadd.s32 @!p1 $0xFFFFFF00  }
0x71: {  	[tilespmem:s22], [sflag:$0x5] =	stream.linear.gather @!p1 [spmem:s24], $0x10, $0x38;
	[tilespmem:$0x18FF8] =	vst v63  }
0x72: {  	_ =	swait.ge @!p1 [sflag:s11], $0x10  }
0x73: {  	[sflag:s11] =	ssyncset.done @!p1 $0x0  }
0x74: {  	s24 =	simm.s32 @!p1 $0x0;
	s25 =	rddreg [dreg:$0x16];
	[sflag:s11] =	ssyncadd.s32 @!p1 $0xFFFFFFF0  }
0x75: {  	[hbm4b:s25+s24] =	stream.linear.scatter @!p1 [tilespmem:s22], [sflag:$0x5], $0x10, $0x38;
	[tilespmem:$0x18FF8] =	vst v63  }
0x76: {  	_ =	swait.ge @!p1 [sflag:s11], $0x10  }
0x77: {  	s28 =	smov.u32 s30;
	s23 =	sadd.s32 $0x1, s23;
	s30 =	rddreg [dreg:$0x17]  }
0x78: {  	p2 =	sne.s32 s23, s30  }
.Ltmp1:
0x79: {  	_ = 	snop;
	(pc) =	sbr.rel @!p2 .LBB2_11-.Ltmp1, $3  }
0x7a: {  	_ =	sdelay $0x1  }
0x7b: {  	[sflag:s11] =	ssyncset.done @!p1 $0x0  }
0x7c: {  	s6 =	simm.s32 $0x18D78;
	[sflag:s11] =	ssyncadd.s32 @!p1 $0xFFFFFFF0  }
.LBB2_1:
0x7d: {  	s24 =	simm.s32 $0x0;
	s25 =	simm.s32 $0x200  }
.LBB2_2:
0x7e: {  	p2 =	sne.s32 s25, $0x9E00;
	[tilespmem:s24+$0x13B68] =	vst v0  }
0x7f: {  	[tilespmem:s24+$0x13AF8] =	vst v0  }
0x80: {  	[tilespmem:s24+$0x13B08] =	vst v0  }
.Ltmp2:
0x81: {  	[tilespmem:s24+$0x13B18] =	vst v0;
	(pc) =	sbr.rel @p2 .LBB2_2-.Ltmp2, $4  }
0x82: {  	[tilespmem:s24+$0x13B28] =	vst v0  }
0x83: {  	[tilespmem:s24+$0x13B38] =	vst v0  }
0x84: {  	[tilespmem:s24+$0x13B48] =	vst v0  }
0x85: {  	[tilespmem:s24+$0x13B58] =	vst v0;
	s24 =	sshra.s32 s25, $0x2;
	s25 =	sadd.s32 $0x200, s25  }
0x86: {  	[tilespmem:s24+$0x13B68] =	vst v0  }
0x87: {  	[tilespmem:s24+$0x13AF8] =	vst v0  }
0x88: {  	[tilespmem:s24+$0x13B08] =	vst v0  }
0x89: {  	[tilespmem:s24+$0x13B18] =	vst v0  }
0x8a: {  	[tilespmem:s24+$0x13B28] =	vst v0  }
0x8b: {  	[tilespmem:s24+$0x13B38] =	vst v0  }
0x8c: {  	[tilespmem:s24+$0x13B48] =	vst v0  }
0x8d: {  	[tilespmem:s24+$0x13B58] =	vst v0  }
0x8e: {  	[tilespmem:$0x18CF8] =	vst v1  }
0x8f: {  	[tilespmem:$0x18D08] =	vst v1  }
0x90: {  	[tilespmem:$0x18D18] =	vst v1  }
0x91: {  	[tilespmem:$0x18D28] =	vst v1  }
0x92: {  	[tilespmem:$0x18D38] =	vst v1  }
0x93: {  	[tilespmem:$0x18D78] =	vst v0  }
0x94: {  	[tilespmem:$0x18D88] =	vst v0  }
0x95: {  	[tilespmem:$0x18D98] =	vst v0  }
0x96: {  	[tilespmem:$0x18DA8] =	vst v0  }
0x97: {  	[tilespmem:$0x18DB8] =	vst v0  }
0x98: {  	[tilespmem:$0x18DC8] =	vst v0  }
0x99: {  	[tilespmem:$0x18DD8] =	vst v0  }
0x9a: {  	[tilespmem:$0x18DE8] =	vst v0  }
0x9b: {  	[tilespmem:$0x18DF8] =	vst v0  }
0x9c: {  	[tilespmem:$0x18E08] =	vst v0  }
0x9d: {  	[tilespmem:$0x18E18] =	vst v0  }
0x9e: {  	[tilespmem:$0x18E28] =	vst v0  }
0x9f: {  	[tilespmem:$0x18E38] =	vst v0  }
0xa0: {  	[tilespmem:$0x18E48] =	vst v0  }
0xa1: {  	[tilespmem:$0x18E58] =	vst v0  }
0xa2: {  	[tilespmem:$0x18E68] =	vst v0  }
0xa3: {  	[tilespmem:$0x18E78] =	vst v0  }
0xa4: {  	[tilespmem:$0x18E88] =	vst v0  }
0xa5: {  	[tilespmem:$0x18E98] =	vst v0  }
0xa6: {  	[tilespmem:$0x18EA8] =	vst v0  }
0xa7: {  	[tilespmem:$0x18EB8] =	vst v0  }
0xa8: {  	[tilespmem:$0x18EC8] =	vst v0  }
0xa9: {  	[tilespmem:$0x18ED8] =	vst v0  }
0xaa: {  	[tilespmem:$0x18EE8] =	vst v0  }
0xab: {  	[tilespmem:$0x18EF8] =	vst v0  }
0xac: {  	[tilespmem:$0x18F08] =	vst v0  }
0xad: {  	[tilespmem:$0x18F18] =	vst v0  }
0xae: {  	[tilespmem:$0x18F28] =	vst v0  }
0xaf: {  	[tilespmem:$0x18F38] =	vst v0  }
0xb0: {  	[tilespmem:$0x18F48] =	vst v0  }
0xb1: {  	[tilespmem:$0x18F58] =	vst v0  }
0xb2: {  	[tilespmem:$0x18F68] =	vst v0  }
0xb3: {  	[tilespmem:$0x18F78] =	vst v0  }
0xb4: {  	[tilespmem:$0x18F88] =	vst v0  }
0xb5: {  	[tilespmem:$0x18F98] =	vst v0  }
0xb6: {  	[tilespmem:$0x18FA8] =	vst v0  }
0xb7: {  	[tilespmem:$0x18FB8] =	vst v0  }
0xb8: {  	[tilespmem:$0x18FC8] =	vst v0  }
0xb9: {  	s11 =	rddreg [dreg:$0x1b];
	[tilespmem:$0x18FD8] =	vst v0  }
0xba: {  	[spmem:s11] =	stream.linear.scatter [tilespmem:s31], [sflag:$0x5], $0x2800, $0x38;
	[tilespmem:$0x18FF8] =	vst v63  }
0xbb: {  	_ =	swait.ge [sflag:s1], $0x2800  }
0xbc: {  	[sflag:s1] =	ssyncset.done $0x0  }
0xbd: {  	s25 =	rddreg [dreg:$0xa];
	[sflag:s1] =	ssyncadd.s32 $0xFFFFD800  }
0xbe: {  	[spmem:s25] =	stream.linear.scatter [tilespmem:s31], [sflag:$0x5], $0x2800, $0x38;
	[tilespmem:$0x18FF8] =	vst v63  }
0xbf: {  	_ =	swait.ge [sflag:s1], $0x2800  }
0xc0: {  	[sflag:s1] =	ssyncset.done $0x0  }
0xc1: {  	s22 =	rddreg [dreg:$0xb];
	[sflag:s1] =	ssyncadd.s32 $0xFFFFD800  }
0xc2: {  	[spmem:s22] =	stream.linear.scatter [tilespmem:s31], [sflag:$0x5], $0x2800, $0x38;
	[tilespmem:$0x18FF8] =	vst v63  }
0xc3: {  	_ =	swait.ge [sflag:s1], $0x2800  }
0xc4: {  	[sflag:s1] =	ssyncset.done $0x0  }
0xc5: {  	s24 =	rddreg [dreg:$0xc];
	[sflag:s1] =	ssyncadd.s32 $0xFFFFD800  }
0xc6: {  	[spmem:s24] =	stream.linear.scatter [tilespmem:s31], [sflag:$0x5], $0x2800, $0x38;
	[tilespmem:$0x18FF8] =	vst v63  }
0xc7: {  	_ =	swait.ge [sflag:s1], $0x2800  }
0xc8: {  	[sflag:s1] =	ssyncset.done $0x0  }
0xc9: {  	s25 =	rddreg [dreg:$0xd];
	[sflag:s1] =	ssyncadd.s32 $0xFFFFD800  }
0xca: {  	[spmem:s25] =	stream.linear.scatter [tilespmem:s31], [sflag:$0x5], $0x2800, $0x38;
	[tilespmem:$0x18FF8] =	vst v63  }
0xcb: {  	_ =	swait.ge [sflag:s1], $0x2800  }
0xcc: {  	[sflag:s1] =	ssyncset.done $0x0  }
0xcd: {  	s22 =	rddreg [dreg:$0x14];
	[sflag:s1] =	ssyncadd.s32 $0xFFFFD800  }
0xce: {  	[spmem:s22] =	stream.linear.scatter [tilespmem:s31], [sflag:$0x5], $0x2800, $0x38;
	[tilespmem:$0x18FF8] =	vst v63  }
0xcf: {  	_ =	swait.ge [sflag:s1], $0x2800  }
0xd0: {  	[sflag:s1] =	ssyncset.done $0x0  }
0xd1: {  	s24 =	rddreg [dreg:$0x18];
	[sflag:s1] =	ssyncadd.s32 $0xFFFFD800  }
0xd2: {  	[spmem:s24] =	stream.linear.scatter [tilespmem:s31], [sflag:$0x5], $0x2800, $0x38;
	[tilespmem:$0x18FF8] =	vst v63  }
0xd3: {  	_ =	swait.ge [sflag:s1], $0x2800  }
0xd4: {  	[sflag:s1] =	ssyncset.done $0x0  }
0xd5: {  	s25 =	rddreg [dreg:$0x19];
	[sflag:s1] =	ssyncadd.s32 $0xFFFFD800  }
0xd6: {  	[spmem:s25] =	stream.linear.scatter [tilespmem:s31], [sflag:$0x5], $0x2000, $0x38;
	[tilespmem:$0x18FF8] =	vst v63  }
0xd7: {  	_ =	swait.ge [sflag:s1], $0x2000  }
0xd8: {  	[sflag:s1] =	ssyncset.done $0x0  }
0xd9: {  	[sflag:s1] =	ssyncadd.s32 $0xFFFFE000  }
0xda: {  	[spmem:s26] =	stream.linear.scatter [tilespmem:s6], [sflag:$0x5], $0x270, $0x38;
	[tilespmem:$0x18FF8] =	vst v63  }
0xdb: {  	_ =	swait.ge [sflag:s1], $0x270  }
0xdc: {  	[sflag:s1] =	ssyncset.done $0x0  }
0xdd: {  	s24 =	simm.s32 @!p1 $0x13AF8;
	[sflag:s1] =	ssyncadd.s32 $0xFFFFFD90  }
0xde: {  	[spmem:s28] =	stream.linear.scatter @!p1 [tilespmem:s24], [sflag:$0x5], $0x800, $0x38;
	[tilespmem:$0x18FF8] =	vst v63  }
0xdf: {  	s24 =	simm.s32 @!p1 $0x5  }
0xe0: {  	_ =	swait.ge @!p1 [sflag:s24], $0x800  }
0xe1: {  	[sflag:s24] =	ssyncset.done @!p1 $0x0  }
0xe2: {  	s25 =	simm.s32 @!p1 $0x18D78;
	s11 =	rddreg [dreg:$0x1a];
	[sflag:s24] =	ssyncadd.s32 @!p1 $0xFFFFF800  }
0xe3: {  	[spmem:s11] =	stream.linear.scatter @!p1 [tilespmem:s25], [sflag:$0x5], $0x10, $0x38;
	[tilespmem:$0x18FF8] =	vst v63  }
.Ltmp3:
0xe4: {  	_ =	swait.ge @!p1 [sflag:s24], $0x10;
	(pc) =	sbr.rel @!p0 .LBB2_4-.Ltmp3, $4  }
0xe5: {  	[sflag:s24] =	ssyncset.done @!p1 $0x0  }
0xe6: {  	[sflag:s24] =	ssyncadd.s32 @!p1 $0xFFFFFFF0  }
0xe7: {  	[bflag:$0x0] =	sbarrier.arrive $0xFFFF  }
0xe8: {  	s29 =	smov.u32 s26;
	s30 =	smov.u32 s28  }
0xe9: {  	s11 =	rddreg [dreg:$0x12]  }
0xea: {  	[tilespmem:s12], [sflag:$0x5] =	stream.linear.gather [hbm4b:s11+s5], $0x50, $0x38;
	[tilespmem:$0x18FF8] =	vst v63  }
0xeb: {  	_ =	swait.ge [sflag:s1], $0x50  }
0xec: {  	[sflag:s1] =	ssyncset.done $0x0  }
0xed: {  	s26 =	rddreg [dreg:$0x13];
	[sflag:s1] =	ssyncadd.s32 $0xFFFFFFB0  }
0xee: {  	[tilespmem:s15], [sflag:$0x5] =	stream.linear.gather [hbm4b:s26+s5], $0x50, $0x38;
	[tilespmem:$0x18FF8] =	vst v63  }
0xef: {  	_ =	swait.ge [sflag:s1], $0x50  }
0xf0: {  	[sflag:s1] =	ssyncset.done $0x0  }
0xf1: {  	s6 =	sadd.s32 $0xFFFFFB28, s20;
	[sflag:s1] =	ssyncadd.s32 $0xFFFFFFB0  }
0xf2: {  	[tilespmem:s31], [sflag:$0x1] =	stream.indirect.gather [hbm4b:s0+s16], $0x80, s12, s16, $0xb8;
	[tilespmem:$0x18FF8] =	vst v63  }
0xf3: {  	s22 =	sadd.s32 $0x4E2, s6  }
0xf4: {  	[tilespmem:s3], [sflag:$0x5] =	stream.linear.gather [hbm4b:s22+s5], $0x50, $0x38;
	[tilespmem:$0x18FF8] =	vst v63  }
0xf5: {  	_ =	swait.ge [sflag:s1], $0x50  }
0xf6: {  	s25 =	sadd.s32 $0xFFFFFB28, s19;
	[sflag:s1] =	ssyncset.done $0x0  }
0xf7: {  	s24 =	sadd.s32 $0x4E2, s25;
	[sflag:s1] =	ssyncadd.s32 $0xFFFFFFB0  }
0xf8: {  	[tilespmem:s7], [sflag:$0x5] =	stream.linear.gather [hbm4b:s24+s5], $0x50, $0x38;
	[tilespmem:$0x18FF8] =	vst v63  }
0xf9: {  	_ =	swait.ge [sflag:s1], $0x50  }
0xfa: {  	[sflag:s1] =	ssyncset.done $0x0  }
0xfb: {  	[sflag:s1] =	ssyncadd.s32 $0xFFFFFFB0  }
0xfc: {  	[tilespmem:s8], [sflag:$0x2] =	stream.indirect.gather [hbm4b:s0+s16], $0x80, s3, s16, $0xb8;
	[tilespmem:$0x18FF8] =	vst v63  }
0xfd: {  	_ =	swait.ge [sflag:s9], $0x2800  }
0xfe: {  	[sflag:s9] =	ssyncset.done $0x0  }
0xff: {  	[sflag:s9] =	ssyncadd.s32 $0xFFFFD800  }
0x100: {  	[spmem:s4] =	stream.indirect.scatter.add.f32 [tilespmem:s10], [sflag:$0x3], $0x1, s15, s16, $0xb8;
	[tilespmem:$0x18FF8] =	vst v63  }
0x101: {  	_ = 	snop  }
0x102: {  	[spmem:s2] =	stream.indirect.scatter.add.f32 [tilespmem:s31], [sflag:$0x5], $0x80, s15, s16, $0xb8;
	[tilespmem:$0x18FF8] =	vst v63  }
0x103: {  	_ =	swait.ge [sflag:s1], $0x2800  }
0x104: {  	[sflag:s1] =	ssyncset.done $0x0  }
0x105: {  	[sflag:s1] =	ssyncadd.s32 $0xFFFFD800  }
0x106: {  	_ =	swait.ge [sflag:s13], $0x50  }
0x107: {  	[sflag:s13] =	ssyncset.done $0x0  }
0x108: {  	s11 =	sadd.s32 $0x4EC, s6;
	[sflag:s13] =	ssyncadd.s32 $0xFFFFFFB0  }
0x109: {  	[tilespmem:s12], [sflag:$0x5] =	stream.linear.gather [hbm4b:s11+s5], $0x50, $0x38;
	[tilespmem:$0x18FF8] =	vst v63  }
0x10a: {  	_ =	swait.ge [sflag:s1], $0x50  }
0x10b: {  	[sflag:s1] =	ssyncset.done $0x0  }
0x10c: {  	s26 =	sadd.s32 $0x4EC, s25;
	[sflag:s1] =	ssyncadd.s32 $0xFFFFFFB0  }
0x10d: {  	[tilespmem:s15], [sflag:$0x5] =	stream.linear.gather [hbm4b:s26+s5], $0x50, $0x38;
	[tilespmem:$0x18FF8] =	vst v63  }
0x10e: {  	_ =	swait.ge [sflag:s1], $0x50  }
0x10f: {  	[sflag:s1] =	ssyncset.done $0x0  }
0x110: {  	[sflag:s1] =	ssyncadd.s32 $0xFFFFFFB0  }
0x111: {  	[tilespmem:s31], [sflag:$0x1] =	stream.indirect.gather [hbm4b:s0+s16], $0x80, s12, s16, $0xb8;
	[tilespmem:$0x18FF8] =	vst v63  }
0x112: {  	_ =	swait.ge [sflag:s14], $0x2800  }
0x113: {  	[sflag:s14] =	ssyncset.done $0x0  }
0x114: {  	[sflag:s14] =	ssyncadd.s32 $0xFFFFD800  }
0x115: {  	[spmem:s4] =	stream.indirect.scatter.add.f32 [tilespmem:s10], [sflag:$0x4], $0x1, s7, s16, $0xb8;
	[tilespmem:$0x18FF8] =	vst v63  }
0x116: {  	_ = 	snop  }
0x117: {  	[spmem:s2] =	stream.indirect.scatter.add.f32 [tilespmem:s8], [sflag:$0x5], $0x80, s7, s16, $0xb8;
	[tilespmem:$0x18FF8] =	vst v63  }
0x118: {  	_ =	swait.ge [sflag:s1], $0x2800  }
0x119: {  	[sflag:s1] =	ssyncset.done $0x0  }
0x11a: {  	[sflag:s1] =	ssyncadd.s32 $0xFFFFD800  }
0x11b: {  	s28 =	simm.s32 $0xFFFFFB50;
	_ =	swait.ge [sflag:s21], $0x50  }
0x11c: {  	s24 =	simm.s32 $0xFFFFFB3C;
	s26 =	sadd.s32 $0xFFFFFB3C, s20;
	[sflag:s21] =	ssyncset.done $0x0  }
.LBB2_8:
0x11d: {  	s11 =	sadd.s32 $0x4E2, s26  }
0x11e: {  	[sflag:s21] =	ssyncadd.s32 $0xFFFFFFB0;
	s22 =	smov.u32 s28;
	s25 =	sadd.s32 $0x14, s28  }
0x11f: {  	[tilespmem:s3], [sflag:$0x5] =	stream.linear.gather [hbm4b:s11+s5], $0x50, $0x38;
	[tilespmem:$0x18FF8] =	vst v63  }
0x120: {  	p2 =	sne.s32 s28, $0xFFFFFFEC;
	_ =	swait.ge [sflag:s1], $0x50  }
0x121: {  	s11 =	sadd.s32 s24, s19;
	s24 =	smov.u32 s22;
	[sflag:s1] =	ssyncset.done $0x0  }
0x122: {  	s22 =	sadd.s32 $0x4E2, s11;
	[sflag:s1] =	ssyncadd.s32 $0xFFFFFFB0  }
0x123: {  	[tilespmem:s7], [sflag:$0x5] =	stream.linear.gather [hbm4b:s22+s5], $0x50, $0x38;
	[tilespmem:$0x18FF8] =	vst v63  }
0x124: {  	_ =	swait.ge [sflag:s1], $0x50  }
0x125: {  	[sflag:s1] =	ssyncset.done $0x0  }
0x126: {  	[sflag:s1] =	ssyncadd.s32 $0xFFFFFFB0  }
0x127: {  	[tilespmem:s8], [sflag:$0x2] =	stream.indirect.gather [hbm4b:s0+s16], $0x80, s3, s16, $0xb8;
	[tilespmem:$0x18FF8] =	vst v63  }
0x128: {  	_ =	swait.ge [sflag:s9], $0x2800  }
0x129: {  	[sflag:s9] =	ssyncset.done $0x0  }
0x12a: {  	[sflag:s9] =	ssyncadd.s32 $0xFFFFD800  }
0x12b: {  	[spmem:s4] =	stream.indirect.scatter.add.f32 [tilespmem:s10], [sflag:$0x3], $0x1, s15, s16, $0xb8;
	[tilespmem:$0x18FF8] =	vst v63  }
0x12c: {  	_ = 	snop  }
0x12d: {  	[spmem:s2] =	stream.indirect.scatter.add.f32 [tilespmem:s31], [sflag:$0x5], $0x80, s15, s16, $0xb8;
	[tilespmem:$0x18FF8] =	vst v63  }
0x12e: {  	_ =	swait.ge [sflag:s1], $0x2800  }
0x12f: {  	[sflag:s1] =	ssyncset.done $0x0  }
0x130: {  	[sflag:s1] =	ssyncadd.s32 $0xFFFFD800  }
0x131: {  	_ =	swait.ge [sflag:s13], $0x50  }
0x132: {  	[sflag:s13] =	ssyncset.done $0x0  }
0x133: {  	s22 =	sadd.s32 $0x4EC, s26;
	[sflag:s13] =	ssyncadd.s32 $0xFFFFFFB0  }
0x134: {  	[tilespmem:s12], [sflag:$0x5] =	stream.linear.gather [hbm4b:s22+s5], $0x50, $0x38;
	[tilespmem:$0x18FF8] =	vst v63  }
0x135: {  	_ =	swait.ge [sflag:s1], $0x50  }
0x136: {  	[sflag:s1] =	ssyncset.done $0x0  }
0x137: {  	s11 =	sadd.s32 $0x4EC, s11;
	[sflag:s1] =	ssyncadd.s32 $0xFFFFFFB0  }
0x138: {  	[tilespmem:s15], [sflag:$0x5] =	stream.linear.gather [hbm4b:s11+s5], $0x50, $0x38;
	[tilespmem:$0x18FF8] =	vst v63  }
0x139: {  	_ =	swait.ge [sflag:s1], $0x50  }
0x13a: {  	[sflag:s1] =	ssyncset.done $0x0  }
0x13b: {  	[sflag:s1] =	ssyncadd.s32 $0xFFFFFFB0  }
0x13c: {  	[tilespmem:s31], [sflag:$0x1] =	stream.indirect.gather [hbm4b:s0+s16], $0x80, s12, s16, $0xb8;
	[tilespmem:$0x18FF8] =	vst v63  }
0x13d: {  	_ =	swait.ge [sflag:s14], $0x2800  }
0x13e: {  	[sflag:s14] =	ssyncset.done $0x0  }
0x13f: {  	[sflag:s14] =	ssyncadd.s32 $0xFFFFD800  }
0x140: {  	[spmem:s4] =	stream.indirect.scatter.add.f32 [tilespmem:s10], [sflag:$0x4], $0x1, s7, s16, $0xb8;
	[tilespmem:$0x18FF8] =	vst v63  }
0x141: {  	_ = 	snop  }
0x142: {  	[spmem:s2] =	stream.indirect.scatter.add.f32 [tilespmem:s8], [sflag:$0x5], $0x80, s7, s16, $0xb8;
	[tilespmem:$0x18FF8] =	vst v63  }
.Ltmp4:
0x143: {  	_ =	swait.ge [sflag:s1], $0x2800;
	(pc) =	sbr.rel @p2 .LBB2_8-.Ltmp4, $4  }
0x144: {  	[sflag:s1] =	ssyncset.done $0x0  }
0x145: {  	[sflag:s1] =	ssyncadd.s32 $0xFFFFD800  }
0x146: {  	_ =	swait.ge [sflag:s21], $0x50  }
0x147: {  	s28 =	smov.u32 s25;
	s26 =	sadd.s32 s24, s20;
	[sflag:s21] =	ssyncset.done $0x0  }
0x148: {  	s11 =	sadd.s32 $0x4E2, s26;
	[sflag:s21] =	ssyncadd.s32 $0xFFFFFFB0  }
0x149: {  	[tilespmem:s3], [sflag:$0x5] =	stream.linear.gather [hbm4b:s11+s5], $0x50, $0x38;
	[tilespmem:$0x18FF8] =	vst v63  }
0x14a: {  	_ =	swait.ge [sflag:s1], $0x50  }
0x14b: {  	s25 =	sadd.s32 s24, s19;
	[sflag:s1] =	ssyncset.done $0x0  }
0x14c: {  	s22 =	sadd.s32 $0x4E2, s25;
	[sflag:s1] =	ssyncadd.s32 $0xFFFFFFB0  }
0x14d: {  	[tilespmem:s7], [sflag:$0x5] =	stream.linear.gather [hbm4b:s22+s5], $0x50, $0x38;
	[tilespmem:$0x18FF8] =	vst v63  }
0x14e: {  	_ =	swait.ge [sflag:s1], $0x50  }
0x14f: {  	[sflag:s1] =	ssyncset.done $0x0  }
0x150: {  	[sflag:s1] =	ssyncadd.s32 $0xFFFFFFB0  }
0x151: {  	[tilespmem:s8], [sflag:$0x2] =	stream.indirect.gather [hbm4b:s0+s16], $0x80, s3, s16, $0xb8;
	[tilespmem:$0x18FF8] =	vst v63  }
0x152: {  	_ =	swait.ge [sflag:s9], $0x2800  }
0x153: {  	[sflag:s9] =	ssyncset.done $0x0  }
0x154: {  	[sflag:s9] =	ssyncadd.s32 $0xFFFFD800  }
0x155: {  	[spmem:s4] =	stream.indirect.scatter.add.f32 [tilespmem:s10], [sflag:$0x3], $0x1, s15, s16, $0xb8;
	[tilespmem:$0x18FF8] =	vst v63  }
0x156: {  	_ = 	snop  }
0x157: {  	[spmem:s2] =	stream.indirect.scatter.add.f32 [tilespmem:s31], [sflag:$0x5], $0x80, s15, s16, $0xb8;
	[tilespmem:$0x18FF8] =	vst v63  }
0x158: {  	_ =	swait.ge [sflag:s1], $0x2800  }
0x159: {  	[sflag:s1] =	ssyncset.done $0x0  }
0x15a: {  	[sflag:s1] =	ssyncadd.s32 $0xFFFFD800  }
0x15b: {  	_ =	swait.ge [sflag:s13], $0x50  }
0x15c: {  	[sflag:s13] =	ssyncset.done $0x0  }
0x15d: {  	s28 =	sadd.s32 $0x4EC, s26;
	[sflag:s13] =	ssyncadd.s32 $0xFFFFFFB0  }
0x15e: {  	[tilespmem:s12], [sflag:$0x5] =	stream.linear.gather [hbm4b:s28+s5], $0x50, $0x38;
	[tilespmem:$0x18FF8] =	vst v63  }
0x15f: {  	_ =	swait.ge [sflag:s1], $0x50  }
0x160: {  	[sflag:s1] =	ssyncset.done $0x0  }
0x161: {  	s11 =	sadd.s32 $0x4EC, s25;
	[sflag:s1] =	ssyncadd.s32 $0xFFFFFFB0  }
0x162: {  	[tilespmem:s15], [sflag:$0x5] =	stream.linear.gather [hbm4b:s11+s5], $0x50, $0x38;
	[tilespmem:$0x18FF8] =	vst v63  }
0x163: {  	_ =	swait.ge [sflag:s1], $0x50  }
0x164: {  	[sflag:s1] =	ssyncset.done $0x0  }
0x165: {  	[sflag:s1] =	ssyncadd.s32 $0xFFFFFFB0  }
0x166: {  	[tilespmem:s31], [sflag:$0x1] =	stream.indirect.gather [hbm4b:s0+s16], $0x80, s12, s16, $0xb8;
	[tilespmem:$0x18FF8] =	vst v63  }
0x167: {  	_ =	swait.ge [sflag:s14], $0x2800  }
0x168: {  	[sflag:s14] =	ssyncset.done $0x0  }
0x169: {  	[sflag:s14] =	ssyncadd.s32 $0xFFFFD800  }
0x16a: {  	[spmem:s4] =	stream.indirect.scatter.add.f32 [tilespmem:s10], [sflag:$0x4], $0x1, s7, s16, $0xb8;
	[tilespmem:$0x18FF8] =	vst v63  }
0x16b: {  	_ = 	snop  }
0x16c: {  	[spmem:s2] =	stream.indirect.scatter.add.f32 [tilespmem:s8], [sflag:$0x5], $0x80, s7, s16, $0xb8;
	[tilespmem:$0x18FF8] =	vst v63  }
0x16d: {  	_ =	swait.ge [sflag:s1], $0x2800  }
.Ltmp5:
0x16e: {  	[sflag:s1] =	ssyncset.done $0x0;
	(pc) =	sbr.rel .LBB2_10-.Ltmp5, $4  }
0x16f: {  	[sflag:s1] =	ssyncadd.s32 $0xFFFFD800  }
0x170: {  	_ =	swait.ge [sflag:s21], $0x50  }
0x171: {  	[sflag:s21] =	ssyncset.done $0x0  }
0x172: {  	[sflag:s21] =	ssyncadd.s32 $0xFFFFFFB0  }
.LBB2_4:
0x173: {  	s11 =	rddreg [dreg:$0xe]  }
0x174: {  	[tilespmem:s12], [sflag:$0x5] =	stream.linear.gather [hbm4b:s11+s5], $0x50, $0x38;
	[tilespmem:$0x18FF8] =	vst v63  }
0x175: {  	_ =	swait.ge [sflag:s1], $0x50  }
0x176: {  	[sflag:s1] =	ssyncset.done $0x0  }
0x177: {  	s6 =	rddreg [dreg:$0xf];
	[sflag:s1] =	ssyncadd.s32 $0xFFFFFFB0  }
0x178: {  	[tilespmem:s15], [sflag:$0x5] =	stream.linear.gather [hbm4b:s6+s5], $0x50, $0x38;
	[tilespmem:$0x18FF8] =	vst v63  }
0x179: {  	_ =	swait.ge [sflag:s1], $0x50  }
0x17a: {  	[sflag:s1] =	ssyncset.done $0x0  }
0x17b: {  	s24 =	sadd.s32 $0xFFFFFB28, s18;
	[sflag:s1] =	ssyncadd.s32 $0xFFFFFFB0  }
0x17c: {  	[tilespmem:s31], [sflag:$0x1] =	stream.indirect.gather [hbm4b:s0+s16], $0x80, s12, s16, $0xb8;
	[tilespmem:$0x18FF8] =	vst v63  }
0x17d: {  	s25 =	sadd.s32 $0x4E2, s24  }
0x17e: {  	[tilespmem:s3], [sflag:$0x5] =	stream.linear.gather [hbm4b:s25+s5], $0x50, $0x38;
	[tilespmem:$0x18FF8] =	vst v63  }
0x17f: {  	_ =	swait.ge [sflag:s1], $0x50  }
0x180: {  	s22 =	sadd.s32 $0xFFFFFB28, s17;
	[sflag:s1] =	ssyncset.done $0x0  }
0x181: {  	s26 =	sadd.s32 $0x4E2, s22;
	[sflag:s1] =	ssyncadd.s32 $0xFFFFFFB0  }
0x182: {  	[tilespmem:s7], [sflag:$0x5] =	stream.linear.gather [hbm4b:s26+s5], $0x50, $0x38;
	[tilespmem:$0x18FF8] =	vst v63  }
0x183: {  	_ =	swait.ge [sflag:s1], $0x50  }
0x184: {  	[sflag:s1] =	ssyncset.done $0x0  }
0x185: {  	[sflag:s1] =	ssyncadd.s32 $0xFFFFFFB0  }
0x186: {  	[tilespmem:s8], [sflag:$0x2] =	stream.indirect.gather [hbm4b:s0+s16], $0x80, s3, s16, $0xb8;
	[tilespmem:$0x18FF8] =	vst v63  }
0x187: {  	_ =	swait.ge [sflag:s9], $0x2800  }
0x188: {  	[sflag:s9] =	ssyncset.done $0x0  }
0x189: {  	[sflag:s9] =	ssyncadd.s32 $0xFFFFD800  }
0x18a: {  	[spmem:s4] =	stream.indirect.scatter.add.f32 [tilespmem:s10], [sflag:$0x3], $0x1, s15, s16, $0xb8;
	[tilespmem:$0x18FF8] =	vst v63  }
0x18b: {  	_ = 	snop  }
0x18c: {  	[spmem:s2] =	stream.indirect.scatter.add.f32 [tilespmem:s31], [sflag:$0x5], $0x80, s15, s16, $0xb8;
	[tilespmem:$0x18FF8] =	vst v63  }
0x18d: {  	_ =	swait.ge [sflag:s1], $0x2800  }
0x18e: {  	[sflag:s1] =	ssyncset.done $0x0  }
0x18f: {  	[sflag:s1] =	ssyncadd.s32 $0xFFFFD800  }
0x190: {  	_ =	swait.ge [sflag:s13], $0x50  }
0x191: {  	[sflag:s13] =	ssyncset.done $0x0  }
0x192: {  	s24 =	sadd.s32 $0x4EC, s24;
	[sflag:s13] =	ssyncadd.s32 $0xFFFFFFB0  }
0x193: {  	[tilespmem:s12], [sflag:$0x5] =	stream.linear.gather [hbm4b:s24+s5], $0x50, $0x38;
	[tilespmem:$0x18FF8] =	vst v63  }
0x194: {  	_ =	swait.ge [sflag:s1], $0x50  }
0x195: {  	[sflag:s1] =	ssyncset.done $0x0  }
0x196: {  	s28 =	sadd.s32 $0x4EC, s22;
	[sflag:s1] =	ssyncadd.s32 $0xFFFFFFB0  }
0x197: {  	[tilespmem:s15], [sflag:$0x5] =	stream.linear.gather [hbm4b:s28+s5], $0x50, $0x38;
	[tilespmem:$0x18FF8] =	vst v63  }
0x198: {  	_ =	swait.ge [sflag:s1], $0x50  }
0x199: {  	[sflag:s1] =	ssyncset.done $0x0  }
0x19a: {  	[sflag:s1] =	ssyncadd.s32 $0xFFFFFFB0  }
0x19b: {  	[tilespmem:s31], [sflag:$0x1] =	stream.indirect.gather [hbm4b:s0+s16], $0x80, s12, s16, $0xb8;
	[tilespmem:$0x18FF8] =	vst v63  }
0x19c: {  	_ =	swait.ge [sflag:s14], $0x2800  }
0x19d: {  	[sflag:s14] =	ssyncset.done $0x0  }
0x19e: {  	[sflag:s14] =	ssyncadd.s32 $0xFFFFD800  }
0x19f: {  	[spmem:s4] =	stream.indirect.scatter.add.f32 [tilespmem:s10], [sflag:$0x4], $0x1, s7, s16, $0xb8;
	[tilespmem:$0x18FF8] =	vst v63  }
0x1a0: {  	_ = 	snop  }
0x1a1: {  	[spmem:s2] =	stream.indirect.scatter.add.f32 [tilespmem:s8], [sflag:$0x5], $0x80, s7, s16, $0xb8;
	[tilespmem:$0x18FF8] =	vst v63  }
0x1a2: {  	_ =	swait.ge [sflag:s1], $0x2800  }
0x1a3: {  	[sflag:s1] =	ssyncset.done $0x0  }
0x1a4: {  	[sflag:s1] =	ssyncadd.s32 $0xFFFFD800  }
0x1a5: {  	s25 =	simm.s32 $0xFFFFFB50;
	_ =	swait.ge [sflag:s21], $0x50  }
0x1a6: {  	s26 =	sadd.s32 $0xFFFFFB3C, s18;
	s24 =	simm.s32 $0xFFFFFB3C;
	[sflag:s21] =	ssyncset.done $0x0  }
.LBB2_5:
0x1a7: {  	s11 =	sadd.s32 $0x4E2, s26  }
0x1a8: {  	[sflag:s21] =	ssyncadd.s32 $0xFFFFFFB0;
	s22 =	smov.u32 s25;
	s28 =	sadd.s32 $0x14, s25  }
0x1a9: {  	[tilespmem:s3], [sflag:$0x5] =	stream.linear.gather [hbm4b:s11+s5], $0x50, $0x38;
	[tilespmem:$0x18FF8] =	vst v63  }
0x1aa: {  	p2 =	seq.s32 s25, $0xFFFFFFEC;
	_ =	swait.ge [sflag:s1], $0x50  }
0x1ab: {  	s11 =	sadd.s32 s24, s17;
	s24 =	smov.u32 s22;
	[sflag:s1] =	ssyncset.done $0x0  }
0x1ac: {  	s22 =	sadd.s32 $0x4E2, s11;
	[sflag:s1] =	ssyncadd.s32 $0xFFFFFFB0  }
0x1ad: {  	[tilespmem:s7], [sflag:$0x5] =	stream.linear.gather [hbm4b:s22+s5], $0x50, $0x38;
	[tilespmem:$0x18FF8] =	vst v63  }
0x1ae: {  	_ =	swait.ge [sflag:s1], $0x50  }
0x1af: {  	[sflag:s1] =	ssyncset.done $0x0  }
0x1b0: {  	[sflag:s1] =	ssyncadd.s32 $0xFFFFFFB0  }
0x1b1: {  	[tilespmem:s8], [sflag:$0x2] =	stream.indirect.gather [hbm4b:s0+s16], $0x80, s3, s16, $0xb8;
	[tilespmem:$0x18FF8] =	vst v63  }
0x1b2: {  	_ =	swait.ge [sflag:s9], $0x2800  }
0x1b3: {  	[sflag:s9] =	ssyncset.done $0x0  }
0x1b4: {  	[sflag:s9] =	ssyncadd.s32 $0xFFFFD800  }
0x1b5: {  	[spmem:s4] =	stream.indirect.scatter.add.f32 [tilespmem:s10], [sflag:$0x3], $0x1, s15, s16, $0xb8;
	[tilespmem:$0x18FF8] =	vst v63  }
0x1b6: {  	_ = 	snop  }
0x1b7: {  	[spmem:s2] =	stream.indirect.scatter.add.f32 [tilespmem:s31], [sflag:$0x5], $0x80, s15, s16, $0xb8;
	[tilespmem:$0x18FF8] =	vst v63  }
0x1b8: {  	_ =	swait.ge [sflag:s1], $0x2800  }
0x1b9: {  	[sflag:s1] =	ssyncset.done $0x0  }
0x1ba: {  	[sflag:s1] =	ssyncadd.s32 $0xFFFFD800  }
0x1bb: {  	_ =	swait.ge [sflag:s13], $0x50  }
0x1bc: {  	[sflag:s13] =	ssyncset.done $0x0  }
0x1bd: {  	s22 =	sadd.s32 $0x4EC, s26;
	[sflag:s13] =	ssyncadd.s32 $0xFFFFFFB0  }
0x1be: {  	[tilespmem:s12], [sflag:$0x5] =	stream.linear.gather [hbm4b:s22+s5], $0x50, $0x38;
	[tilespmem:$0x18FF8] =	vst v63  }
0x1bf: {  	_ =	swait.ge [sflag:s1], $0x50  }
0x1c0: {  	[sflag:s1] =	ssyncset.done $0x0  }
0x1c1: {  	s11 =	sadd.s32 $0x4EC, s11;
	[sflag:s1] =	ssyncadd.s32 $0xFFFFFFB0  }
0x1c2: {  	[tilespmem:s15], [sflag:$0x5] =	stream.linear.gather [hbm4b:s11+s5], $0x50, $0x38;
	[tilespmem:$0x18FF8] =	vst v63  }
0x1c3: {  	_ =	swait.ge [sflag:s1], $0x50  }
0x1c4: {  	[sflag:s1] =	ssyncset.done $0x0  }
0x1c5: {  	[sflag:s1] =	ssyncadd.s32 $0xFFFFFFB0  }
0x1c6: {  	[tilespmem:s31], [sflag:$0x1] =	stream.indirect.gather [hbm4b:s0+s16], $0x80, s12, s16, $0xb8;
	[tilespmem:$0x18FF8] =	vst v63  }
0x1c7: {  	_ =	swait.ge [sflag:s14], $0x2800  }
0x1c8: {  	[sflag:s14] =	ssyncset.done $0x0  }
0x1c9: {  	[sflag:s14] =	ssyncadd.s32 $0xFFFFD800  }
0x1ca: {  	[spmem:s4] =	stream.indirect.scatter.add.f32 [tilespmem:s10], [sflag:$0x4], $0x1, s7, s16, $0xb8;
	[tilespmem:$0x18FF8] =	vst v63  }
0x1cb: {  	_ = 	snop  }
0x1cc: {  	[spmem:s2] =	stream.indirect.scatter.add.f32 [tilespmem:s8], [sflag:$0x5], $0x80, s7, s16, $0xb8;
	[tilespmem:$0x18FF8] =	vst v63  }
.Ltmp6:
0x1cd: {  	_ =	swait.ge [sflag:s1], $0x2800;
	(pc) =	sbr.rel @!p2 .LBB2_5-.Ltmp6, $4  }
0x1ce: {  	[sflag:s1] =	ssyncset.done $0x0  }
0x1cf: {  	[sflag:s1] =	ssyncadd.s32 $0xFFFFD800  }
0x1d0: {  	_ =	swait.ge [sflag:s21], $0x50  }
0x1d1: {  	s25 =	smov.u32 s28;
	s26 =	sadd.s32 s24, s18;
	[sflag:s21] =	ssyncset.done $0x0  }
.Ltmp7:
0x1d2: {  	_ = 	snop;
	(pc) =	sbr.rel .LBB2_6-.Ltmp7, $1  }
0x1d3: {  	_ =	sdelay $0x3  }
.LBB2_11:
0x1d4: {  	_ =	sfence.sel $0x180000  }
0x1d5: {  	[bflag:$0x0] =	sbarrier.arrive $0xFFFF  }
0x1d6: {  	_ =	strace $0x90000047  }
0x1d7: {  	s0 =	stileid.u32;
	[bflag:$0x2] =	sbarrier.arrive $0xFFFF  }
0x1d8: {  	p0 =	sne.s32 s0, $0x0;
	s0 =	rddreg [dreg:$0x9]  }
0x1d9: {  	s0 =	sadd.s32 @!p0 $0x100000, s0  }
0x1da: {  	[sflag:s0] =	ssyncadd.tile.s32 @!p0 $0x1;
	_ =	shalt  }
.Lfunc_end2:
_tile_overlayer_lowered:
.L_overlay_start_2:
0x1db: {  	(tag) =	ssettag $0x2  }
0x1dc: {  	s0 =	rddreg [dreg:$0x0];
	s2 =	stileid.u32  }
0x1dd: {  	s1 =	rddreg [dreg:$0x1];
	p0 =	sne.s32 s2, $0x0  }
0x1de: {  	s3 =	rddreg [dreg:$0x2];
	[bflag:$0x3] =	sbarrier.arrive $0xFFFF;
	s2 =	simm.s32 @!p0 $0x1C05  }
0x1df: {  	[timem:s3], [sflag:s2] =	dma.local @!p0 [hbm:s0], s1  }
0x1e0: {  	s0 =	simm.s32 @!p0 $0x5  }
0x1e1: {  	_ =	swait.ge @!p0 [sflag:s0], s1  }
0x1e2: {  	s1 =	ssub.s32 @!p0 $0x0, s1;
	[sflag:s0] =	ssyncset.done @!p0 $0x0  }
0x1e3: {  	[sflag:s0] =	ssyncadd.s32 @!p0 s1  }
0x1e4: {  	[bflag:$0x3] =	sbarrier.arrive $0xFFFF  }
0x1e5: {  	_ =	shalt  }

// kernel: kernel.9.cloned.1.call-start
scs
__scs_entry_jumppad:
0x0: {  	(pc) =	sbr.rel $0x88, $3  }
0x1: {  	(tag) =	ssettag $0x0;
	lr =	simm.s32 $0x1  }
0x2: {  	[smem:$0x3F8E] =	sst lr;
	_ =	strace $0xD0000000  }
0x3: {  	_ = 	snop  }
0x4: {  	_ = 	snop  }
0x5: {  	_ = 	snop  }
0x6: {  	_ = 	snop  }
0x7: {  	_ = 	snop  }
__scs_overlays_trampoline_lowered:
0x8: {  	[smem:$0x3F9D] =	sst s0  }
0x9: {  	[smem:$0x3F9E] =	sst s1  }
0xa: {  	[smem:$0x3F9F] =	sst s2  }
0xb: {  	[smem:$0x3FA0] =	sst s3  }
0xc: {  	[smem:$0x3FA1] =	sst s4  }
0xd: {  	[smem:$0x3FA2] =	sst s5  }
0xe: {  	[smem:$0x3FA3] =	sst s6  }
0xf: {  	[smem:$0x3FA4] =	sst s7  }
0x10: {  	[smem:$0x3FA5] =	sst s8  }
0x11: {  	[smem:$0x3FA6] =	sst s9;
	s0 =	simm.s32 @!p0 $0x0  }
0x12: {  	s1 =	sld [smem:$0x3F8C];
	s0 =	simm.s32 @p0 $0x1  }
0x13: {  	[smem:$0x3FA7] =	sst s0;
	s0 =	simm.s32 @!p1 $0x0  }
0x14: {  	s2 =	sld [smem:$0x3F8B];
	s0 =	simm.s32 @p1 $0x1  }
0x15: {  	[smem:$0x3FA8] =	sst s0;
	s0 =	simm.s32 @!p2 $0x0  }
0x16: {  	s3 =	sld [smem:$0x3FDB];
	s0 =	simm.s32 @p2 $0x1  }
0x17: {  	s4 =	simm.s32 $0x1BF5;
	[smem:$0x3FAA] =	sst s0  }
0x18: {  	s0 =	sld [smem:$0x3F8D];
	_ =	swait.ge [sflag:s4], $0x0  }
0x19: {  	s7 =	sld [smem:$0x3F8E]  }
0x1a: {  	s8 =	sadd.s32 $0xFFFFE003, lr  }
0x1b: {  	s9 =	sadd.s32 $0xFFFFFEF7, lr;
	s5 =	simm.s32 $0xFFFFFFFF;
	p2 =	slt.u32 s8, $0xFFFFF086  }
0x1c: {  	p1 =	slt.u32 s9, $0xF7A;
	s5 =	simm.s32 @!p2 $0x0  }
0x1d: {  	s5 =	simm.s32 @p1 $0x1;
	p0 =	seq.s32 s7, s2  }
0x1e: {  	s7 =	smul.u32 @!p0 $0xF7A, s2;
	p2 =	seq.s32 @!p0 s5, $0x0  }
0x1f: {  	s9 =	smul.u32 $0xF7A, s1;
	s8 =	simm.s32 @!p0 $0x1BF5;
	p2 =	por !p2, p0  }
0x20: {  	[sflag:s8] =	ssyncset.s32 @!p0 $0xFFFFF086;
	s6 =	sadd.s32 @!p0 s3, s7;
	s7 =	simm.s32 @!p0 $0x108  }
0x21: {  	s3 =	sadd.s32 s3, s9;
	s6 =	sadd.s32 @!p0 $0x88, s6;
	s7 =	simm.s32 @p2 $0x1082  }
0x22: {  	[simem:s7], [sflag:s8] =	dma.local @!p0 [hbm:s6], $0xF7A  }
0x23: {  	s9 =	sor.u32 $0xD0000000, s2;
	s6 =	simm.s32 $0x108;
	_ =	swait.ge @!p0 [sflag:s8], $0x0  }
0x24: {  	s3 =	sadd.s32 $0x88, s3;
	s6 =	simm.s32 @!p1 $0x1082;
	[sflag:s4] =	ssyncset.s32 $0xFFFFF086  }
0x25: {  	[simem:s6], [sflag:s4] =	dma.local [hbm:s3], $0xF7A  }
0x26: {  	[smem:$0x3F8E] =	sst s1;
	(tag) =	ssettag s2;
	_ =	strace s9  }
0x27: {  	s1 =	sld [smem:$0x3F9E]  }
0x28: {  	s2 =	sld [smem:$0x3F9F]  }
0x29: {  	s4 =	sld [smem:$0x3FA1]  }
0x2a: {  	p0 =	seq.s32 s5, $0x0;
	s5 =	sld [smem:$0x3FA2]  }
0x2b: {  	s6 =	sld [smem:$0x3FA3]  }
0x2c: {  	s7 =	sld [smem:$0x3FA4]  }
0x2d: {  	s3 =	simm.s32 $0x108;
	s8 =	sld [smem:$0x3FA5]  }
0x2e: {  	s3 =	simm.s32 @!p0 $0x1082;
	s9 =	sld [smem:$0x3FA6]  }
0x2f: {  	lr =	sadd.s32 s0, s3;
	s0 =	sld [smem:$0x3F9D]  }
0x30: {  	s3 =	sld [smem:$0x3FA0]  }
0x31: {  	[smem:$0x3FA9] =	sst s10  }
0x32: {  	s10 =	sld [smem:$0x3FA7];
	_ =	sdelay $0x3  }
0x33: {  	p0 =	seq.s32 s10, $0x1;
	s10 =	sld [smem:$0x3FA9];
	_ =	sdelay $0x3  }
0x34: {  	[smem:$0x3FA9] =	sst s10  }
0x35: {  	s10 =	sld [smem:$0x3FA8];
	_ =	sdelay $0x3  }
0x36: {  	p1 =	seq.s32 s10, $0x1;
	s10 =	sld [smem:$0x3FA9];
	_ =	sdelay $0x3  }
0x37: {  	[smem:$0x3FA9] =	sst s10  }
0x38: {  	s10 =	sld [smem:$0x3FAA]  }
0x39: {  	_ = 	snop;
	(pc) =	sbr.ind lr, $3  }
0x3a: {  	_ = 	snop  }
0x3b: {  	_ = 	snop  }
0x3c: {  	p2 =	seq.s32 s10, $0x1;
	s10 =	sld [smem:$0x3FA9]  }
0x3d: {  	_ =	shalt  }
0x3e: {  	_ =	shalt  }
0x3f: {  	_ =	shalt  }
0x40: {  	_ =	shalt  }
0x41: {  	_ =	shalt  }
0x42: {  	_ =	shalt  }
0x43: {  	_ =	shalt  }
0x44: {  	_ =	shalt  }
0x45: {  	_ =	shalt  }
0x46: {  	_ =	shalt  }
0x47: {  	_ =	shalt  }
0x48: {  	_ =	shalt  }
0x49: {  	_ =	shalt  }
0x4a: {  	_ =	shalt  }
0x4b: {  	_ =	shalt  }
0x4c: {  	_ =	shalt  }
0x4d: {  	_ =	shalt  }
0x4e: {  	_ =	shalt  }
0x4f: {  	_ =	shalt  }
0x50: {  	_ =	shalt  }
0x51: {  	_ =	shalt  }
0x52: {  	_ =	shalt  }
0x53: {  	_ =	shalt  }
0x54: {  	_ =	shalt  }
0x55: {  	_ =	shalt  }
0x56: {  	_ =	shalt  }
0x57: {  	_ =	shalt  }
0x58: {  	_ =	shalt  }
0x59: {  	_ =	shalt  }
0x5a: {  	_ =	shalt  }
0x5b: {  	_ =	shalt  }
0x5c: {  	_ =	shalt  }
0x5d: {  	_ =	shalt  }
0x5e: {  	_ =	shalt  }
0x5f: {  	_ =	shalt  }
0x60: {  	_ =	shalt  }
0x61: {  	_ =	shalt  }
0x62: {  	_ =	shalt  }
0x63: {  	_ =	shalt  }
0x64: {  	_ =	shalt  }
0x65: {  	_ =	shalt  }
0x66: {  	_ =	shalt  }
0x67: {  	_ =	shalt  }
0x68: {  	_ =	shalt  }
0x69: {  	_ =	shalt  }
0x6a: {  	_ =	shalt  }
0x6b: {  	_ =	shalt  }
0x6c: {  	_ =	shalt  }
0x6d: {  	_ =	shalt  }
0x6e: {  	_ =	shalt  }
0x6f: {  	_ =	shalt  }
0x70: {  	_ =	shalt  }
0x71: {  	_ =	shalt  }
0x72: {  	_ =	shalt  }
0x73: {  	_ =	shalt  }
0x74: {  	_ =	shalt  }
0x75: {  	_ =	shalt  }
0x76: {  	_ =	shalt  }
0x77: {  	_ =	shalt  }
0x78: {  	_ =	shalt  }
0x79: {  	_ =	shalt  }
0x7a: {  	_ =	shalt  }
0x7b: {  	_ =	shalt  }
0x7c: {  	_ =	shalt  }
0x7d: {  	_ =	shalt  }
0x7e: {  	_ =	shalt  }
0x7f: {  	_ =	shalt  }
0x80: {  	_ =	shalt  }
0x81: {  	_ =	shalt  }
0x82: {  	_ =	shalt  }
0x83: {  	_ =	shalt  }
0x84: {  	_ =	shalt  }
0x85: {  	_ =	shalt  }
0x86: {  	_ =	shalt  }
0x87: {  	_ =	shalt  }
.Lfunc_end0:
.L_simem_size_0:
called_computation.1_lowered:
.L_overlay_start_0:
0x88: {  	s2 =	sld [smem:$0x3FD9]  }
0x89: {  	s3 =	sld [smem:$0x3FFE];
	_ =	sdelay $0x1  }
0x8a: {  	s1 =	srdreg.scid  }
0x8b: {  	s0 =	sand.u32 $0x1, s1  }
0x8c: {  	s17 =	sshll.u32 s0, $0xA;
	s2 =	sadd.s32 s3, s2  }
0x8d: {  	s2 =	sadd.s32 s2, s17  }
0x8e: {  	[smem:$0x3FB5] =	sst s2  }
0x8f: {  	_ = 	snop  }
0x90: {  	s2 =	sld [smem:$0x3FC4]  }
0x91: {  	s18 =	sld [smem:$0x3FC3]  }
0x92: {  	s4 =	sld [smem:$0x3FC2]  }
0x93: {  	s5 =	sld [smem:$0x3FC1]  }
0x94: {  	s6 =	sld [smem:$0x3FD0];
	(tm) =	ssettm $0x1  }
0x95: {  	s7 =	sld [smem:$0x3FFB];
	_ =	sdelay $0x3  }
0x96: {  	_ =	strace s7  }
0x97: {  	s7 =	sld [smem:$0x3FFC];
	_ =	sdelay $0x3  }
0x98: {  	_ =	strace s7  }
0x99: {  	s7 =	sld [smem:$0x3FFD];
	_ =	sdelay $0x3  }
0x9a: {  	_ =	strace s7  }
0x9b: {  	_ =	strace $0x8FFFFFFF  }
0x9c: {  	s19 =	sld [smem:$0x3FDB];
	_ =	sdelay $0x1  }
0x9d: {  	s8 =	simm.s32 $_scs_section_size  }
0x9e: {  	s9 =	simm.s32 $_size__tile_overlayer_lowered;
	s10 =	simm.s32 $_tile_overlayer_lowered  }
0x9f: {  	s22 =	simm.s32 $0x1BFF;
	s21 =	sshll.u32 s10, $0x1;
	s7 =	sadd.s32 s8, s19  }
0xa0: {  	s11 =	simm.s32 $0x0;
	s20 =	sshll.u32 s9, $0x1;
	s9 =	sadd.s32 s21, s7  }
0xa1: {  	[timem:s11], [sflag:s22] =	dma.local [hbm:s9], s20  }
0xa2: {  	_ =	swait.ge [sflag:s22], s20  }
0xa3: {  	s8 =	ssub.s32 $0x0, s20;
	[sflag:s22] =	ssyncset.done $0x0  }
0xa4: {  	[sflag:s22] =	ssyncadd.s32 s8;
	_ =	sdelay $0x1  }
0xa5: {  	s23 =	simm.s32 $0x1B8B  }
0xa6: {  	_ =	swait.ge [sflag:s23], $0x1  }
0xa7: {  	[sflag:s23] =	ssyncset.done $0x0  }
0xa8: {  	s25 =	simm.s32 $0x1B8E;
	s24 =	sld [smem:$0x3FFE];
	[sflag:s23] =	ssyncadd.s32 $0xFFFFFFFF  }
0xa9: {  	s26 =	simm.s32 $execute0_lowered;
	[smem:$0x3FD2] =	sst s25  }
0xaa: {  	s9 =	sshll.u32 s26, $0x1;
	_ =	strace $0x80000049;
	[dreg:$0x1] =	wrdreg $0xFFFFFFFF  }
0xab: {  	s28 =	simm.s32 $_size_execute0_lowered;
	s7 =	sadd.s32 s7, s9;
	[dreg:$0x0] =	wrdreg $0x0  }
0xac: {  	s9 =	sshll.u32 s28, $0x1;
	[dreg:$0x2] =	wrdreg s7  }
0xad: {  	[dreg:$0x3] =	wrdreg s9  }
0xae: {  	[dreg:$0x4] =	wrdreg $0xC0  }
0xaf: {  	_ =	task [dreg:s11], $0x5FFFF  }
0xb0: {  	[dreg:$0x1] =	wrdreg $0xFFFFFFFF  }
0xb1: {  	[dreg:$0x0] =	wrdreg $0x60  }
0xb2: {  	[dreg:$0x2] =	wrdreg s24  }
0xb3: {  	[dreg:$0x3] =	wrdreg s2  }
0xb4: {  	[dreg:$0x4] =	wrdreg s18  }
0xb5: {  	[dreg:$0x5] =	wrdreg s4  }
0xb6: {  	[dreg:$0x6] =	wrdreg s5  }
0xb7: {  	[dreg:$0x7] =	wrdreg s6  }
0xb8: {  	[dreg:$0x8] =	wrdreg $0x0  }
0xb9: {  	[dreg:$0x9] =	wrdreg $0x138800  }
0xba: {  	[dreg:$0xa] =	wrdreg $0x9  }
0xbb: {  	_ =	task.clear_ibuf [dreg:s11], $0xBFFFF;
	_ =	strace $0x90000049  }
0xbc: {  	s29 =	simm.s32 $0x9;
	_ =	strace $0x8000004B  }
0xbd: {  	_ =	swait.ge [sflag:s29], $0x1  }
0xbe: {  	[sflag:s29] =	ssyncadd.s32 $0xFFFFFFFF  }
0xbf: {  	_ =	strace $0x9000004B  }
0xc0: {  	_ =	sfence  }
0xc1: {  	s30 =	sld [smem:$0x0];
	_ =	sdelay $0x2  }
0xc2: {  	s31 =	sshll.u32 s1, $0xD;
	s1 =	sshrl.u32 s1, $0x2  }
0xc3: {  	s3 =	sand.u32 $0x4000, s31;
	s1 =	sadd.s32 s1, s30  }
0xc4: {  	s0 =	sor.u32 s3, s0;
	s1 =	sshll.u32 s1, $0x11  }
0xc5: {  	s0 =	sor.u32 s1, s0  }
0xc6: {  	s0 =	sadd.s32 $0x8F2B, s0  }
0xc7: {  	[sflag:s0] =	ssyncadd.remote.s32 $0x1  }
0xc8: {  	_ =	sfence.sel $0xFFFF  }
0xc9: {  	[dreg:$0x0] =	wrdreg $0xFFFFFFFF;
	(pc) =	sbr.abs _section_cstart, $3  }
0xca: {  	[dreg:$0x1] =	wrdreg $0xFFFFFFFF  }
0xcb: {  	_ =	task.clear_ibuf [dreg:s11], $0x2FFFF;
	_ =	strace $0x9FFFFFFF  }
0xcc: {  	(tm) =	ssettm $0x7FFFFFFF  }
0xcd: {  	_ =	shalt  }
tec
execute0_lowered:
.L_overlay_start_1:
0x0: {  	(tag) =	ssettag $0x1  }
0x1: {  	s0 =	rddreg [dreg:$0x0]  }
0x2: {  	s2 =	rddreg [dreg:$0x1]  }
0x3: {  	s7 =	rddreg [dreg:$0x2]  }
0x4: {  	s8 =	rddreg [dreg:$0x3]  }
0x5: {  	s9 =	rddreg [dreg:$0x4]  }
0x6: {  	s10 =	rddreg [dreg:$0x5]  }
0x7: {  	s1 =	rddreg [dreg:$0x6];
	s4 =	simm.s32 $0x0;
	s21 =	stileid.u32  }
0x8: {  	s6 =	srdreg.scid;
	s31 =	simm.s32 $0x13AF8;
	s11 =	smul.u32 $0x4E000, s21  }
0x9: {  	[smem:$0x7FF] =	sst s4;
	s5 =	sadd.s32 $0x3200, s0;
	s14 =	smul.u32 $0x270, s21  }
0xa: {  	s0 =	sadd.s32 $0x2A400, s0;
	s12 =	sand.u32 $0x1, s6;
	s15 =	smul.u32 $0x2710, s21  }
0xb: {  	s19 =	smul.u32 $0x13800, s21;
	p1 =	sne.s32 s21, $0xF;
	s28 =	sadd.s32 $0x138000, s1  }
0xc: {  	s3 =	rddreg [dreg:$0x7];
	_ =	strace $0x8000004A;
	s30 =	smul.u32 $0x138800, s12  }
0xd: {  	s13 =	ssub.s32 $0x2, s12;
	s20 =	smul.u32 $0x2710, s12;
	p0 =	seq.s32 s12, $0x1  }
0xe: {  	s25 =	sshrl.u32 s11, $0x2;
	s26 =	sshrl.u32 s13, $0x1;
	s15 =	sshrl.u32 s15, $0x3  }
0xf: {  	s6 =	sadd.s32 s25, s1;
	s11 =	ssub.s32 s13, s26;
	s22 =	sadd.s32 s2, s15  }
0x10: {  	s23 =	sadd.s32 s19, s30;
	s24 =	sadd.s32 s7, s15;
	[dreg:$0xd] =	wrdreg s22  }
0x11: {  	s25 =	sadd.s32 s14, s20;
	s19 =	sadd.s32 s8, s15;
	[dreg:$0xe] =	wrdreg s24  }
0x12: {  	s13 =	sshrl.u32 s30, $0x3;
	s30 =	smul.u32 $0x4E2, s21;
	[dreg:$0x11] =	wrdreg s19  }
0x13: {  	s21 =	simm.s32 $0x4;
	s29 =	sadd.s32 $0x2800, s6;
	[dreg:$0x1a] =	wrdreg s6  }
0x14: {  	s16 =	sadd.s32 $0x5000, s6;
	s18 =	sadd.s32 $0x7800, s6;
	[dreg:$0x9] =	wrdreg s29  }
0x15: {  	s17 =	sadd.s32 $0xA000, s6;
	s12 =	sshrl.u32 s23, $0x3;
	[dreg:$0xa] =	wrdreg s16  }
0x16: {  	s26 =	sshrl.u32 s25, $0x3;
	s22 =	sadd.s32 $0xC800, s6;
	[dreg:$0xb] =	wrdreg s18  }
0x17: {  	s24 =	smax.u32 s11, $0x1;
	s25 =	sadd.s32 $0xF000, s6;
	[dreg:$0xc] =	wrdreg s17  }
0x18: {  	s12 =	sadd.s32 s0, s12;
	s0 =	sadd.s32 s0, s13;
	s29 =	sshrl.u32 s20, $0x3  }
0x19: {  	s20 =	sadd.s32 s9, s15;
	s17 =	sadd.s32 s30, s7;
	[dreg:$0x13] =	wrdreg s22  }
0x1a: {  	s18 =	sadd.s32 s30, s2;
	s19 =	sadd.s32 s30, s9;
	[dreg:$0x16] =	wrdreg s24  }
0x1b: {  	[dreg:$0x17] =	wrdreg s25;
	s15 =	simm.s32 $0x18B78;
	s16 =	simm.s32 $0x50  }
0x1c: {  	s2 =	simm.s32 $0x18BF8;
	s7 =	simm.s32 $0x18C78;
	s9 =	simm.s32 $0x1  }
0x1d: {  	s13 =	simm.s32 $0x3;
	[dreg:$0xf] =	wrdreg s12;
	s12 =	sadd.s32 s10, s26  }
0x1e: {  	s10 =	sadd.s32 s10, s29;
	[dreg:$0x12] =	wrdreg s20;
	s20 =	sadd.s32 s30, s8  }
0x1f: {  	s26 =	sadd.s32 s14, s3;
	s0 =	sadd.s32 $0x27000, s0;
	s29 =	sadd.s32 $0x11800, s6  }
.Ltmp0:
0x20: {  	s30 =	sadd.s32 $0x2700, s3;
	[dreg:$0x10] =	wrdreg s12;
	(pc) =	sbr.rel .LBB2_1-.Ltmp0, $4  }
0x21: {  	s6 =	simm.s32 $0x18D78;
	s8 =	simm.s32 $0x162F8;
	[dreg:$0x14] =	wrdreg s0  }
0x22: {  	s14 =	simm.s32 $0x2;
	s23 =	sadd.s32 $0x4E0, s10;
	[dreg:$0x18] =	wrdreg s29  }
0x23: {  	[dreg:$0x19] =	wrdreg s30;
	s0 =	simm.s32 $0x5;
	s12 =	simm.s32 $0x18AF8  }
0x24: {  	v0 =	vimm.f32 $0.0e+00;
	v1 =	vimm.f32 $1.000000000e+00;
	s10 =	simm.s32 $0x18CF8;
	[dreg:$0x15] =	wrdreg s23;
	s23 =	simm.s32 $0x0  }
.LBB2_6:
0x25: {  	s11 =	sadd.s32 $0x4E2, s26;
	[sflag:s21] =	ssyncadd.s32 $0xFFFFFFB0  }
0x26: {  	[tilespmem:s2], [sflag:$0x5] =	stream.linear.gather [hbm4b:s11+s4], $0x50, $0x38;
	[tilespmem:$0x18FF8] =	vst v63  }
0x27: {  	_ =	swait.ge [sflag:s0], $0x50  }
0x28: {  	s25 =	sadd.s32 s24, s17;
	[sflag:s0] =	ssyncset.done $0x0  }
0x29: {  	s22 =	sadd.s32 $0x4E2, s25;
	[sflag:s0] =	ssyncadd.s32 $0xFFFFFFB0  }
0x2a: {  	[tilespmem:s7], [sflag:$0x5] =	stream.linear.gather [hbm4b:s22+s4], $0x50, $0x38;
	[tilespmem:$0x18FF8] =	vst v63  }
0x2b: {  	_ =	swait.ge [sflag:s0], $0x50  }
0x2c: {  	[sflag:s0] =	ssyncset.done $0x0  }
0x2d: {  	[sflag:s0] =	ssyncadd.s32 $0xFFFFFFB0  }
0x2e: {  	[tilespmem:s8], [sflag:$0x2] =	stream.indirect.gather [hbm4b:s5+s16], $0x80, s2, s16, $0xb8;
	[tilespmem:$0x18FF8] =	vst v63  }
0x2f: {  	_ =	swait.ge [sflag:s9], $0x2800  }
0x30: {  	[sflag:s9] =	ssyncset.done $0x0  }
0x31: {  	[sflag:s9] =	ssyncadd.s32 $0xFFFFD800  }
0x32: {  	[spmem:s3] =	stream.indirect.scatter.add.f32 [tilespmem:s10], [sflag:$0x3], $0x1, s15, s16, $0xb8;
	[tilespmem:$0x18FF8] =	vst v63  }
0x33: {  	_ = 	snop  }
0x34: {  	[spmem:s1] =	stream.indirect.scatter.add.f32 [tilespmem:s31], [sflag:$0x5], $0x80, s15, s16, $0xb8;
	[tilespmem:$0x18FF8] =	vst v63  }
0x35: {  	_ =	swait.ge [sflag:s0], $0x2800  }
0x36: {  	[sflag:s0] =	ssyncset.done $0x0  }
0x37: {  	[sflag:s0] =	ssyncadd.s32 $0xFFFFD800  }
0x38: {  	_ =	swait.ge [sflag:s13], $0x50  }
0x39: {  	[sflag:s13] =	ssyncset.done $0x0  }
0x3a: {  	s28 =	sadd.s32 $0x4EC, s26;
	[sflag:s13] =	ssyncadd.s32 $0xFFFFFFB0  }
0x3b: {  	[tilespmem:s12], [sflag:$0x5] =	stream.linear.gather [hbm4b:s28+s4], $0x50, $0x38;
	[tilespmem:$0x18FF8] =	vst v63  }
0x3c: {  	_ =	swait.ge [sflag:s0], $0x50  }
0x3d: {  	[sflag:s0] =	ssyncset.done $0x0  }
0x3e: {  	s11 =	sadd.s32 $0x4EC, s25;
	[sflag:s0] =	ssyncadd.s32 $0xFFFFFFB0  }
0x3f: {  	[tilespmem:s15], [sflag:$0x5] =	stream.linear.gather [hbm4b:s11+s4], $0x50, $0x38;
	[tilespmem:$0x18FF8] =	vst v63  }
0x40: {  	_ =	swait.ge [sflag:s0], $0x50  }
0x41: {  	[sflag:s0] =	ssyncset.done $0x0  }
0x42: {  	[sflag:s0] =	ssyncadd.s32 $0xFFFFFFB0  }
0x43: {  	[tilespmem:s31], [sflag:$0x1] =	stream.indirect.gather [hbm4b:s5+s16], $0x80, s12, s16, $0xb8;
	[tilespmem:$0x18FF8] =	vst v63  }
0x44: {  	_ =	swait.ge [sflag:s14], $0x2800  }
0x45: {  	[sflag:s14] =	ssyncset.done $0x0  }
0x46: {  	[sflag:s14] =	ssyncadd.s32 $0xFFFFD800  }
0x47: {  	[spmem:s3] =	stream.indirect.scatter.add.f32 [tilespmem:s10], [sflag:$0x4], $0x1, s7, s16, $0xb8;
	[tilespmem:$0x18FF8] =	vst v63  }
0x48: {  	_ = 	snop  }
0x49: {  	[spmem:s1] =	stream.indirect.scatter.add.f32 [tilespmem:s8], [sflag:$0x5], $0x80, s7, s16, $0xb8;
	[tilespmem:$0x18FF8] =	vst v63  }
0x4a: {  	_ =	swait.ge [sflag:s0], $0x2800  }
0x4b: {  	[sflag:s0] =	ssyncset.done $0x0  }
0x4c: {  	[sflag:s0] =	ssyncadd.s32 $0xFFFFD800  }
0x4d: {  	_ =	swait.ge [sflag:s21], $0x50  }
0x4e: {  	[sflag:s21] =	ssyncset.done $0x0  }
0x4f: {  	[sflag:s21] =	ssyncadd.s32 $0xFFFFFFB0  }
.LBB2_10:
0x50: {  	_ =	swait.ge [sflag:s9], $0x2800  }
0x51: {  	[sflag:s9] =	ssyncset.done $0x0  }
0x52: {  	[sflag:s9] =	ssyncadd.s32 $0xFFFFD800  }
0x53: {  	[spmem:s3] =	stream.indirect.scatter.add.f32 [tilespmem:s10], [sflag:$0x3], $0x1, s15, s16, $0xb8;
	[tilespmem:$0x18FF8] =	vst v63  }
0x54: {  	_ = 	snop  }
0x55: {  	[spmem:s1] =	stream.indirect.scatter.add.f32 [tilespmem:s31], [sflag:$0x5], $0x80, s15, s16, $0xb8;
	[tilespmem:$0x18FF8] =	vst v63  }
0x56: {  	_ =	swait.ge [sflag:s0], $0x2800  }
0x57: {  	[sflag:s0] =	ssyncset.done $0x0  }
0x58: {  	[sflag:s0] =	ssyncadd.s32 $0xFFFFD800  }
0x59: {  	_ =	swait.ge [sflag:s13], $0x50  }
0x5a: {  	[sflag:s13] =	ssyncset.done $0x0  }
0x5b: {  	[sflag:s13] =	ssyncadd.s32 $0xFFFFFFB0  }
0x5c: {  	s11 =	stileid.u32;
	[bflag:$0x0] =	sbarrier.arrive $0xFFFF  }
0x5d: {  	s11 =	sshll.u32 s11, $0x6;
	s6 =	rddreg [dreg:$0x1a]  }
0x5e: {  	s11 =	sor.u32 $0x1C05, s11;
	s24 =	rddreg [dreg:$0xf];
	s22 =	sshrl.u32 s6, $0x3  }
0x5f: {  	[hbm:s24], [sflag:s11] =	dma.local [spmem:s22], $0x2700  }
0x60: {  	_ =	swait.ge [sflag:s0], $0x2700  }
0x61: {  	[sflag:s0] =	ssyncset.done $0x0  }
0x62: {  	s25 =	simm.s32 $0x18D78;
	[sflag:s0] =	ssyncadd.s32 $0xFFFFD900  }
0x63: {  	[tilespmem:s25], [sflag:$0x5] =	stream.linear.gather [spmem:s29], $0x270, $0x38;
	[tilespmem:$0x18FF8] =	vst v63  }
0x64: {  	_ =	swait.ge [sflag:s0], $0x270  }
0x65: {  	[sflag:s0] =	ssyncset.done $0x0  }
0x66: {  	s26 =	smov.u32 s29;
	s29 =	rddreg [dreg:$0x10];
	[sflag:s0] =	ssyncadd.s32 $0xFFFFFD90  }
0x67: {  	[hbm4b:s29+s4] =	stream.linear.scatter [tilespmem:s25], [sflag:$0x5], $0x270, $0x38;
	[tilespmem:$0x18FF8] =	vst v63  }
0x68: {  	_ =	swait.ge [sflag:s0], $0x270  }
0x69: {  	[sflag:s0] =	ssyncset.done $0x0  }
0x6a: {  	s22 =	sshrl.u32 @!p1 s30, $0x3;
	s24 =	rddreg [dreg:$0x14];
	[sflag:s0] =	ssyncadd.s32 $0xFFFFFD90  }
0x6b: {  	[hbm:s24], [sflag:s11] =	dma.local @!p1 [spmem:s22], $0x100  }
0x6c: {  	s11 =	simm.s32 @!p1 $0x5  }
0x6d: {  	_ =	swait.ge @!p1 [sflag:s11], $0x100  }
0x6e: {  	[sflag:s11] =	ssyncset.done @!p1 $0x0  }
0x6f: {  	s22 =	simm.s32 @!p1 $0x18D78;
	s24 =	rddreg [dreg:$0x19];
	[sflag:s11] =	ssyncadd.s32 @!p1 $0xFFFFFF00  }
0x70: {  	[tilespmem:s22], [sflag:$0x5] =	stream.linear.gather @!p1 [spmem:s24], $0x10, $0x38;
	[tilespmem:$0x18FF8] =	vst v63  }
0x71: {  	_ =	swait.ge @!p1 [sflag:s11], $0x10  }
0x72: {  	[sflag:s11] =	ssyncset.done @!p1 $0x0  }
0x73: {  	s24 =	simm.s32 @!p1 $0x0;
	s25 =	rddreg [dreg:$0x15];
	[sflag:s11] =	ssyncadd.s32 @!p1 $0xFFFFFFF0  }
0x74: {  	[hbm4b:s25+s24] =	stream.linear.scatter @!p1 [tilespmem:s22], [sflag:$0x5], $0x10, $0x38;
	[tilespmem:$0x18FF8] =	vst v63  }
0x75: {  	_ =	swait.ge @!p1 [sflag:s11], $0x10  }
0x76: {  	s28 =	smov.u32 s30;
	s23 =	sadd.s32 $0x1, s23;
	s30 =	rddreg [dreg:$0x16]  }
0x77: {  	p2 =	sne.s32 s23, s30  }
.Ltmp1:
0x78: {  	_ = 	snop;
	(pc) =	sbr.rel @!p2 .LBB2_11-.Ltmp1, $3  }
0x79: {  	_ =	sdelay $0x1  }
0x7a: {  	[sflag:s11] =	ssyncset.done @!p1 $0x0  }
0x7b: {  	s6 =	simm.s32 $0x18D78;
	[sflag:s11] =	ssyncadd.s32 @!p1 $0xFFFFFFF0  }
.LBB2_1:
0x7c: {  	s24 =	simm.s32 $0x0;
	s25 =	simm.s32 $0x200  }
.LBB2_2:
0x7d: {  	p2 =	sne.s32 s25, $0x9E00;
	[tilespmem:s24+$0x13B68] =	vst v0  }
0x7e: {  	[tilespmem:s24+$0x13AF8] =	vst v0  }
0x7f: {  	[tilespmem:s24+$0x13B08] =	vst v0  }
.Ltmp2:
0x80: {  	[tilespmem:s24+$0x13B18] =	vst v0;
	(pc) =	sbr.rel @p2 .LBB2_2-.Ltmp2, $4  }
0x81: {  	[tilespmem:s24+$0x13B28] =	vst v0  }
0x82: {  	[tilespmem:s24+$0x13B38] =	vst v0  }
0x83: {  	[tilespmem:s24+$0x13B48] =	vst v0  }
0x84: {  	[tilespmem:s24+$0x13B58] =	vst v0;
	s24 =	sshra.s32 s25, $0x2;
	s25 =	sadd.s32 $0x200, s25  }
0x85: {  	[tilespmem:s24+$0x13B68] =	vst v0  }
0x86: {  	[tilespmem:s24+$0x13AF8] =	vst v0  }
0x87: {  	[tilespmem:s24+$0x13B08] =	vst v0  }
0x88: {  	[tilespmem:s24+$0x13B18] =	vst v0  }
0x89: {  	[tilespmem:s24+$0x13B28] =	vst v0  }
0x8a: {  	[tilespmem:s24+$0x13B38] =	vst v0  }
0x8b: {  	[tilespmem:s24+$0x13B48] =	vst v0  }
0x8c: {  	[tilespmem:s24+$0x13B58] =	vst v0  }
0x8d: {  	[tilespmem:$0x18CF8] =	vst v1  }
0x8e: {  	[tilespmem:$0x18D08] =	vst v1  }
0x8f: {  	[tilespmem:$0x18D18] =	vst v1  }
0x90: {  	[tilespmem:$0x18D28] =	vst v1  }
0x91: {  	[tilespmem:$0x18D38] =	vst v1  }
0x92: {  	[tilespmem:$0x18D78] =	vst v0  }
0x93: {  	[tilespmem:$0x18D88] =	vst v0  }
0x94: {  	[tilespmem:$0x18D98] =	vst v0  }
0x95: {  	[tilespmem:$0x18DA8] =	vst v0  }
0x96: {  	[tilespmem:$0x18DB8] =	vst v0  }
0x97: {  	[tilespmem:$0x18DC8] =	vst v0  }
0x98: {  	[tilespmem:$0x18DD8] =	vst v0  }
0x99: {  	[tilespmem:$0x18DE8] =	vst v0  }
0x9a: {  	[tilespmem:$0x18DF8] =	vst v0  }
0x9b: {  	[tilespmem:$0x18E08] =	vst v0  }
0x9c: {  	[tilespmem:$0x18E18] =	vst v0  }
0x9d: {  	[tilespmem:$0x18E28] =	vst v0  }
0x9e: {  	[tilespmem:$0x18E38] =	vst v0  }
0x9f: {  	[tilespmem:$0x18E48] =	vst v0  }
0xa0: {  	[tilespmem:$0x18E58] =	vst v0  }
0xa1: {  	[tilespmem:$0x18E68] =	vst v0  }
0xa2: {  	[tilespmem:$0x18E78] =	vst v0  }
0xa3: {  	[tilespmem:$0x18E88] =	vst v0  }
0xa4: {  	[tilespmem:$0x18E98] =	vst v0  }
0xa5: {  	[tilespmem:$0x18EA8] =	vst v0  }
0xa6: {  	[tilespmem:$0x18EB8] =	vst v0  }
0xa7: {  	[tilespmem:$0x18EC8] =	vst v0  }
0xa8: {  	[tilespmem:$0x18ED8] =	vst v0  }
0xa9: {  	[tilespmem:$0x18EE8] =	vst v0  }
0xaa: {  	[tilespmem:$0x18EF8] =	vst v0  }
0xab: {  	[tilespmem:$0x18F08] =	vst v0  }
0xac: {  	[tilespmem:$0x18F18] =	vst v0  }
0xad: {  	[tilespmem:$0x18F28] =	vst v0  }
0xae: {  	[tilespmem:$0x18F38] =	vst v0  }
0xaf: {  	[tilespmem:$0x18F48] =	vst v0  }
0xb0: {  	[tilespmem:$0x18F58] =	vst v0  }
0xb1: {  	[tilespmem:$0x18F68] =	vst v0  }
0xb2: {  	[tilespmem:$0x18F78] =	vst v0  }
0xb3: {  	[tilespmem:$0x18F88] =	vst v0  }
0xb4: {  	[tilespmem:$0x18F98] =	vst v0  }
0xb5: {  	[tilespmem:$0x18FA8] =	vst v0  }
0xb6: {  	[tilespmem:$0x18FB8] =	vst v0  }
0xb7: {  	[tilespmem:$0x18FC8] =	vst v0  }
0xb8: {  	s11 =	rddreg [dreg:$0x1a];
	[tilespmem:$0x18FD8] =	vst v0  }
0xb9: {  	[spmem:s11] =	stream.linear.scatter [tilespmem:s31], [sflag:$0x5], $0x2800, $0x38;
	[tilespmem:$0x18FF8] =	vst v63  }
0xba: {  	_ =	swait.ge [sflag:s0], $0x2800  }
0xbb: {  	[sflag:s0] =	ssyncset.done $0x0  }
0xbc: {  	s25 =	rddreg [dreg:$0x9];
	[sflag:s0] =	ssyncadd.s32 $0xFFFFD800  }
0xbd: {  	[spmem:s25] =	stream.linear.scatter [tilespmem:s31], [sflag:$0x5], $0x2800, $0x38;
	[tilespmem:$0x18FF8] =	vst v63  }
0xbe: {  	_ =	swait.ge [sflag:s0], $0x2800  }
0xbf: {  	[sflag:s0] =	ssyncset.done $0x0  }
0xc0: {  	s22 =	rddreg [dreg:$0xa];
	[sflag:s0] =	ssyncadd.s32 $0xFFFFD800  }
0xc1: {  	[spmem:s22] =	stream.linear.scatter [tilespmem:s31], [sflag:$0x5], $0x2800, $0x38;
	[tilespmem:$0x18FF8] =	vst v63  }
0xc2: {  	_ =	swait.ge [sflag:s0], $0x2800  }
0xc3: {  	[sflag:s0] =	ssyncset.done $0x0  }
0xc4: {  	s24 =	rddreg [dreg:$0xb];
	[sflag:s0] =	ssyncadd.s32 $0xFFFFD800  }
0xc5: {  	[spmem:s24] =	stream.linear.scatter [tilespmem:s31], [sflag:$0x5], $0x2800, $0x38;
	[tilespmem:$0x18FF8] =	vst v63  }
0xc6: {  	_ =	swait.ge [sflag:s0], $0x2800  }
0xc7: {  	[sflag:s0] =	ssyncset.done $0x0  }
0xc8: {  	s25 =	rddreg [dreg:$0xc];
	[sflag:s0] =	ssyncadd.s32 $0xFFFFD800  }
0xc9: {  	[spmem:s25] =	stream.linear.scatter [tilespmem:s31], [sflag:$0x5], $0x2800, $0x38;
	[tilespmem:$0x18FF8] =	vst v63  }
0xca: {  	_ =	swait.ge [sflag:s0], $0x2800  }
0xcb: {  	[sflag:s0] =	ssyncset.done $0x0  }
0xcc: {  	s22 =	rddreg [dreg:$0x13];
	[sflag:s0] =	ssyncadd.s32 $0xFFFFD800  }
0xcd: {  	[spmem:s22] =	stream.linear.scatter [tilespmem:s31], [sflag:$0x5], $0x2800, $0x38;
	[tilespmem:$0x18FF8] =	vst v63  }
0xce: {  	_ =	swait.ge [sflag:s0], $0x2800  }
0xcf: {  	[sflag:s0] =	ssyncset.done $0x0  }
0xd0: {  	s24 =	rddreg [dreg:$0x17];
	[sflag:s0] =	ssyncadd.s32 $0xFFFFD800  }
0xd1: {  	[spmem:s24] =	stream.linear.scatter [tilespmem:s31], [sflag:$0x5], $0x2800, $0x38;
	[tilespmem:$0x18FF8] =	vst v63  }
0xd2: {  	_ =	swait.ge [sflag:s0], $0x2800  }
0xd3: {  	[sflag:s0] =	ssyncset.done $0x0  }
0xd4: {  	s25 =	rddreg [dreg:$0x18];
	[sflag:s0] =	ssyncadd.s32 $0xFFFFD800  }
0xd5: {  	[spmem:s25] =	stream.linear.scatter [tilespmem:s31], [sflag:$0x5], $0x2000, $0x38;
	[tilespmem:$0x18FF8] =	vst v63  }
0xd6: {  	_ =	swait.ge [sflag:s0], $0x2000  }
0xd7: {  	[sflag:s0] =	ssyncset.done $0x0  }
0xd8: {  	[sflag:s0] =	ssyncadd.s32 $0xFFFFE000  }
0xd9: {  	[spmem:s26] =	stream.linear.scatter [tilespmem:s6], [sflag:$0x5], $0x270, $0x38;
	[tilespmem:$0x18FF8] =	vst v63  }
0xda: {  	_ =	swait.ge [sflag:s0], $0x270  }
0xdb: {  	[sflag:s0] =	ssyncset.done $0x0  }
0xdc: {  	s24 =	simm.s32 @!p1 $0x13AF8;
	[sflag:s0] =	ssyncadd.s32 $0xFFFFFD90  }
0xdd: {  	[spmem:s28] =	stream.linear.scatter @!p1 [tilespmem:s24], [sflag:$0x5], $0x800, $0x38;
	[tilespmem:$0x18FF8] =	vst v63  }
0xde: {  	s24 =	simm.s32 @!p1 $0x5  }
0xdf: {  	_ =	swait.ge @!p1 [sflag:s24], $0x800  }
0xe0: {  	[sflag:s24] =	ssyncset.done @!p1 $0x0  }
0xe1: {  	s25 =	simm.s32 @!p1 $0x18D78;
	s11 =	rddreg [dreg:$0x19];
	[sflag:s24] =	ssyncadd.s32 @!p1 $0xFFFFF800  }
0xe2: {  	[spmem:s11] =	stream.linear.scatter @!p1 [tilespmem:s25], [sflag:$0x5], $0x10, $0x38;
	[tilespmem:$0x18FF8] =	vst v63  }
.Ltmp3:
0xe3: {  	_ =	swait.ge @!p1 [sflag:s24], $0x10;
	(pc) =	sbr.rel @!p0 .LBB2_4-.Ltmp3, $4  }
0xe4: {  	[sflag:s24] =	ssyncset.done @!p1 $0x0  }
0xe5: {  	[sflag:s24] =	ssyncadd.s32 @!p1 $0xFFFFFFF0  }
0xe6: {  	[bflag:$0x0] =	sbarrier.arrive $0xFFFF  }
0xe7: {  	s29 =	smov.u32 s26;
	s30 =	smov.u32 s28  }
0xe8: {  	s11 =	rddreg [dreg:$0x11]  }
0xe9: {  	[tilespmem:s12], [sflag:$0x5] =	stream.linear.gather [hbm4b:s11+s4], $0x50, $0x38;
	[tilespmem:$0x18FF8] =	vst v63  }
0xea: {  	_ =	swait.ge [sflag:s0], $0x50  }
0xeb: {  	[sflag:s0] =	ssyncset.done $0x0  }
0xec: {  	s26 =	rddreg [dreg:$0x12];
	[sflag:s0] =	ssyncadd.s32 $0xFFFFFFB0  }
0xed: {  	[tilespmem:s15], [sflag:$0x5] =	stream.linear.gather [hbm4b:s26+s4], $0x50, $0x38;
	[tilespmem:$0x18FF8] =	vst v63  }
0xee: {  	_ =	swait.ge [sflag:s0], $0x50  }
0xef: {  	[sflag:s0] =	ssyncset.done $0x0  }
0xf0: {  	s6 =	sadd.s32 $0xFFFFFB28, s20;
	[sflag:s0] =	ssyncadd.s32 $0xFFFFFFB0  }
0xf1: {  	[tilespmem:s31], [sflag:$0x1] =	stream.indirect.gather [hbm4b:s5+s16], $0x80, s12, s16, $0xb8;
	[tilespmem:$0x18FF8] =	vst v63  }
0xf2: {  	s22 =	sadd.s32 $0x4E2, s6  }
0xf3: {  	[tilespmem:s2], [sflag:$0x5] =	stream.linear.gather [hbm4b:s22+s4], $0x50, $0x38;
	[tilespmem:$0x18FF8] =	vst v63  }
0xf4: {  	_ =	swait.ge [sflag:s0], $0x50  }
0xf5: {  	s25 =	sadd.s32 $0xFFFFFB28, s19;
	[sflag:s0] =	ssyncset.done $0x0  }
0xf6: {  	s24 =	sadd.s32 $0x4E2, s25;
	[sflag:s0] =	ssyncadd.s32 $0xFFFFFFB0  }
0xf7: {  	[tilespmem:s7], [sflag:$0x5] =	stream.linear.gather [hbm4b:s24+s4], $0x50, $0x38;
	[tilespmem:$0x18FF8] =	vst v63  }
0xf8: {  	_ =	swait.ge [sflag:s0], $0x50  }
0xf9: {  	[sflag:s0] =	ssyncset.done $0x0  }
0xfa: {  	[sflag:s0] =	ssyncadd.s32 $0xFFFFFFB0  }
0xfb: {  	[tilespmem:s8], [sflag:$0x2] =	stream.indirect.gather [hbm4b:s5+s16], $0x80, s2, s16, $0xb8;
	[tilespmem:$0x18FF8] =	vst v63  }
0xfc: {  	_ =	swait.ge [sflag:s9], $0x2800  }
0xfd: {  	[sflag:s9] =	ssyncset.done $0x0  }
0xfe: {  	[sflag:s9] =	ssyncadd.s32 $0xFFFFD800  }
0xff: {  	[spmem:s3] =	stream.indirect.scatter.add.f32 [tilespmem:s10], [sflag:$0x3], $0x1, s15, s16, $0xb8;
	[tilespmem:$0x18FF8] =	vst v63  }
0x100: {  	_ = 	snop  }
0x101: {  	[spmem:s1] =	stream.indirect.scatter.add.f32 [tilespmem:s31], [sflag:$0x5], $0x80, s15, s16, $0xb8;
	[tilespmem:$0x18FF8] =	vst v63  }
0x102: {  	_ =	swait.ge [sflag:s0], $0x2800  }
0x103: {  	[sflag:s0] =	ssyncset.done $0x0  }
0x104: {  	[sflag:s0] =	ssyncadd.s32 $0xFFFFD800  }
0x105: {  	_ =	swait.ge [sflag:s13], $0x50  }
0x106: {  	[sflag:s13] =	ssyncset.done $0x0  }
0x107: {  	s11 =	sadd.s32 $0x4EC, s6;
	[sflag:s13] =	ssyncadd.s32 $0xFFFFFFB0  }
0x108: {  	[tilespmem:s12], [sflag:$0x5] =	stream.linear.gather [hbm4b:s11+s4], $0x50, $0x38;
	[tilespmem:$0x18FF8] =	vst v63  }
0x109: {  	_ =	swait.ge [sflag:s0], $0x50  }
0x10a: {  	[sflag:s0] =	ssyncset.done $0x0  }
0x10b: {  	s26 =	sadd.s32 $0x4EC, s25;
	[sflag:s0] =	ssyncadd.s32 $0xFFFFFFB0  }
0x10c: {  	[tilespmem:s15], [sflag:$0x5] =	stream.linear.gather [hbm4b:s26+s4], $0x50, $0x38;
	[tilespmem:$0x18FF8] =	vst v63  }
0x10d: {  	_ =	swait.ge [sflag:s0], $0x50  }
0x10e: {  	[sflag:s0] =	ssyncset.done $0x0  }
0x10f: {  	[sflag:s0] =	ssyncadd.s32 $0xFFFFFFB0  }
0x110: {  	[tilespmem:s31], [sflag:$0x1] =	stream.indirect.gather [hbm4b:s5+s16], $0x80, s12, s16, $0xb8;
	[tilespmem:$0x18FF8] =	vst v63  }
0x111: {  	_ =	swait.ge [sflag:s14], $0x2800  }
0x112: {  	[sflag:s14] =	ssyncset.done $0x0  }
0x113: {  	[sflag:s14] =	ssyncadd.s32 $0xFFFFD800  }
0x114: {  	[spmem:s3] =	stream.indirect.scatter.add.f32 [tilespmem:s10], [sflag:$0x4], $0x1, s7, s16, $0xb8;
	[tilespmem:$0x18FF8] =	vst v63  }
0x115: {  	_ = 	snop  }
0x116: {  	[spmem:s1] =	stream.indirect.scatter.add.f32 [tilespmem:s8], [sflag:$0x5], $0x80, s7, s16, $0xb8;
	[tilespmem:$0x18FF8] =	vst v63  }
0x117: {  	_ =	swait.ge [sflag:s0], $0x2800  }
0x118: {  	[sflag:s0] =	ssyncset.done $0x0  }
0x119: {  	[sflag:s0] =	ssyncadd.s32 $0xFFFFD800  }
0x11a: {  	s28 =	simm.s32 $0xFFFFFB50;
	_ =	swait.ge [sflag:s21], $0x50  }
0x11b: {  	s24 =	simm.s32 $0xFFFFFB3C;
	s26 =	sadd.s32 $0xFFFFFB3C, s20;
	[sflag:s21] =	ssyncset.done $0x0  }
.LBB2_8:
0x11c: {  	s11 =	sadd.s32 $0x4E2, s26  }
0x11d: {  	[sflag:s21] =	ssyncadd.s32 $0xFFFFFFB0;
	s22 =	smov.u32 s28;
	s25 =	sadd.s32 $0x14, s28  }
0x11e: {  	[tilespmem:s2], [sflag:$0x5] =	stream.linear.gather [hbm4b:s11+s4], $0x50, $0x38;
	[tilespmem:$0x18FF8] =	vst v63  }
0x11f: {  	p2 =	sne.s32 s28, $0xFFFFFFEC;
	_ =	swait.ge [sflag:s0], $0x50  }
0x120: {  	s11 =	sadd.s32 s24, s19;
	s24 =	smov.u32 s22;
	[sflag:s0] =	ssyncset.done $0x0  }
0x121: {  	s22 =	sadd.s32 $0x4E2, s11;
	[sflag:s0] =	ssyncadd.s32 $0xFFFFFFB0  }
0x122: {  	[tilespmem:s7], [sflag:$0x5] =	stream.linear.gather [hbm4b:s22+s4], $0x50, $0x38;
	[tilespmem:$0x18FF8] =	vst v63  }
0x123: {  	_ =	swait.ge [sflag:s0], $0x50  }
0x124: {  	[sflag:s0] =	ssyncset.done $0x0  }
0x125: {  	[sflag:s0] =	ssyncadd.s32 $0xFFFFFFB0  }
0x126: {  	[tilespmem:s8], [sflag:$0x2] =	stream.indirect.gather [hbm4b:s5+s16], $0x80, s2, s16, $0xb8;
	[tilespmem:$0x18FF8] =	vst v63  }
0x127: {  	_ =	swait.ge [sflag:s9], $0x2800  }
0x128: {  	[sflag:s9] =	ssyncset.done $0x0  }
0x129: {  	[sflag:s9] =	ssyncadd.s32 $0xFFFFD800  }
0x12a: {  	[spmem:s3] =	stream.indirect.scatter.add.f32 [tilespmem:s10], [sflag:$0x3], $0x1, s15, s16, $0xb8;
	[tilespmem:$0x18FF8] =	vst v63  }
0x12b: {  	_ = 	snop  }
0x12c: {  	[spmem:s1] =	stream.indirect.scatter.add.f32 [tilespmem:s31], [sflag:$0x5], $0x80, s15, s16, $0xb8;
	[tilespmem:$0x18FF8] =	vst v63  }
0x12d: {  	_ =	swait.ge [sflag:s0], $0x2800  }
0x12e: {  	[sflag:s0] =	ssyncset.done $0x0  }
0x12f: {  	[sflag:s0] =	ssyncadd.s32 $0xFFFFD800  }
0x130: {  	_ =	swait.ge [sflag:s13], $0x50  }
0x131: {  	[sflag:s13] =	ssyncset.done $0x0  }
0x132: {  	s22 =	sadd.s32 $0x4EC, s26;
	[sflag:s13] =	ssyncadd.s32 $0xFFFFFFB0  }
0x133: {  	[tilespmem:s12], [sflag:$0x5] =	stream.linear.gather [hbm4b:s22+s4], $0x50, $0x38;
	[tilespmem:$0x18FF8] =	vst v63  }
0x134: {  	_ =	swait.ge [sflag:s0], $0x50  }
0x135: {  	[sflag:s0] =	ssyncset.done $0x0  }
0x136: {  	s11 =	sadd.s32 $0x4EC, s11;
	[sflag:s0] =	ssyncadd.s32 $0xFFFFFFB0  }
0x137: {  	[tilespmem:s15], [sflag:$0x5] =	stream.linear.gather [hbm4b:s11+s4], $0x50, $0x38;
	[tilespmem:$0x18FF8] =	vst v63  }
0x138: {  	_ =	swait.ge [sflag:s0], $0x50  }
0x139: {  	[sflag:s0] =	ssyncset.done $0x0  }
0x13a: {  	[sflag:s0] =	ssyncadd.s32 $0xFFFFFFB0  }
0x13b: {  	[tilespmem:s31], [sflag:$0x1] =	stream.indirect.gather [hbm4b:s5+s16], $0x80, s12, s16, $0xb8;
	[tilespmem:$0x18FF8] =	vst v63  }
0x13c: {  	_ =	swait.ge [sflag:s14], $0x2800  }
0x13d: {  	[sflag:s14] =	ssyncset.done $0x0  }
0x13e: {  	[sflag:s14] =	ssyncadd.s32 $0xFFFFD800  }
0x13f: {  	[spmem:s3] =	stream.indirect.scatter.add.f32 [tilespmem:s10], [sflag:$0x4], $0x1, s7, s16, $0xb8;
	[tilespmem:$0x18FF8] =	vst v63  }
0x140: {  	_ = 	snop  }
0x141: {  	[spmem:s1] =	stream.indirect.scatter.add.f32 [tilespmem:s8], [sflag:$0x5], $0x80, s7, s16, $0xb8;
	[tilespmem:$0x18FF8] =	vst v63  }
.Ltmp4:
0x142: {  	_ =	swait.ge [sflag:s0], $0x2800;
	(pc) =	sbr.rel @p2 .LBB2_8-.Ltmp4, $4  }
0x143: {  	[sflag:s0] =	ssyncset.done $0x0  }
0x144: {  	[sflag:s0] =	ssyncadd.s32 $0xFFFFD800  }
0x145: {  	_ =	swait.ge [sflag:s21], $0x50  }
0x146: {  	s28 =	smov.u32 s25;
	s26 =	sadd.s32 s24, s20;
	[sflag:s21] =	ssyncset.done $0x0  }
0x147: {  	s11 =	sadd.s32 $0x4E2, s26;
	[sflag:s21] =	ssyncadd.s32 $0xFFFFFFB0  }
0x148: {  	[tilespmem:s2], [sflag:$0x5] =	stream.linear.gather [hbm4b:s11+s4], $0x50, $0x38;
	[tilespmem:$0x18FF8] =	vst v63  }
0x149: {  	_ =	swait.ge [sflag:s0], $0x50  }
0x14a: {  	s25 =	sadd.s32 s24, s19;
	[sflag:s0] =	ssyncset.done $0x0  }
0x14b: {  	s22 =	sadd.s32 $0x4E2, s25;
	[sflag:s0] =	ssyncadd.s32 $0xFFFFFFB0  }
0x14c: {  	[tilespmem:s7], [sflag:$0x5] =	stream.linear.gather [hbm4b:s22+s4], $0x50, $0x38;
	[tilespmem:$0x18FF8] =	vst v63  }
0x14d: {  	_ =	swait.ge [sflag:s0], $0x50  }
0x14e: {  	[sflag:s0] =	ssyncset.done $0x0  }
0x14f: {  	[sflag:s0] =	ssyncadd.s32 $0xFFFFFFB0  }
0x150: {  	[tilespmem:s8], [sflag:$0x2] =	stream.indirect.gather [hbm4b:s5+s16], $0x80, s2, s16, $0xb8;
	[tilespmem:$0x18FF8] =	vst v63  }
0x151: {  	_ =	swait.ge [sflag:s9], $0x2800  }
0x152: {  	[sflag:s9] =	ssyncset.done $0x0  }
0x153: {  	[sflag:s9] =	ssyncadd.s32 $0xFFFFD800  }
0x154: {  	[spmem:s3] =	stream.indirect.scatter.add.f32 [tilespmem:s10], [sflag:$0x3], $0x1, s15, s16, $0xb8;
	[tilespmem:$0x18FF8] =	vst v63  }
0x155: {  	_ = 	snop  }
0x156: {  	[spmem:s1] =	stream.indirect.scatter.add.f32 [tilespmem:s31], [sflag:$0x5], $0x80, s15, s16, $0xb8;
	[tilespmem:$0x18FF8] =	vst v63  }
0x157: {  	_ =	swait.ge [sflag:s0], $0x2800  }
0x158: {  	[sflag:s0] =	ssyncset.done $0x0  }
0x159: {  	[sflag:s0] =	ssyncadd.s32 $0xFFFFD800  }
0x15a: {  	_ =	swait.ge [sflag:s13], $0x50  }
0x15b: {  	[sflag:s13] =	ssyncset.done $0x0  }
0x15c: {  	s28 =	sadd.s32 $0x4EC, s26;
	[sflag:s13] =	ssyncadd.s32 $0xFFFFFFB0  }
0x15d: {  	[tilespmem:s12], [sflag:$0x5] =	stream.linear.gather [hbm4b:s28+s4], $0x50, $0x38;
	[tilespmem:$0x18FF8] =	vst v63  }
0x15e: {  	_ =	swait.ge [sflag:s0], $0x50  }
0x15f: {  	[sflag:s0] =	ssyncset.done $0x0  }
0x160: {  	s11 =	sadd.s32 $0x4EC, s25;
	[sflag:s0] =	ssyncadd.s32 $0xFFFFFFB0  }
0x161: {  	[tilespmem:s15], [sflag:$0x5] =	stream.linear.gather [hbm4b:s11+s4], $0x50, $0x38;
	[tilespmem:$0x18FF8] =	vst v63  }
0x162: {  	_ =	swait.ge [sflag:s0], $0x50  }
0x163: {  	[sflag:s0] =	ssyncset.done $0x0  }
0x164: {  	[sflag:s0] =	ssyncadd.s32 $0xFFFFFFB0  }
0x165: {  	[tilespmem:s31], [sflag:$0x1] =	stream.indirect.gather [hbm4b:s5+s16], $0x80, s12, s16, $0xb8;
	[tilespmem:$0x18FF8] =	vst v63  }
0x166: {  	_ =	swait.ge [sflag:s14], $0x2800  }
0x167: {  	[sflag:s14] =	ssyncset.done $0x0  }
0x168: {  	[sflag:s14] =	ssyncadd.s32 $0xFFFFD800  }
0x169: {  	[spmem:s3] =	stream.indirect.scatter.add.f32 [tilespmem:s10], [sflag:$0x4], $0x1, s7, s16, $0xb8;
	[tilespmem:$0x18FF8] =	vst v63  }
0x16a: {  	_ = 	snop  }
0x16b: {  	[spmem:s1] =	stream.indirect.scatter.add.f32 [tilespmem:s8], [sflag:$0x5], $0x80, s7, s16, $0xb8;
	[tilespmem:$0x18FF8] =	vst v63  }
0x16c: {  	_ =	swait.ge [sflag:s0], $0x2800  }
.Ltmp5:
0x16d: {  	[sflag:s0] =	ssyncset.done $0x0;
	(pc) =	sbr.rel .LBB2_10-.Ltmp5, $4  }
0x16e: {  	[sflag:s0] =	ssyncadd.s32 $0xFFFFD800  }
0x16f: {  	_ =	swait.ge [sflag:s21], $0x50  }
0x170: {  	[sflag:s21] =	ssyncset.done $0x0  }
0x171: {  	[sflag:s21] =	ssyncadd.s32 $0xFFFFFFB0  }
.LBB2_4:
0x172: {  	s11 =	rddreg [dreg:$0xd]  }
0x173: {  	[tilespmem:s12], [sflag:$0x5] =	stream.linear.gather [hbm4b:s11+s4], $0x50, $0x38;
	[tilespmem:$0x18FF8] =	vst v63  }
0x174: {  	_ =	swait.ge [sflag:s0], $0x50  }
0x175: {  	[sflag:s0] =	ssyncset.done $0x0  }
0x176: {  	s6 =	rddreg [dreg:$0xe];
	[sflag:s0] =	ssyncadd.s32 $0xFFFFFFB0  }
0x177: {  	[tilespmem:s15], [sflag:$0x5] =	stream.linear.gather [hbm4b:s6+s4], $0x50, $0x38;
	[tilespmem:$0x18FF8] =	vst v63  }
0x178: {  	_ =	swait.ge [sflag:s0], $0x50  }
0x179: {  	[sflag:s0] =	ssyncset.done $0x0  }
0x17a: {  	s24 =	sadd.s32 $0xFFFFFB28, s18;
	[sflag:s0] =	ssyncadd.s32 $0xFFFFFFB0  }
0x17b: {  	[tilespmem:s31], [sflag:$0x1] =	stream.indirect.gather [hbm4b:s5+s16], $0x80, s12, s16, $0xb8;
	[tilespmem:$0x18FF8] =	vst v63  }
0x17c: {  	s25 =	sadd.s32 $0x4E2, s24  }
0x17d: {  	[tilespmem:s2], [sflag:$0x5] =	stream.linear.gather [hbm4b:s25+s4], $0x50, $0x38;
	[tilespmem:$0x18FF8] =	vst v63  }
0x17e: {  	_ =	swait.ge [sflag:s0], $0x50  }
0x17f: {  	s22 =	sadd.s32 $0xFFFFFB28, s17;
	[sflag:s0] =	ssyncset.done $0x0  }
0x180: {  	s26 =	sadd.s32 $0x4E2, s22;
	[sflag:s0] =	ssyncadd.s32 $0xFFFFFFB0  }
0x181: {  	[tilespmem:s7], [sflag:$0x5] =	stream.linear.gather [hbm4b:s26+s4], $0x50, $0x38;
	[tilespmem:$0x18FF8] =	vst v63  }
0x182: {  	_ =	swait.ge [sflag:s0], $0x50  }
0x183: {  	[sflag:s0] =	ssyncset.done $0x0  }
0x184: {  	[sflag:s0] =	ssyncadd.s32 $0xFFFFFFB0  }
0x185: {  	[tilespmem:s8], [sflag:$0x2] =	stream.indirect.gather [hbm4b:s5+s16], $0x80, s2, s16, $0xb8;
	[tilespmem:$0x18FF8] =	vst v63  }
0x186: {  	_ =	swait.ge [sflag:s9], $0x2800  }
0x187: {  	[sflag:s9] =	ssyncset.done $0x0  }
0x188: {  	[sflag:s9] =	ssyncadd.s32 $0xFFFFD800  }
0x189: {  	[spmem:s3] =	stream.indirect.scatter.add.f32 [tilespmem:s10], [sflag:$0x3], $0x1, s15, s16, $0xb8;
	[tilespmem:$0x18FF8] =	vst v63  }
0x18a: {  	_ = 	snop  }
0x18b: {  	[spmem:s1] =	stream.indirect.scatter.add.f32 [tilespmem:s31], [sflag:$0x5], $0x80, s15, s16, $0xb8;
	[tilespmem:$0x18FF8] =	vst v63  }
0x18c: {  	_ =	swait.ge [sflag:s0], $0x2800  }
0x18d: {  	[sflag:s0] =	ssyncset.done $0x0  }
0x18e: {  	[sflag:s0] =	ssyncadd.s32 $0xFFFFD800  }
0x18f: {  	_ =	swait.ge [sflag:s13], $0x50  }
0x190: {  	[sflag:s13] =	ssyncset.done $0x0  }
0x191: {  	s24 =	sadd.s32 $0x4EC, s24;
	[sflag:s13] =	ssyncadd.s32 $0xFFFFFFB0  }
0x192: {  	[tilespmem:s12], [sflag:$0x5] =	stream.linear.gather [hbm4b:s24+s4], $0x50, $0x38;
	[tilespmem:$0x18FF8] =	vst v63  }
0x193: {  	_ =	swait.ge [sflag:s0], $0x50  }
0x194: {  	[sflag:s0] =	ssyncset.done $0x0  }
0x195: {  	s28 =	sadd.s32 $0x4EC, s22;
	[sflag:s0] =	ssyncadd.s32 $0xFFFFFFB0  }
0x196: {  	[tilespmem:s15], [sflag:$0x5] =	stream.linear.gather [hbm4b:s28+s4], $0x50, $0x38;
	[tilespmem:$0x18FF8] =	vst v63  }
0x197: {  	_ =	swait.ge [sflag:s0], $0x50  }
0x198: {  	[sflag:s0] =	ssyncset.done $0x0  }
0x199: {  	[sflag:s0] =	ssyncadd.s32 $0xFFFFFFB0  }
0x19a: {  	[tilespmem:s31], [sflag:$0x1] =	stream.indirect.gather [hbm4b:s5+s16], $0x80, s12, s16, $0xb8;
	[tilespmem:$0x18FF8] =	vst v63  }
0x19b: {  	_ =	swait.ge [sflag:s14], $0x2800  }
0x19c: {  	[sflag:s14] =	ssyncset.done $0x0  }
0x19d: {  	[sflag:s14] =	ssyncadd.s32 $0xFFFFD800  }
0x19e: {  	[spmem:s3] =	stream.indirect.scatter.add.f32 [tilespmem:s10], [sflag:$0x4], $0x1, s7, s16, $0xb8;
	[tilespmem:$0x18FF8] =	vst v63  }
0x19f: {  	_ = 	snop  }
0x1a0: {  	[spmem:s1] =	stream.indirect.scatter.add.f32 [tilespmem:s8], [sflag:$0x5], $0x80, s7, s16, $0xb8;
	[tilespmem:$0x18FF8] =	vst v63  }
0x1a1: {  	_ =	swait.ge [sflag:s0], $0x2800  }
0x1a2: {  	[sflag:s0] =	ssyncset.done $0x0  }
0x1a3: {  	[sflag:s0] =	ssyncadd.s32 $0xFFFFD800  }
0x1a4: {  	s25 =	simm.s32 $0xFFFFFB50;
	_ =	swait.ge [sflag:s21], $0x50  }
0x1a5: {  	s26 =	sadd.s32 $0xFFFFFB3C, s18;
	s24 =	simm.s32 $0xFFFFFB3C;
	[sflag:s21] =	ssyncset.done $0x0  }
.LBB2_5:
0x1a6: {  	s11 =	sadd.s32 $0x4E2, s26  }
0x1a7: {  	[sflag:s21] =	ssyncadd.s32 $0xFFFFFFB0;
	s22 =	smov.u32 s25;
	s28 =	sadd.s32 $0x14, s25  }
0x1a8: {  	[tilespmem:s2], [sflag:$0x5] =	stream.linear.gather [hbm4b:s11+s4], $0x50, $0x38;
	[tilespmem:$0x18FF8] =	vst v63  }
0x1a9: {  	p2 =	seq.s32 s25, $0xFFFFFFEC;
	_ =	swait.ge [sflag:s0], $0x50  }
0x1aa: {  	s11 =	sadd.s32 s24, s17;
	s24 =	smov.u32 s22;
	[sflag:s0] =	ssyncset.done $0x0  }
0x1ab: {  	s22 =	sadd.s32 $0x4E2, s11;
	[sflag:s0] =	ssyncadd.s32 $0xFFFFFFB0  }
0x1ac: {  	[tilespmem:s7], [sflag:$0x5] =	stream.linear.gather [hbm4b:s22+s4], $0x50, $0x38;
	[tilespmem:$0x18FF8] =	vst v63  }
0x1ad: {  	_ =	swait.ge [sflag:s0], $0x50  }
0x1ae: {  	[sflag:s0] =	ssyncset.done $0x0  }
0x1af: {  	[sflag:s0] =	ssyncadd.s32 $0xFFFFFFB0  }
0x1b0: {  	[tilespmem:s8], [sflag:$0x2] =	stream.indirect.gather [hbm4b:s5+s16], $0x80, s2, s16, $0xb8;
	[tilespmem:$0x18FF8] =	vst v63  }
0x1b1: {  	_ =	swait.ge [sflag:s9], $0x2800  }
0x1b2: {  	[sflag:s9] =	ssyncset.done $0x0  }
0x1b3: {  	[sflag:s9] =	ssyncadd.s32 $0xFFFFD800  }
0x1b4: {  	[spmem:s3] =	stream.indirect.scatter.add.f32 [tilespmem:s10], [sflag:$0x3], $0x1, s15, s16, $0xb8;
	[tilespmem:$0x18FF8] =	vst v63  }
0x1b5: {  	_ = 	snop  }
0x1b6: {  	[spmem:s1] =	stream.indirect.scatter.add.f32 [tilespmem:s31], [sflag:$0x5], $0x80, s15, s16, $0xb8;
	[tilespmem:$0x18FF8] =	vst v63  }
0x1b7: {  	_ =	swait.ge [sflag:s0], $0x2800  }
0x1b8: {  	[sflag:s0] =	ssyncset.done $0x0  }
0x1b9: {  	[sflag:s0] =	ssyncadd.s32 $0xFFFFD800  }
0x1ba: {  	_ =	swait.ge [sflag:s13], $0x50  }
0x1bb: {  	[sflag:s13] =	ssyncset.done $0x0  }
0x1bc: {  	s22 =	sadd.s32 $0x4EC, s26;
	[sflag:s13] =	ssyncadd.s32 $0xFFFFFFB0  }
0x1bd: {  	[tilespmem:s12], [sflag:$0x5] =	stream.linear.gather [hbm4b:s22+s4], $0x50, $0x38;
	[tilespmem:$0x18FF8] =	vst v63  }
0x1be: {  	_ =	swait.ge [sflag:s0], $0x50  }
0x1bf: {  	[sflag:s0] =	ssyncset.done $0x0  }
0x1c0: {  	s11 =	sadd.s32 $0x4EC, s11;
	[sflag:s0] =	ssyncadd.s32 $0xFFFFFFB0  }
0x1c1: {  	[tilespmem:s15], [sflag:$0x5] =	stream.linear.gather [hbm4b:s11+s4], $0x50, $0x38;
	[tilespmem:$0x18FF8] =	vst v63  }
0x1c2: {  	_ =	swait.ge [sflag:s0], $0x50  }
0x1c3: {  	[sflag:s0] =	ssyncset.done $0x0  }
0x1c4: {  	[sflag:s0] =	ssyncadd.s32 $0xFFFFFFB0  }
0x1c5: {  	[tilespmem:s31], [sflag:$0x1] =	stream.indirect.gather [hbm4b:s5+s16], $0x80, s12, s16, $0xb8;
	[tilespmem:$0x18FF8] =	vst v63  }
0x1c6: {  	_ =	swait.ge [sflag:s14], $0x2800  }
0x1c7: {  	[sflag:s14] =	ssyncset.done $0x0  }
0x1c8: {  	[sflag:s14] =	ssyncadd.s32 $0xFFFFD800  }
0x1c9: {  	[spmem:s3] =	stream.indirect.scatter.add.f32 [tilespmem:s10], [sflag:$0x4], $0x1, s7, s16, $0xb8;
	[tilespmem:$0x18FF8] =	vst v63  }
0x1ca: {  	_ = 	snop  }
0x1cb: {  	[spmem:s1] =	stream.indirect.scatter.add.f32 [tilespmem:s8], [sflag:$0x5], $0x80, s7, s16, $0xb8;
	[tilespmem:$0x18FF8] =	vst v63  }
.Ltmp6:
0x1cc: {  	_ =	swait.ge [sflag:s0], $0x2800;
	(pc) =	sbr.rel @!p2 .LBB2_5-.Ltmp6, $4  }
0x1cd: {  	[sflag:s0] =	ssyncset.done $0x0  }
0x1ce: {  	[sflag:s0] =	ssyncadd.s32 $0xFFFFD800  }
0x1cf: {  	_ =	swait.ge [sflag:s21], $0x50  }
0x1d0: {  	s25 =	smov.u32 s28;
	s26 =	sadd.s32 s24, s18;
	[sflag:s21] =	ssyncset.done $0x0  }
.Ltmp7:
0x1d1: {  	_ = 	snop;
	(pc) =	sbr.rel .LBB2_6-.Ltmp7, $1  }
0x1d2: {  	_ =	sdelay $0x3  }
.LBB2_11:
0x1d3: {  	_ =	sfence.sel $0x180000  }
0x1d4: {  	[bflag:$0x0] =	sbarrier.arrive $0xFFFF  }
0x1d5: {  	_ =	strace $0x9000004A  }
0x1d6: {  	s0 =	stileid.u32;
	[bflag:$0x2] =	sbarrier.arrive $0xFFFF  }
0x1d7: {  	p0 =	sne.s32 s0, $0x0;
	s0 =	rddreg [dreg:$0x8]  }
0x1d8: {  	s0 =	sadd.s32 @!p0 $0x100000, s0  }
0x1d9: {  	[sflag:s0] =	ssyncadd.tile.s32 @!p0 $0x1;
	_ =	shalt  }
.Lfunc_end2:
_tile_overlayer_lowered:
.L_overlay_start_2:
0x1da: {  	(tag) =	ssettag $0x2  }
0x1db: {  	s0 =	rddreg [dreg:$0x0];
	s2 =	stileid.u32  }
0x1dc: {  	s1 =	rddreg [dreg:$0x1];
	p0 =	sne.s32 s2, $0x0  }
0x1dd: {  	s3 =	rddreg [dreg:$0x2];
	[bflag:$0x3] =	sbarrier.arrive $0xFFFF;
	s2 =	simm.s32 @!p0 $0x1C05  }
0x1de: {  	[timem:s3], [sflag:s2] =	dma.local @!p0 [hbm:s0], s1  }
0x1df: {  	s0 =	simm.s32 @!p0 $0x5  }
0x1e0: {  	_ =	swait.ge @!p0 [sflag:s0], s1  }
0x1e1: {  	s1 =	ssub.s32 @!p0 $0x0, s1;
	[sflag:s0] =	ssyncset.done @!p0 $0x0  }
0x1e2: {  	[sflag:s0] =	ssyncadd.s32 @!p0 s1  }
0x1e3: {  	[bflag:$0x3] =	sbarrier.arrive $0xFFFF  }
0x1e4: {  	_ =	shalt  }

</sc_bundles>
